<compile_context>
chip_gen: v7x
topology: tpu7x:2x2x1
jax: 0.10.2.dev20260603
libtpu: 0.0.44.dev20260713+nightly
codegen_flags: <defaults>
</compile_context>

<pallas_src>
import jax
import jax.numpy as jnp
from jax import lax
from jax.experimental import pallas as pl
from jax.experimental.pallas import tpu as pltpu
from jax.experimental.pallas import tpu_sc as plsc

NC = 2
NS = 16
LN = 16
CHUNK = 128
NPAD = 10240
RB = 1000


def _seg_sum_sc(table, src3, dst3, split_feat, with_counts):
    dh = table.shape[1]
    ep = src3.shape[0]
    ept = ep // NS if split_feat else ep // (NC * NS)
    nchunks = ept // CHUNK
    rows_per_tile = NPAD // NS
    nread = rows_per_tile // CHUNK
    nlr = dh // LN

    mesh = plsc.VectorSubcoreMesh(
        core_axis_name="c", subcore_axis_name="s",
        num_cores=NC, num_subcores=NS)

    outs = [jax.ShapeDtypeStruct((NC, NPAD, dh), jnp.float32)]
    if with_counts:
        outs.append(jax.ShapeDtypeStruct((NC, NPAD, LN), jnp.float32))

    scratch = [
        pltpu.VMEM((CHUNK,), jnp.int32),
        pltpu.VMEM((CHUNK,), jnp.int32),
        pltpu.VMEM((CHUNK,), jnp.int32),
        pltpu.VMEM((CHUNK, dh), jnp.float32),
        pltpu.VMEM((CHUNK, LN), jnp.float32),
        pltpu.VMEM_SHARED((NPAD, dh), jnp.float32),
        pltpu.SemaphoreType.DMA,
    ]
    if with_counts:
        scratch.insert(6, pltpu.VMEM_SHARED((NPAD, LN), jnp.float32))

    def body(x_hbm, src_hbm, dst_hbm, *refs):
        if with_counts:
            (sum_hbm, cnt_hbm, src_v, idx_v, dst_v, rows_v, ones_v,
             acc, cacc, sem) = refs
        else:
            (sum_hbm, src_v, idx_v, dst_v, rows_v, ones_v,
             acc, sem) = refs
        c = lax.axis_index("c")
        s = lax.axis_index("s")
        t = s if split_feat else c * NS + s

        zbuf = rows_v

        def zr(r, _):
            for k in range(nlr):
                zbuf[r, pl.ds(k * LN, LN)] = jnp.zeros((LN,), jnp.float32)
            return 0
        lax.fori_loop(0, CHUNK, zr, 0)

        def zo(i, _):
            ones_v[i, pl.ds(0, LN)] = jnp.zeros((LN,), jnp.float32)
            return 0
        lax.fori_loop(0, CHUNK, zo, 0)

        def zs(j, _):
            r0 = s * rows_per_tile + j * CHUNK
            pltpu.sync_copy(zbuf, acc.at[pl.ds(r0, CHUNK)])
            if with_counts:
                pltpu.sync_copy(ones_v, cacc.at[pl.ds(r0, CHUNK)])
            return 0
        lax.fori_loop(0, nread, zs, 0)

        if with_counts:
            def fo(i, _):
                ones_v[i, pl.ds(0, LN)] = jnp.ones((LN,), jnp.float32)
                return 0
            lax.fori_loop(0, CHUNK, fo, 0)

        plsc.subcore_barrier()

        def ch(j, _):
            base = t * ept + j * CHUNK
            pltpu.sync_copy(src_hbm.at[pl.ds(base, CHUNK)], src_v)
            pltpu.sync_copy(dst_hbm.at[pl.ds(base, CHUNK)], dst_v)
            if split_feat:
                for k in range(CHUNK // LN):
                    idx_v[pl.ds(k * LN, LN)] = \
                        src_v[pl.ds(k * LN, LN)] * 2 + c
                gsrc = x_hbm.at[idx_v]
            else:
                gsrc = x_hbm.at[src_v]
            pltpu.async_copy(gsrc, rows_v, sem).wait()
            pltpu.sync_copy(rows_v, acc.at[dst_v], add=True)
            if with_counts:
                pltpu.sync_copy(ones_v, cacc.at[dst_v], add=True)
            return 0
        lax.fori_loop(0, nchunks, ch, 0)

        plsc.subcore_barrier()

        def rd(j, _):
            r0 = s * rows_per_tile + j * CHUNK
            pltpu.sync_copy(acc.at[pl.ds(r0, CHUNK)], zbuf)
            pltpu.sync_copy(zbuf, sum_hbm.at[c, pl.ds(r0, CHUNK)])
            if with_counts:
                pltpu.sync_copy(cacc.at[pl.ds(r0, CHUNK)], ones_v)
                pltpu.sync_copy(ones_v, cnt_hbm.at[c, pl.ds(r0, CHUNK)])
            return 0
        lax.fori_loop(0, nread, rd, 0)

    f = pl.kernel(body, out_type=tuple(outs), mesh=mesh,
                  scratch_types=tuple(scratch),
                  compiler_params=pltpu.CompilerParams(
                      use_tc_tiling_on_sc=False))
    return f(table, src3, dst3)


def _dot_nt(a, b):
    return lax.dot_general(a, b, (((1,), (1,)), ((), ())),
                           preferred_element_type=jnp.float32)


def _mean_block(sums_ref, cnt_ref, split_feat):
    cc = jnp.maximum(cnt_ref[0, :, 0:1] + cnt_ref[1, :, 0:1], 1.0)
    if split_feat:
        summed = jnp.concatenate([sums_ref[0], sums_ref[1]], axis=1)
    else:
        summed = sums_ref[0] + sums_ref[1]
    return summed / cc


def _dense_layer(sums, cnt, x, wl, bl, wr, g, b, n, split_feat):
    nrb = n // RB
    dh = sums.shape[2]
    dout = wl.shape[0]
    din = x.shape[1]

    def body(sums_ref, cnt_ref, x_ref, wl_ref, bl_ref, wr_ref, g_ref, b_ref,
             out_ref, t_s, st_s):
        p = pl.program_id(0)
        i = pl.program_id(1)

        @pl.when(p == 0)
        def _():
            mean = _mean_block(sums_ref, cnt_ref, split_feat)
            t = _dot_nt(mean, wl_ref[...]) + bl_ref[...] + \
                _dot_nt(x_ref[...], wr_ref[...])
            t_s[pl.ds(i * RB, RB), :] = t

            @pl.when(i == 0)
            def _():
                st_s[...] = jnp.zeros((2, dout), jnp.float32)
            st_s[0:1, :] += jnp.sum(t, axis=0, keepdims=True)
            st_s[1:2, :] += jnp.sum(t * t, axis=0, keepdims=True)

        @pl.when(p == 1)
        def _():
            t = t_s[pl.ds(i * RB, RB), :]
            mu = st_s[0:1, :] * (1.0 / n)
            var = st_s[1:2, :] * (1.0 / n) - mu * mu
            y = (t - mu) * lax.rsqrt(var + 1e-5) * g_ref[...] + b_ref[...]
            out_ref[...] = jnp.maximum(y, 0.0)

    return pl.pallas_call(
        body,
        grid=(2, nrb),
        in_specs=[
            pl.BlockSpec((NC, RB, dh), lambda p, i: (0, i, 0)),
            pl.BlockSpec((NC, RB, LN), lambda p, i: (0, i, 0)),
            pl.BlockSpec((RB, din), lambda p, i: (i, 0)),
            pl.BlockSpec((dout, din), lambda p, i: (0, 0)),
            pl.BlockSpec((1, dout), lambda p, i: (0, 0)),
            pl.BlockSpec((dout, din), lambda p, i: (0, 0)),
            pl.BlockSpec((1, dout), lambda p, i: (0, 0)),
            pl.BlockSpec((1, dout), lambda p, i: (0, 0)),
        ],
        out_specs=pl.BlockSpec((RB, dout), lambda p, i: (i, 0)),
        out_shape=jax.ShapeDtypeStruct((n, dout), jnp.float32),
        scratch_shapes=[
            pltpu.VMEM((n, dout), jnp.float32),
            pltpu.VMEM((2, dout), jnp.float32),
        ],
    )(sums, cnt, x, wl, bl, wr, g, b)


def _dense_layer_pool(sums, cnt, x, batch2, wl, bl, wr, g, b, n, ng,
                      split_feat):
    nrb = n // RB
    dh = sums.shape[2]
    dout = wl.shape[0]
    din = x.shape[1]

    def body(sums_ref, cnt_ref, x_ref, batch_ref, wl_ref, bl_ref, wr_ref,
             g_ref, b_ref, out_ref, t_s, st_s, ps_s, pm_s, pc_s):
        p = pl.program_id(0)
        i = pl.program_id(1)

        @pl.when(p == 0)
        def _():
            mean = _mean_block(sums_ref, cnt_ref, split_feat)
            t = _dot_nt(mean, wl_ref[...]) + bl_ref[...] + \
                _dot_nt(x_ref[...], wr_ref[...])
            t_s[pl.ds(i * RB, RB), :] = t

            @pl.when(i == 0)
            def _():
                st_s[...] = jnp.zeros((2, dout), jnp.float32)
            st_s[0:1, :] += jnp.sum(t, axis=0, keepdims=True)
            st_s[1:2, :] += jnp.sum(t * t, axis=0, keepdims=True)

        @pl.when(p == 1)
        def _():
            t = t_s[pl.ds(i * RB, RB), :]
            mu = st_s[0:1, :] * (1.0 / n)
            var = st_s[1:2, :] * (1.0 / n) - mu * mu
            f = jnp.maximum(
                (t - mu) * lax.rsqrt(var + 1e-5) * g_ref[...] + b_ref[...],
                0.0)

            @pl.when(i == 0)
            def _():
                ps_s[...] = jnp.zeros((ng, dout), jnp.float32)
                pm_s[...] = jnp.full((ng, dout), -jnp.inf, jnp.float32)
                pc_s[...] = jnp.zeros((ng, 1), jnp.float32)

            bb = batch_ref[...]
            lo = batch_ref[0, 0]
            hi = batch_ref[RB - 1, 0]

            def gpool(gi, _):
                mk = bb == gi
                fs = jnp.sum(jnp.where(mk, f, 0.0), axis=0, keepdims=True)
                fm = jnp.max(jnp.where(mk, f, -jnp.inf), axis=0,
                             keepdims=True)
                cs = jnp.sum(mk.astype(jnp.float32), axis=0, keepdims=True)
                ps_s[pl.ds(gi, 1), :] += fs
                pm_s[pl.ds(gi, 1), :] = jnp.maximum(pm_s[pl.ds(gi, 1), :], fm)
                pc_s[pl.ds(gi, 1), :] += cs
                return 0
            lax.fori_loop(lo, hi + 1, gpool, 0)

            @pl.when(i == nrb - 1)
            def _():
                cg = jnp.maximum(pc_s[...], 1.0)
                out_ref[...] = jnp.concatenate(
                    [ps_s[...] / cg, pm_s[...]], axis=1)

    return pl.pallas_call(
        body,
        grid=(2, nrb),
        in_specs=[
            pl.BlockSpec((NC, RB, dh), lambda p, i: (0, i, 0)),
            pl.BlockSpec((NC, RB, LN), lambda p, i: (0, i, 0)),
            pl.BlockSpec((RB, din), lambda p, i: (i, 0)),
            pl.BlockSpec((RB, 1), lambda p, i: (i, 0)),
            pl.BlockSpec((dout, din), lambda p, i: (0, 0)),
            pl.BlockSpec((1, dout), lambda p, i: (0, 0)),
            pl.BlockSpec((dout, din), lambda p, i: (0, 0)),
            pl.BlockSpec((1, dout), lambda p, i: (0, 0)),
            pl.BlockSpec((1, dout), lambda p, i: (0, 0)),
        ],
        out_specs=pl.BlockSpec((ng, 2 * dout), lambda p, i: (0, 0)),
        out_shape=jax.ShapeDtypeStruct((ng, 2 * dout), jnp.float32),
        scratch_shapes=[
            pltpu.VMEM((n, dout), jnp.float32),
            pltpu.VMEM((2, dout), jnp.float32),
            pltpu.VMEM((ng, dout), jnp.float32),
            pltpu.VMEM((ng, dout), jnp.float32),
            pltpu.VMEM((ng, 1), jnp.float32),
        ],
    )(sums, cnt, x, batch2, wl, bl, wr, g, b)


def _head(f0, f1, le0, le1, wf, bf, wc1, bc1, wc2, bc2):
    ng, dg = f0.shape
    nl = le0.shape[1]

    def body(f0_ref, f1_ref, le0_ref, le1_ref, wf_ref, bf_ref, wc1_ref,
             bc1_ref, wc2_ref, bc2_ref, out_ref):
        cat0 = jnp.concatenate([f0_ref[...], le0_ref[...]], axis=1)
        cat1 = jnp.concatenate([f1_ref[...], le1_ref[...]], axis=1)
        fused0 = _dot_nt(cat0, wf_ref[...]) + bf_ref[...]
        fused1 = _dot_nt(cat1, wf_ref[...]) + bf_ref[...]
        comb = jnp.concatenate(
            [fused0, fused1, jnp.abs(fused0 - fused1), fused0 * fused1],
            axis=1)
        h = jnp.maximum(_dot_nt(comb, wc1_ref[...]) + bc1_ref[...], 0.0)
        z = _dot_nt(h, wc2_ref[...])[:, 0:1] + bc2_ref[0, 0]
        out_ref[...] = 1.0 / (1.0 + jnp.exp(-z))

    return pl.pallas_call(
        body,
        out_shape=jax.ShapeDtypeStruct((ng, 1), jnp.float32),
    )(f0, f1, le0, le1, wf, bf, wc1, bc1, wc2, bc2)


def kernel(x0, edge_index0, batch0, logic0_embed, x1, edge_index1, batch1,
           logic1_embed, Wl1, bl1, Wr1, Wl2, bl2, Wr2, g1, b1, g2, b2,
           Wf, bf, Wc1, bc1, Wc2, bc2):
    n, din = x0.shape
    dh = Wl1.shape[0]
    ng = logic0_embed.shape[0]

    bl1r = bl1.reshape(1, -1)
    g1r = g1.reshape(1, -1)
    b1r = b1.reshape(1, -1)
    bl2r = bl2.reshape(1, -1)
    g2r = g2.reshape(1, -1)
    b2r = b2.reshape(1, -1)
    bfr = bf.reshape(1, -1)
    bc1r = bc1.reshape(1, -1)
    bc2r = bc2.reshape(1, -1)
    wc2r = jnp.tile(Wc2, (8, 1))

    def side(x, ei, batch):
        e = ei.shape[1]
        unit = NC * NS * CHUNK
        ep = -(-e // unit) * unit
        src = ei[0]
        dst = ei[1]
        if ep > e:
            pad = ep - e
            src = jnp.concatenate([src, jnp.zeros((pad,), jnp.int32)])
            dst = jnp.concatenate(
                [dst, jnp.full((pad,), NPAD - 8, jnp.int32)])
        sums1, cnt = _seg_sum_sc(x, src, dst, False, True)
        h1 = _dense_layer(sums1, cnt, x, Wl1, bl1r, Wr1, g1r, b1r, n, False)
        sums2 = _seg_sum_sc(
            h1.reshape(2 * n, dh // 2), src, dst, True, False)[0]
        pooled = _dense_layer_pool(
            sums2, cnt, h1, batch.reshape(n, 1), Wl2, bl2r, Wr2, g2r, b2r,
            n, ng, True)
        return pooled

    f0 = side(x0, edge_index0, batch0)
    f1 = side(x1, edge_index1, batch1)
    prob = _head(f0, f1, logic0_embed, logic1_embed, Wf, bfr, Wc1, bc1r,
                 wc2r, bc2r)
    return prob[:, 0]

# --- scband reference (transcript-rebuilt; emitter-appended) ---
"""Pipeline reference for scband-circuit-rank-net2-81793357185802 (READ-ONLY COPY).

The authoritative reference and input builder live on the scoring server;
editing this copy changes nothing except your own understanding.
"""

import jax, jax.numpy as jnp
import numpy as np

N = 10000
E = 320000
DIN = 128
DH = 256
G = 16
NL = 6


def setup_inputs(seed: int = 0) -> dict:
    key = jax.random.key(seed)
    ks = jax.random.split(key, 30)
    s = 0.05
    inp = {}
    inp['x0'] = jax.random.normal(ks[0], (N, DIN), dtype=jnp.float32)
    inp['edge_index0'] = jax.random.randint(ks[1], (2, E), 0, N, dtype=jnp.int32)
    inp['batch0'] = jnp.sort(jax.random.randint(ks[2], (N,), 0, G, dtype=jnp.int32))
    inp['logic0_embed'] = jax.random.uniform(ks[3], (G, NL), dtype=jnp.float32)
    inp['x1'] = jax.random.normal(ks[4], (N, DIN), dtype=jnp.float32)
    inp['edge_index1'] = jax.random.randint(ks[5], (2, E), 0, N, dtype=jnp.int32)
    inp['batch1'] = jnp.sort(jax.random.randint(ks[6], (N,), 0, G, dtype=jnp.int32))
    inp['logic1_embed'] = jax.random.uniform(ks[7], (G, NL), dtype=jnp.float32)
    # SAGEConv1: lin_l (neighbor aggr, with bias), lin_r (root, no bias)
    inp['Wl1'] = jax.random.normal(ks[8], (DH, DIN), dtype=jnp.float32) * s
    inp['bl1'] = jnp.zeros((DH,), dtype=jnp.float32)
    inp['Wr1'] = jax.random.normal(ks[9], (DH, DIN), dtype=jnp.float32) * s
    # SAGEConv2
    inp['Wl2'] = jax.random.normal(ks[10], (DH, DH), dtype=jnp.float32) * s
    inp['bl2'] = jnp.zeros((DH,), dtype=jnp.float32)
    inp['Wr2'] = jax.random.normal(ks[11], (DH, DH), dtype=jnp.float32) * s
    # BatchNorms
    inp['g1'] = jnp.ones((DH,), dtype=jnp.float32)
    inp['b1'] = jnp.zeros((DH,), dtype=jnp.float32)
    inp['g2'] = jnp.ones((DH,), dtype=jnp.float32)
    inp['b2'] = jnp.zeros((DH,), dtype=jnp.float32)
    # fusion: Linear(2*DH + NL, 2*DH)
    inp['Wf'] = jax.random.normal(ks[12], (2 * DH, 2 * DH + NL), dtype=jnp.float32) * s
    inp['bf'] = jnp.zeros((2 * DH,), dtype=jnp.float32)
    # compare: Linear(8*DH, DH) -> ReLU -> Linear(DH, 1) -> Sigmoid
    inp['Wc1'] = jax.random.normal(ks[13], (DH, 8 * DH), dtype=jnp.float32) * s
    inp['bc1'] = jnp.zeros((DH,), dtype=jnp.float32)
    inp['Wc2'] = jax.random.normal(ks[14], (1, DH), dtype=jnp.float32) * s
    inp['bc2'] = jnp.zeros((1,), dtype=jnp.float32)
    return inp


def _bn(x, g, b):
    mu = jnp.mean(x, axis=0)
    var = jnp.var(x, axis=0)
    return (x - mu) / jnp.sqrt(var + 1e-5) * g + b


def _sage(x, ei, Wl, bl, Wr):
    src = ei[0]
    dst = ei[1]
    msg = x[src]
    n = x.shape[0]
    summed = jax.ops.segment_sum(msg, dst, num_segments=n)
    cnt = jax.ops.segment_sum(jnp.ones((msg.shape[0],), x.dtype), dst, num_segments=n)
    mean = summed / jnp.clip(cnt, 1.0)[:, None]
    return mean @ Wl.T + bl + x @ Wr.T


def reference(x0, edge_index0, batch0, logic0_embed, x1, edge_index1, batch1, logic1_embed, Wl1, bl1, Wr1, Wl2, bl2, Wr2, g1, b1, g2, b2, Wf, bf, Wc1, bc1, Wc2, bc2):
    def gemb(x, ei, batch):
        f = _sage(x, ei, Wl1, bl1, Wr1)
        f = _bn(f, g1, b1)
        f = jax.nn.relu(f)
        f = _sage(f, ei, Wl2, bl2, Wr2)
        f = _bn(f, g2, b2)
        f = jax.nn.relu(f)
        s = jax.ops.segment_sum(f, batch, num_segments=G)
        c = jax.ops.segment_sum(jnp.ones((f.shape[0],), f.dtype), batch, num_segments=G)
        fmean = s / jnp.clip(c, 1.0)[:, None]
        fmax = jax.ops.segment_max(f, batch, num_segments=G)
        return jnp.concatenate([fmean, fmax], axis=1)

    f0 = gemb(x0, edge_index0, batch0)
    f1 = gemb(x1, edge_index1, batch1)
    fused0 = jnp.concatenate([f0, logic0_embed], axis=1) @ Wf.T + bf
    fused1 = jnp.concatenate([f1, logic1_embed], axis=1) @ Wf.T + bf
    comb = jnp.concatenate([fused0, fused1, jnp.abs(fused0 - fused1), fused0 * fused1], axis=1)
    h = jax.nn.relu(comb @ Wc1.T + bc1)
    prob = jax.nn.sigmoid(h @ Wc2.T + bc2)
    return prob.squeeze(-1)

if __name__ == "__main__":
    import jax
    _d = setup_inputs()
    print(jax.jit(kernel)(*tuple(_d.values())))

</pallas_src>

<mosaic_0001>
#map = affine_map<(d0, d1) -> (0, 0)>
#map1 = affine_map<(d0, d1) -> (0)>
#map2 = affine_map<(d0, d1) -> (0, 0, 0)>
module attributes {stable_mosaic.version = 14 : i64} {
  func.func @body(%arg0: i32, %arg1: i32, %arg2: memref<10000x128xf32, #tpu.memory_space<hbm>>, %arg3: memref<323584xi32, #tpu.memory_space<hbm>>, %arg4: memref<323584xi32, #tpu.memory_space<hbm>>, %arg5: memref<2x10240x128xf32, #tpu.memory_space<hbm>>, %arg6: memref<2x10240x16xf32, #tpu.memory_space<hbm>>, %arg7: memref<128xi32, #tpu.memory_space<vmem>>, %arg8: memref<128xi32, #tpu.memory_space<vmem>>, %arg9: memref<128xi32, #tpu.memory_space<vmem>>, %arg10: memref<128x128xf32, #tpu.memory_space<vmem>>, %arg11: memref<128x16xf32, #tpu.memory_space<vmem>>, %arg12: memref<10240x128xf32, #tpu.memory_space<vmem_shared>>, %arg13: memref<10240x16xf32, #tpu.memory_space<vmem_shared>>, %arg14: memref<!tpu.dma_semaphore, #tpu.memory_space<semaphore_mem>>) attributes {dimension_semantics = [#tpu.dimension_semantics<core_parallel>, #tpu.dimension_semantics<subcore_parallel>], iteration_bounds = array<i64: 2, 16>, scalar_prefetch = 0 : i64, scratch_operands = 8 : i64, tpu.core_type = #tpu.core_type<sc_vector_subcore>, window_params = [{transform_indices = #map}, {transform_indices = #map1}, {transform_indices = #map1}, {transform_indices = #map2}, {transform_indices = #map2}]} {
    %mul3A = arith.constant 16 : i32
    %mul3A_0 = arith.muli %arg0, %mul3A : i32
    %add3A = arith.addi %mul3A_0, %arg1 : i32
    %scan3A = arith.constant 0 : i32
    %scan3A_1 = arith.constant 0 : i32
    %scan3A_2 = arith.constant 128 : i32
    %scan3A_3 = arith.addi %scan3A_1, %scan3A_2 : i32
    %scan3A_4 = arith.constant 1 : i32
    %scan3A_5 = scf.for %scan3A_43 = %scan3A_1 to %scan3A_3 step %scan3A_4 iter_args(%scan3A_44 = %scan3A) -> (i32)  : i32 {
      %broadcast_in_dim3A = arith.constant 0.000000e+00 : f32
      %broadcast_in_dim3A_45 = vector.broadcast %broadcast_in_dim3A : f32 to vector<16xf32>
      %swap3A = arith.index_cast %scan3A_43 : i32 to index
      %swap3A_46 = arith.constant 0 : index
      %swap3A_47 = tpu.vector_load %arg10[%swap3A, %swap3A_46] {strides = array<i32>} : memref<128x128xf32, #tpu.memory_space<vmem>>, vector<1x16xf32>,
      %swap3A_48 = vector.shape_cast %swap3A_47 : vector<1x16xf32> to vector<16xf32>
      %swap3A_49 = vector.shape_cast %broadcast_in_dim3A_45 : vector<16xf32> to vector<1x16xf32>
      tpu.vector_store %arg10[%swap3A, %swap3A_46], %swap3A_49 {strides = array<i32>} : memref<128x128xf32, #tpu.memory_space<vmem>>, vector<1x16xf32>,
      %broadcast_in_dim3A_50 = arith.constant 0.000000e+00 : f32
      %broadcast_in_dim3A_51 = vector.broadcast %broadcast_in_dim3A_50 : f32 to vector<16xf32>
      %swap3A_52 = arith.index_cast %scan3A_43 : i32 to index
      %swap3A_53 = arith.constant 16 : index
      %swap3A_54 = tpu.vector_load %arg10[%swap3A_52, %swap3A_53] {strides = array<i32>} : memref<128x128xf32, #tpu.memory_space<vmem>>, vector<1x16xf32>,
      %swap3A_55 = vector.shape_cast %swap3A_54 : vector<1x16xf32> to vector<16xf32>
      %swap3A_56 = vector.shape_cast %broadcast_in_dim3A_51 : vector<16xf32> to vector<1x16xf32>
      tpu.vector_store %arg10[%swap3A_52, %swap3A_53], %swap3A_56 {strides = array<i32>} : memref<128x128xf32, #tpu.memory_space<vmem>>, vector<1x16xf32>,
      %broadcast_in_dim3A_57 = arith.constant 0.000000e+00 : f32
      %broadcast_in_dim3A_58 = vector.broadcast %broadcast_in_dim3A_57 : f32 to vector<16xf32>
      %swap3A_59 = arith.index_cast %scan3A_43 : i32 to index
      %swap3A_60 = arith.constant 32 : index
      %swap3A_61 = tpu.vector_load %arg10[%swap3A_59, %swap3A_60] {strides = array<i32>} : memref<128x128xf32, #tpu.memory_space<vmem>>, vector<1x16xf32>,
      %swap3A_62 = vector.shape_cast %swap3A_61 : vector<1x16xf32> to vector<16xf32>
      %swap3A_63 = vector.shape_cast %broadcast_in_dim3A_58 : vector<16xf32> to vector<1x16xf32>
      tpu.vector_store %arg10[%swap3A_59, %swap3A_60], %swap3A_63 {strides = array<i32>} : memref<128x128xf32, #tpu.memory_space<vmem>>, vector<1x16xf32>,
      %broadcast_in_dim3A_64 = arith.constant 0.000000e+00 : f32
      %broadcast_in_dim3A_65 = vector.broadcast %broadcast_in_dim3A_64 : f32 to vector<16xf32>
      %swap3A_66 = arith.index_cast %scan3A_43 : i32 to index
      %swap3A_67 = arith.constant 48 : index
      %swap3A_68 = tpu.vector_load %arg10[%swap3A_66, %swap3A_67] {strides = array<i32>} : memref<128x128xf32, #tpu.memory_space<vmem>>, vector<1x16xf32>,
      %swap3A_69 = vector.shape_cast %swap3A_68 : vector<1x16xf32> to vector<16xf32>
      %swap3A_70 = vector.shape_cast %broadcast_in_dim3A_65 : vector<16xf32> to vector<1x16xf32>
      tpu.vector_store %arg10[%swap3A_66, %swap3A_67], %swap3A_70 {strides = array<i32>} : memref<128x128xf32, #tpu.memory_space<vmem>>, vector<1x16xf32>,
      %broadcast_in_dim3A_71 = arith.constant 0.000000e+00 : f32
      %broadcast_in_dim3A_72 = vector.broadcast %broadcast_in_dim3A_71 : f32 to vector<16xf32>
      %swap3A_73 = arith.index_cast %scan3A_43 : i32 to index
      %swap3A_74 = arith.constant 64 : index
      %swap3A_75 = tpu.vector_load %arg10[%swap3A_73, %swap3A_74] {strides = array<i32>} : memref<128x128xf32, #tpu.memory_space<vmem>>, vector<1x16xf32>,
      %swap3A_76 = vector.shape_cast %swap3A_75 : vector<1x16xf32> to vector<16xf32>
      %swap3A_77 = vector.shape_cast %broadcast_in_dim3A_72 : vector<16xf32> to vector<1x16xf32>
      tpu.vector_store %arg10[%swap3A_73, %swap3A_74], %swap3A_77 {strides = array<i32>} : memref<128x128xf32, #tpu.memory_space<vmem>>, vector<1x16xf32>,
      %broadcast_in_dim3A_78 = arith.constant 0.000000e+00 : f32
      %broadcast_in_dim3A_79 = vector.broadcast %broadcast_in_dim3A_78 : f32 to vector<16xf32>
      %swap3A_80 = arith.index_cast %scan3A_43 : i32 to index
      %swap3A_81 = arith.constant 80 : index
      %swap3A_82 = tpu.vector_load %arg10[%swap3A_80, %swap3A_81] {strides = array<i32>} : memref<128x128xf32, #tpu.memory_space<vmem>>, vector<1x16xf32>,
      %swap3A_83 = vector.shape_cast %swap3A_82 : vector<1x16xf32> to vector<16xf32>
      %swap3A_84 = vector.shape_cast %broadcast_in_dim3A_79 : vector<16xf32> to vector<1x16xf32>
      tpu.vector_store %arg10[%swap3A_80, %swap3A_81], %swap3A_84 {strides = array<i32>} : memref<128x128xf32, #tpu.memory_space<vmem>>, vector<1x16xf32>,
      %broadcast_in_dim3A_85 = arith.constant 0.000000e+00 : f32
      %broadcast_in_dim3A_86 = vector.broadcast %broadcast_in_dim3A_85 : f32 to vector<16xf32>
      %swap3A_87 = arith.index_cast %scan3A_43 : i32 to index
      %swap3A_88 = arith.constant 96 : index
      %swap3A_89 = tpu.vector_load %arg10[%swap3A_87, %swap3A_88] {strides = array<i32>} : memref<128x128xf32, #tpu.memory_space<vmem>>, vector<1x16xf32>,
      %swap3A_90 = vector.shape_cast %swap3A_89 : vector<1x16xf32> to vector<16xf32>
      %swap3A_91 = vector.shape_cast %broadcast_in_dim3A_86 : vector<16xf32> to vector<1x16xf32>
      tpu.vector_store %arg10[%swap3A_87, %swap3A_88], %swap3A_91 {strides = array<i32>} : memref<128x128xf32, #tpu.memory_space<vmem>>, vector<1x16xf32>,
      %broadcast_in_dim3A_92 = arith.constant 0.000000e+00 : f32
      %broadcast_in_dim3A_93 = vector.broadcast %broadcast_in_dim3A_92 : f32 to vector<16xf32>
      %swap3A_94 = arith.index_cast %scan3A_43 : i32 to index
      %swap3A_95 = arith.constant 112 : index
      %swap3A_96 = tpu.vector_load %arg10[%swap3A_94, %swap3A_95] {strides = array<i32>} : memref<128x128xf32, #tpu.memory_space<vmem>>, vector<1x16xf32>,
      %swap3A_97 = vector.shape_cast %swap3A_96 : vector<1x16xf32> to vector<16xf32>
      %swap3A_98 = vector.shape_cast %broadcast_in_dim3A_93 : vector<16xf32> to vector<1x16xf32>
      tpu.vector_store %arg10[%swap3A_94, %swap3A_95], %swap3A_98 {strides = array<i32>} : memref<128x128xf32, #tpu.memory_space<vmem>>, vector<1x16xf32>,
      %scan3A_99 = arith.constant 0 : i32
      scf.yield %scan3A_99 : i32
    }
    %scan3A_6 = arith.constant 128 : i32
    %scan3A_7 = arith.constant 0 : i32
    %scan3A_8 = arith.constant 0 : i32
    %scan3A_9 = arith.constant 128 : i32
    %scan3A_10 = arith.addi %scan3A_8, %scan3A_9 : i32
    %scan3A_11 = arith.constant 1 : i32
    %scan3A_12 = scf.for %scan3A_43 = %scan3A_8 to %scan3A_10 step %scan3A_11 iter_args(%scan3A_44 = %scan3A_7) -> (i32)  : i32 {
      %broadcast_in_dim3A = arith.constant 0.000000e+00 : f32
      %broadcast_in_dim3A_45 = vector.broadcast %broadcast_in_dim3A : f32 to vector<16xf32>
      %swap3A = arith.index_cast %scan3A_43 : i32 to index
      %swap3A_46 = arith.constant 0 : index
      %swap3A_47 = tpu.vector_load %arg11[%swap3A, %swap3A_46] {strides = array<i32>} : memref<128x16xf32, #tpu.memory_space<vmem>>, vector<1x16xf32>,
      %swap3A_48 = vector.shape_cast %swap3A_47 : vector<1x16xf32> to vector<16xf32>
      %swap3A_49 = vector.shape_cast %broadcast_in_dim3A_45 : vector<16xf32> to vector<1x16xf32>
      tpu.vector_store %arg11[%swap3A, %swap3A_46], %swap3A_49 {strides = array<i32>} : memref<128x16xf32, #tpu.memory_space<vmem>>, vector<1x16xf32>,
      %scan3A_50 = arith.constant 0 : i32
      scf.yield %scan3A_50 : i32
    }
    %scan3A_13 = arith.constant 128 : i32
    %scan3A_14 = arith.constant 0 : i32
    %scan3A_15 = arith.constant 0 : i32
    %scan3A_16 = arith.constant 5 : i32
    %scan3A_17 = arith.addi %scan3A_15, %scan3A_16 : i32
    %scan3A_18 = arith.constant 1 : i32
    %scan3A_19 = scf.for %scan3A_43 = %scan3A_15 to %scan3A_17 step %scan3A_18 iter_args(%scan3A_44 = %scan3A_14) -> (i32)  : i32 {
      %mul3A_45 = arith.constant 640 : i32
      %mul3A_46 = arith.muli %arg1, %mul3A_45 : i32
      %mul3A_47 = arith.constant 128 : i32
      %mul3A_48 = arith.muli %scan3A_43, %mul3A_47 : i32
      %add3A_49 = arith.addi %mul3A_46, %mul3A_48 : i32
      "tpu.region"() ({
        %run_scoped3A = tpu.sem_alloc : memref<!tpu.dma_semaphore, #tpu.memory_space<semaphore_mem>>
        %dma_start3A = arith.constant 0 : i32
        %dma_start3A_51 = tpu.memref_slice %arg12[%add3A_49, %dma_start3A] : memref<10240x128xf32, #tpu.memory_space<vmem_shared>> -> memref<128x128xf32, #tpu.memory_space<vmem_shared>>
        %dma_start3A_52 = arith.constant 0 : i32
        %dma_start3A_53 = tpu.memref_slice %arg12[%add3A_49, %dma_start3A_52] : memref<10240x128xf32, #tpu.memory_space<vmem_shared>> -> memref<128x128xf32, #tpu.memory_space<vmem_shared>>
        tpu.enqueue_dma source(%arg10 : memref<128x128xf32, #tpu.memory_space<vmem>>) target(%dma_start3A_53 : memref<128x128xf32, #tpu.memory_space<vmem_shared>>) target_semaphore(%run_scoped3A : memref<!tpu.dma_semaphore, #tpu.memory_space<semaphore_mem>>)
        %dma_wait3A = arith.constant 0 : i32
        %dma_wait3A_54 = tpu.memref_slice %arg12[%add3A_49, %dma_wait3A] : memref<10240x128xf32, #tpu.memory_space<vmem_shared>> -> memref<128x128xf32, #tpu.memory_space<vmem_shared>>
        %dma_wait3A_55 = arith.constant 0 : i32
        %dma_wait3A_56 = tpu.memref_slice %arg12[%add3A_49, %dma_wait3A_55] : memref<10240x128xf32, #tpu.memory_space<vmem_shared>> -> memref<128x128xf32, #tpu.memory_space<vmem_shared>>
        tpu.wait_dma2 semaphore(%run_scoped3A : memref<!tpu.dma_semaphore, #tpu.memory_space<semaphore_mem>>) src(%arg10 : memref<128x128xf32, #tpu.memory_space<vmem>>) dst(%dma_wait3A_56 : memref<128x128xf32, #tpu.memory_space<vmem_shared>>)
        tpu.yield
      }) : () -> ()
      "tpu.region"() ({
        %run_scoped3A = tpu.sem_alloc : memref<!tpu.dma_semaphore, #tpu.memory_space<semaphore_mem>>
        %dma_start3A = arith.constant 0 : i32
        %dma_start3A_51 = tpu.memref_slice %arg13[%add3A_49, %dma_start3A] : memref<10240x16xf32, #tpu.memory_space<vmem_shared>> -> memref<128x16xf32, #tpu.memory_space<vmem_shared>>
        %dma_start3A_52 = arith.constant 0 : i32
        %dma_start3A_53 = tpu.memref_slice %arg13[%add3A_49, %dma_start3A_52] : memref<10240x16xf32, #tpu.memory_space<vmem_shared>> -> memref<128x16xf32, #tpu.memory_space<vmem_shared>>
        tpu.enqueue_dma source(%arg11 : memref<128x16xf32, #tpu.memory_space<vmem>>) target(%dma_start3A_53 : memref<128x16xf32, #tpu.memory_space<vmem_shared>>) target_semaphore(%run_scoped3A : memref<!tpu.dma_semaphore, #tpu.memory_space<semaphore_mem>>)
        %dma_wait3A = arith.constant 0 : i32
        %dma_wait3A_54 = tpu.memref_slice %arg13[%add3A_49, %dma_wait3A] : memref<10240x16xf32, #tpu.memory_space<vmem_shared>> -> memref<128x16xf32, #tpu.memory_space<vmem_shared>>
        %dma_wait3A_55 = arith.constant 0 : i32
        %dma_wait3A_56 = tpu.memref_slice %arg13[%add3A_49, %dma_wait3A_55] : memref<10240x16xf32, #tpu.memory_space<vmem_shared>> -> memref<128x16xf32, #tpu.memory_space<vmem_shared>>
        tpu.wait_dma2 semaphore(%run_scoped3A : memref<!tpu.dma_semaphore, #tpu.memory_space<semaphore_mem>>) src(%arg11 : memref<128x16xf32, #tpu.memory_space<vmem>>) dst(%dma_wait3A_56 : memref<128x16xf32, #tpu.memory_space<vmem_shared>>)
        tpu.yield
      }) : () -> ()
      %scan3A_50 = arith.constant 0 : i32
      scf.yield %scan3A_50 : i32
    }
    %scan3A_20 = arith.constant 5 : i32
    %scan3A_21 = arith.constant 0 : i32
    %scan3A_22 = arith.constant 0 : i32
    %scan3A_23 = arith.constant 128 : i32
    %scan3A_24 = arith.addi %scan3A_22, %scan3A_23 : i32
    %scan3A_25 = arith.constant 1 : i32
    %scan3A_26 = scf.for %scan3A_43 = %scan3A_22 to %scan3A_24 step %scan3A_25 iter_args(%scan3A_44 = %scan3A_21) -> (i32)  : i32 {
      %broadcast_in_dim3A = arith.constant 1.000000e+00 : f32
      %broadcast_in_dim3A_45 = vector.broadcast %broadcast_in_dim3A : f32 to vector<16xf32>
      %swap3A = arith.index_cast %scan3A_43 : i32 to index
      %swap3A_46 = arith.constant 0 : index
      %swap3A_47 = tpu.vector_load %arg11[%swap3A, %swap3A_46] {strides = array<i32>} : memref<128x16xf32, #tpu.memory_space<vmem>>, vector<1x16xf32>,
      %swap3A_48 = vector.shape_cast %swap3A_47 : vector<1x16xf32> to vector<16xf32>
      %swap3A_49 = vector.shape_cast %broadcast_in_dim3A_45 : vector<16xf32> to vector<1x16xf32>
      tpu.vector_store %arg11[%swap3A, %swap3A_46], %swap3A_49 {strides = array<i32>} : memref<128x16xf32, #tpu.memory_space<vmem>>, vector<1x16xf32>,
      %scan3A_50 = arith.constant 0 : i32
      scf.yield %scan3A_50 : i32
    }
    %scan3A_27 = arith.constant 128 : i32
    %barrier3A = arith.constant 0 : index
    tpu.barrier barrier_id(%barrier3A)
    %scan3A_28 = arith.constant 0 : i32
    %scan3A_29 = arith.constant 0 : i32
    %scan3A_30 = arith.constant 79 : i32
    %scan3A_31 = arith.addi %scan3A_29, %scan3A_30 : i32
    %scan3A_32 = arith.constant 1 : i32
    %scan3A_33 = scf.for %scan3A_43 = %scan3A_29 to %scan3A_31 step %scan3A_32 iter_args(%scan3A_44 = %scan3A_28) -> (i32)  : i32 {
      %mul3A_45 = arith.constant 10112 : i32
      %mul3A_46 = arith.muli %add3A, %mul3A_45 : i32
      %mul3A_47 = arith.constant 128 : i32
      %mul3A_48 = arith.muli %scan3A_43, %mul3A_47 : i32
      %add3A_49 = arith.addi %mul3A_46, %mul3A_48 : i32
      "tpu.region"() ({
        %run_scoped3A = tpu.sem_alloc : memref<!tpu.dma_semaphore, #tpu.memory_space<semaphore_mem>>
        %dma_start3A_55 = tpu.memref_slice %arg3[%add3A_49] : memref<323584xi32, #tpu.memory_space<hbm>> -> memref<128xi32, #tpu.memory_space<hbm>>
        %dma_start3A_56 = tpu.memref_slice %arg3[%add3A_49] : memref<323584xi32, #tpu.memory_space<hbm>> -> memref<128xi32, #tpu.memory_space<hbm>>
        tpu.enqueue_dma source(%dma_start3A_56 : memref<128xi32, #tpu.memory_space<hbm>>) target(%arg7 : memref<128xi32, #tpu.memory_space<vmem>>) target_semaphore(%run_scoped3A : memref<!tpu.dma_semaphore, #tpu.memory_space<semaphore_mem>>)
        %dma_wait3A_57 = tpu.memref_slice %arg3[%add3A_49] : memref<323584xi32, #tpu.memory_space<hbm>> -> memref<128xi32, #tpu.memory_space<hbm>>
        %dma_wait3A_58 = tpu.memref_slice %arg3[%add3A_49] : memref<323584xi32, #tpu.memory_space<hbm>> -> memref<128xi32, #tpu.memory_space<hbm>>
        tpu.wait_dma2 semaphore(%run_scoped3A : memref<!tpu.dma_semaphore, #tpu.memory_space<semaphore_mem>>) src(%dma_wait3A_58 : memref<128xi32, #tpu.memory_space<hbm>>) dst(%arg7 : memref<128xi32, #tpu.memory_space<vmem>>)
        tpu.yield
      }) : () -> ()
      "tpu.region"() ({
        %run_scoped3A = tpu.sem_alloc : memref<!tpu.dma_semaphore, #tpu.memory_space<semaphore_mem>>
        %dma_start3A_55 = tpu.memref_slice %arg4[%add3A_49] : memref<323584xi32, #tpu.memory_space<hbm>> -> memref<128xi32, #tpu.memory_space<hbm>>
        %dma_start3A_56 = tpu.memref_slice %arg4[%add3A_49] : memref<323584xi32, #tpu.memory_space<hbm>> -> memref<128xi32, #tpu.memory_space<hbm>>
        tpu.enqueue_dma source(%dma_start3A_56 : memref<128xi32, #tpu.memory_space<hbm>>) target(%arg9 : memref<128xi32, #tpu.memory_space<vmem>>) target_semaphore(%run_scoped3A : memref<!tpu.dma_semaphore, #tpu.memory_space<semaphore_mem>>)
        %dma_wait3A_57 = tpu.memref_slice %arg4[%add3A_49] : memref<323584xi32, #tpu.memory_space<hbm>> -> memref<128xi32, #tpu.memory_space<hbm>>
        %dma_wait3A_58 = tpu.memref_slice %arg4[%add3A_49] : memref<323584xi32, #tpu.memory_space<hbm>> -> memref<128xi32, #tpu.memory_space<hbm>>
        tpu.wait_dma2 semaphore(%run_scoped3A : memref<!tpu.dma_semaphore, #tpu.memory_space<semaphore_mem>>) src(%dma_wait3A_58 : memref<128xi32, #tpu.memory_space<hbm>>) dst(%arg9 : memref<128xi32, #tpu.memory_space<vmem>>)
        tpu.yield
      }) : () -> ()
      %dma_start3A = arith.constant 0 : i32
      %dma_start3A_50 = arith.constant 0 : i32
      %dma_start3A_51 = tpu.memref_slice %arg2[%dma_start3A, %dma_start3A_50] : memref<10000x128xf32, #tpu.memory_space<hbm>> -> memref<10000x128xf32, #tpu.memory_space<hbm>>
      tpu.enqueue_indirect_dma source(%dma_start3A_51 : memref<10000x128xf32, #tpu.memory_space<hbm>>) target(%arg10 : memref<128x128xf32, #tpu.memory_space<vmem>>) offsets(%arg7 : memref<128xi32, #tpu.memory_space<vmem>>) semaphore(%arg14 : memref<!tpu.dma_semaphore, #tpu.memory_space<semaphore_mem>>)
      %dma_wait3A = arith.constant 0 : i32
      %dma_wait3A_52 = arith.constant 0 : i32
      %dma_wait3A_53 = tpu.memref_slice %arg2[%dma_wait3A, %dma_wait3A_52] : memref<10000x128xf32, #tpu.memory_space<hbm>> -> memref<10000x128xf32, #tpu.memory_space<hbm>>
      tpu.wait_indirect_dma semaphore(%arg14 : memref<!tpu.dma_semaphore, #tpu.memory_space<semaphore_mem>>) src(%dma_wait3A_53 : memref<10000x128xf32, #tpu.memory_space<hbm>>) dst(%arg10 : memref<128x128xf32, #tpu.memory_space<vmem>>)
      "tpu.region"() ({
        %run_scoped3A = tpu.sem_alloc : memref<!tpu.dma_semaphore, #tpu.memory_space<semaphore_mem>>
        %dma_start3A_55 = arith.constant 0 : i32
        %dma_start3A_56 = arith.constant 0 : i32
        %dma_start3A_57 = tpu.memref_slice %arg12[%dma_start3A_55, %dma_start3A_56] : memref<10240x128xf32, #tpu.memory_space<vmem_shared>> -> memref<10240x128xf32, #tpu.memory_space<vmem_shared>>
        tpu.enqueue_indirect_dma source(%arg10 : memref<128x128xf32, #tpu.memory_space<vmem>>) target(%dma_start3A_57 : memref<10240x128xf32, #tpu.memory_space<vmem_shared>>) offsets(%arg9 : memref<128xi32, #tpu.memory_space<vmem>>) semaphore(%run_scoped3A : memref<!tpu.dma_semaphore, #tpu.memory_space<semaphore_mem>>) {add = true}
        %dma_wait3A_58 = arith.constant 0 : i32
        %dma_wait3A_59 = arith.constant 0 : i32
        %dma_wait3A_60 = tpu.memref_slice %arg12[%dma_wait3A_58, %dma_wait3A_59] : memref<10240x128xf32, #tpu.memory_space<vmem_shared>> -> memref<10240x128xf32, #tpu.memory_space<vmem_shared>>
        tpu.wait_indirect_dma semaphore(%run_scoped3A : memref<!tpu.dma_semaphore, #tpu.memory_space<semaphore_mem>>) src(%arg10 : memref<128x128xf32, #tpu.memory_space<vmem>>) dst(%dma_wait3A_60 : memref<10240x128xf32, #tpu.memory_space<vmem_shared>>)
        tpu.yield
      }) : () -> ()
      "tpu.region"() ({
        %run_scoped3A = tpu.sem_alloc : memref<!tpu.dma_semaphore, #tpu.memory_space<semaphore_mem>>
        %dma_start3A_55 = arith.constant 0 : i32
        %dma_start3A_56 = arith.constant 0 : i32
        %dma_start3A_57 = tpu.memref_slice %arg13[%dma_start3A_55, %dma_start3A_56] : memref<10240x16xf32, #tpu.memory_space<vmem_shared>> -> memref<10240x16xf32, #tpu.memory_space<vmem_shared>>
        tpu.enqueue_indirect_dma source(%arg11 : memref<128x16xf32, #tpu.memory_space<vmem>>) target(%dma_start3A_57 : memref<10240x16xf32, #tpu.memory_space<vmem_shared>>) offsets(%arg9 : memref<128xi32, #tpu.memory_space<vmem>>) semaphore(%run_scoped3A : memref<!tpu.dma_semaphore, #tpu.memory_space<semaphore_mem>>) {add = true}
        %dma_wait3A_58 = arith.constant 0 : i32
        %dma_wait3A_59 = arith.constant 0 : i32
        %dma_wait3A_60 = tpu.memref_slice %arg13[%dma_wait3A_58, %dma_wait3A_59] : memref<10240x16xf32, #tpu.memory_space<vmem_shared>> -> memref<10240x16xf32, #tpu.memory_space<vmem_shared>>
        tpu.wait_indirect_dma semaphore(%run_scoped3A : memref<!tpu.dma_semaphore, #tpu.memory_space<semaphore_mem>>) src(%arg11 : memref<128x16xf32, #tpu.memory_space<vmem>>) dst(%dma_wait3A_60 : memref<10240x16xf32, #tpu.memory_space<vmem_shared>>)
        tpu.yield
      }) : () -> ()
      %scan3A_54 = arith.constant 0 : i32
      scf.yield %scan3A_54 : i32
    }
    %scan3A_34 = arith.constant 79 : i32
    %barrier3A_35 = arith.constant 0 : index
    tpu.barrier barrier_id(%barrier3A_35)
    %scan3A_36 = arith.constant 0 : i32
    %scan3A_37 = arith.constant 0 : i32
    %scan3A_38 = arith.constant 5 : i32
    %scan3A_39 = arith.addi %scan3A_37, %scan3A_38 : i32
    %scan3A_40 = arith.constant 1 : i32
    %scan3A_41 = scf.for %scan3A_43 = %scan3A_37 to %scan3A_39 step %scan3A_40 iter_args(%scan3A_44 = %scan3A_36) -> (i32)  : i32 {
      %mul3A_45 = arith.constant 640 : i32
      %mul3A_46 = arith.muli %arg1, %mul3A_45 : i32
      %mul3A_47 = arith.constant 128 : i32
      %mul3A_48 = arith.muli %scan3A_43, %mul3A_47 : i32
      %add3A_49 = arith.addi %mul3A_46, %mul3A_48 : i32
      "tpu.region"() ({
        %run_scoped3A = tpu.sem_alloc : memref<!tpu.dma_semaphore, #tpu.memory_space<semaphore_mem>>
        %dma_start3A = arith.constant 0 : i32
        %dma_start3A_51 = tpu.memref_slice %arg12[%add3A_49, %dma_start3A] : memref<10240x128xf32, #tpu.memory_space<vmem_shared>> -> memref<128x128xf32, #tpu.memory_space<vmem_shared>>
        %dma_start3A_52 = arith.constant 0 : i32
        %dma_start3A_53 = tpu.memref_slice %arg12[%add3A_49, %dma_start3A_52] : memref<10240x128xf32, #tpu.memory_space<vmem_shared>> -> memref<128x128xf32, #tpu.memory_space<vmem_shared>>
        tpu.enqueue_dma source(%dma_start3A_53 : memref<128x128xf32, #tpu.memory_space<vmem_shared>>) target(%arg10 : memref<128x128xf32, #tpu.memory_space<vmem>>) target_semaphore(%run_scoped3A : memref<!tpu.dma_semaphore, #tpu.memory_space<semaphore_mem>>)
        %dma_wait3A = arith.constant 0 : i32
        %dma_wait3A_54 = tpu.memref_slice %arg12[%add3A_49, %dma_wait3A] : memref<10240x128xf32, #tpu.memory_space<vmem_shared>> -> memref<128x128xf32, #tpu.memory_space<vmem_shared>>
        %dma_wait3A_55 = arith.constant 0 : i32
        %dma_wait3A_56 = tpu.memref_slice %arg12[%add3A_49, %dma_wait3A_55] : memref<10240x128xf32, #tpu.memory_space<vmem_shared>> -> memref<128x128xf32, #tpu.memory_space<vmem_shared>>
        tpu.wait_dma2 semaphore(%run_scoped3A : memref<!tpu.dma_semaphore, #tpu.memory_space<semaphore_mem>>) src(%dma_wait3A_56 : memref<128x128xf32, #tpu.memory_space<vmem_shared>>) dst(%arg10 : memref<128x128xf32, #tpu.memory_space<vmem>>)
        tpu.yield
      }) : () -> ()
      "tpu.region"() ({
        %run_scoped3A = tpu.sem_alloc : memref<!tpu.dma_semaphore, #tpu.memory_space<semaphore_mem>>
        %dma_start3A = arith.constant 0 : i32
        %dma_start3A_51 = tpu.memref_slice %arg5[%arg0, %add3A_49, %dma_start3A] : memref<2x10240x128xf32, #tpu.memory_space<hbm>> -> memref<1x128x128xf32, #tpu.memory_space<hbm>>
        %dma_start3A_52 = tpu.memref_squeeze %dma_start3A_51 : memref<1x128x128xf32, #tpu.memory_space<hbm>> -> memref<128x128xf32, #tpu.memory_space<hbm>>
        %dma_start3A_53 = arith.constant 0 : i32
        %dma_start3A_54 = tpu.memref_slice %arg5[%arg0, %add3A_49, %dma_start3A_53] : memref<2x10240x128xf32, #tpu.memory_space<hbm>> -> memref<1x128x128xf32, #tpu.memory_space<hbm>>
        %dma_start3A_55 = tpu.memref_squeeze %dma_start3A_54 : memref<1x128x128xf32, #tpu.memory_space<hbm>> -> memref<128x128xf32, #tpu.memory_space<hbm>>
        tpu.enqueue_dma source(%arg10 : memref<128x128xf32, #tpu.memory_space<vmem>>) target(%dma_start3A_55 : memref<128x128xf32, #tpu.memory_space<hbm>>) target_semaphore(%run_scoped3A : memref<!tpu.dma_semaphore, #tpu.memory_space<semaphore_mem>>)
        %dma_wait3A = arith.constant 0 : i32
        %dma_wait3A_56 = tpu.memref_slice %arg5[%arg0, %add3A_49, %dma_wait3A] : memref<2x10240x128xf32, #tpu.memory_space<hbm>> -> memref<1x128x128xf32, #tpu.memory_space<hbm>>
        %dma_wait3A_57 = tpu.memref_squeeze %dma_wait3A_56 : memref<1x128x128xf32, #tpu.memory_space<hbm>> -> memref<128x128xf32, #tpu.memory_space<hbm>>
        %dma_wait3A_58 = arith.constant 0 : i32
        %dma_wait3A_59 = tpu.memref_slice %arg5[%arg0, %add3A_49, %dma_wait3A_58] : memref<2x10240x128xf32, #tpu.memory_space<hbm>> -> memref<1x128x128xf32, #tpu.memory_space<hbm>>
        %dma_wait3A_60 = tpu.memref_squeeze %dma_wait3A_59 : memref<1x128x128xf32, #tpu.memory_space<hbm>> -> memref<128x128xf32, #tpu.memory_space<hbm>>
        tpu.wait_dma2 semaphore(%run_scoped3A : memref<!tpu.dma_semaphore, #tpu.memory_space<semaphore_mem>>) src(%arg10 : memref<128x128xf32, #tpu.memory_space<vmem>>) dst(%dma_wait3A_60 : memref<128x128xf32, #tpu.memory_space<hbm>>)
        tpu.yield
      }) : () -> ()
      "tpu.region"() ({
        %run_scoped3A = tpu.sem_alloc : memref<!tpu.dma_semaphore, #tpu.memory_space<semaphore_mem>>
        %dma_start3A = arith.constant 0 : i32
        %dma_start3A_51 = tpu.memref_slice %arg13[%add3A_49, %dma_start3A] : memref<10240x16xf32, #tpu.memory_space<vmem_shared>> -> memref<128x16xf32, #tpu.memory_space<vmem_shared>>
        %dma_start3A_52 = arith.constant 0 : i32
        %dma_start3A_53 = tpu.memref_slice %arg13[%add3A_49, %dma_start3A_52] : memref<10240x16xf32, #tpu.memory_space<vmem_shared>> -> memref<128x16xf32, #tpu.memory_space<vmem_shared>>
        tpu.enqueue_dma source(%dma_start3A_53 : memref<128x16xf32, #tpu.memory_space<vmem_shared>>) target(%arg11 : memref<128x16xf32, #tpu.memory_space<vmem>>) target_semaphore(%run_scoped3A : memref<!tpu.dma_semaphore, #tpu.memory_space<semaphore_mem>>)
        %dma_wait3A = arith.constant 0 : i32
        %dma_wait3A_54 = tpu.memref_slice %arg13[%add3A_49, %dma_wait3A] : memref<10240x16xf32, #tpu.memory_space<vmem_shared>> -> memref<128x16xf32, #tpu.memory_space<vmem_shared>>
        %dma_wait3A_55 = arith.constant 0 : i32
        %dma_wait3A_56 = tpu.memref_slice %arg13[%add3A_49, %dma_wait3A_55] : memref<10240x16xf32, #tpu.memory_space<vmem_shared>> -> memref<128x16xf32, #tpu.memory_space<vmem_shared>>
        tpu.wait_dma2 semaphore(%run_scoped3A : memref<!tpu.dma_semaphore, #tpu.memory_space<semaphore_mem>>) src(%dma_wait3A_56 : memref<128x16xf32, #tpu.memory_space<vmem_shared>>) dst(%arg11 : memref<128x16xf32, #tpu.memory_space<vmem>>)
        tpu.yield
      }) : () -> ()
      "tpu.region"() ({
        %run_scoped3A = tpu.sem_alloc : memref<!tpu.dma_semaphore, #tpu.memory_space<semaphore_mem>>
        %dma_start3A = arith.constant 0 : i32
        %dma_start3A_51 = tpu.memref_slice %arg6[%arg0, %add3A_49, %dma_start3A] : memref<2x10240x16xf32, #tpu.memory_space<hbm>> -> memref<1x128x16xf32, #tpu.memory_space<hbm>>
        %dma_start3A_52 = tpu.memref_squeeze %dma_start3A_51 : memref<1x128x16xf32, #tpu.memory_space<hbm>> -> memref<128x16xf32, #tpu.memory_space<hbm>>
        %dma_start3A_53 = arith.constant 0 : i32
        %dma_start3A_54 = tpu.memref_slice %arg6[%arg0, %add3A_49, %dma_start3A_53] : memref<2x10240x16xf32, #tpu.memory_space<hbm>> -> memref<1x128x16xf32, #tpu.memory_space<hbm>>
        %dma_start3A_55 = tpu.memref_squeeze %dma_start3A_54 : memref<1x128x16xf32, #tpu.memory_space<hbm>> -> memref<128x16xf32, #tpu.memory_space<hbm>>
        tpu.enqueue_dma source(%arg11 : memref<128x16xf32, #tpu.memory_space<vmem>>) target(%dma_start3A_55 : memref<128x16xf32, #tpu.memory_space<hbm>>) target_semaphore(%run_scoped3A : memref<!tpu.dma_semaphore, #tpu.memory_space<semaphore_mem>>)
        %dma_wait3A = arith.constant 0 : i32
        %dma_wait3A_56 = tpu.memref_slice %arg6[%arg0, %add3A_49, %dma_wait3A] : memref<2x10240x16xf32, #tpu.memory_space<hbm>> -> memref<1x128x16xf32, #tpu.memory_space<hbm>>
        %dma_wait3A_57 = tpu.memref_squeeze %dma_wait3A_56 : memref<1x128x16xf32, #tpu.memory_space<hbm>> -> memref<128x16xf32, #tpu.memory_space<hbm>>
        %dma_wait3A_58 = arith.constant 0 : i32
        %dma_wait3A_59 = tpu.memref_slice %arg6[%arg0, %add3A_49, %dma_wait3A_58] : memref<2x10240x16xf32, #tpu.memory_space<hbm>> -> memref<1x128x16xf32, #tpu.memory_space<hbm>>
        %dma_wait3A_60 = tpu.memref_squeeze %dma_wait3A_59 : memref<1x128x16xf32, #tpu.memory_space<hbm>> -> memref<128x16xf32, #tpu.memory_space<hbm>>
        tpu.wait_dma2 semaphore(%run_scoped3A : memref<!tpu.dma_semaphore, #tpu.memory_space<semaphore_mem>>) src(%arg11 : memref<128x16xf32, #tpu.memory_space<vmem>>) dst(%dma_wait3A_60 : memref<128x16xf32, #tpu.memory_space<hbm>>)
        tpu.yield
      }) : () -> ()
      %scan3A_50 = arith.constant 0 : i32
      scf.yield %scan3A_50 : i32
    }
    %scan3A_42 = arith.constant 5 : i32
    return
  }
}

#map = affine_map<(d0, d1) -> (0, 0)>
#map1 = affine_map<(d0, d1) -> (0)>
#map2 = affine_map<(d0, d1) -> (0, 0, 0)>
module attributes {stable_mosaic.version = 14 : i64} {
  func.func @body(%arg0: i32, %arg1: i32, %arg2: memref<20000x128xf32, #tpu.memory_space<hbm>>, %arg3: memref<323584xi32, #tpu.memory_space<hbm>>, %arg4: memref<323584xi32, #tpu.memory_space<hbm>>, %arg5: memref<2x10240x128xf32, #tpu.memory_space<hbm>>, %arg6: memref<128xi32, #tpu.memory_space<vmem>>, %arg7: memref<128xi32, #tpu.memory_space<vmem>>, %arg8: memref<128xi32, #tpu.memory_space<vmem>>, %arg9: memref<128x128xf32, #tpu.memory_space<vmem>>, %arg10: memref<128x16xf32, #tpu.memory_space<vmem>>, %arg11: memref<10240x128xf32, #tpu.memory_space<vmem_shared>>, %arg12: memref<!tpu.dma_semaphore, #tpu.memory_space<semaphore_mem>>) attributes {dimension_semantics = [#tpu.dimension_semantics<core_parallel>, #tpu.dimension_semantics<subcore_parallel>], iteration_bounds = array<i64: 2, 16>, scalar_prefetch = 0 : i64, scratch_operands = 7 : i64, tpu.core_type = #tpu.core_type<sc_vector_subcore>, window_params = [{transform_indices = #map}, {transform_indices = #map1}, {transform_indices = #map1}, {transform_indices = #map2}]} {
    %scan3A = arith.constant 0 : i32
    %scan3A_0 = arith.constant 0 : i32
    %scan3A_1 = arith.constant 128 : i32
    %scan3A_2 = arith.addi %scan3A_0, %scan3A_1 : i32
    %scan3A_3 = arith.constant 1 : i32
    %scan3A_4 = scf.for %scan3A_35 = %scan3A_0 to %scan3A_2 step %scan3A_3 iter_args(%scan3A_36 = %scan3A) -> (i32)  : i32 {
      %broadcast_in_dim3A = arith.constant 0.000000e+00 : f32
      %broadcast_in_dim3A_37 = vector.broadcast %broadcast_in_dim3A : f32 to vector<16xf32>
      %swap3A = arith.index_cast %scan3A_35 : i32 to index
      %swap3A_38 = arith.constant 0 : index
      %swap3A_39 = tpu.vector_load %arg9[%swap3A, %swap3A_38] {strides = array<i32>} : memref<128x128xf32, #tpu.memory_space<vmem>>, vector<1x16xf32>,
      %swap3A_40 = vector.shape_cast %swap3A_39 : vector<1x16xf32> to vector<16xf32>
      %swap3A_41 = vector.shape_cast %broadcast_in_dim3A_37 : vector<16xf32> to vector<1x16xf32>
      tpu.vector_store %arg9[%swap3A, %swap3A_38], %swap3A_41 {strides = array<i32>} : memref<128x128xf32, #tpu.memory_space<vmem>>, vector<1x16xf32>,
      %broadcast_in_dim3A_42 = arith.constant 0.000000e+00 : f32
      %broadcast_in_dim3A_43 = vector.broadcast %broadcast_in_dim3A_42 : f32 to vector<16xf32>
      %swap3A_44 = arith.index_cast %scan3A_35 : i32 to index
      %swap3A_45 = arith.constant 16 : index
      %swap3A_46 = tpu.vector_load %arg9[%swap3A_44, %swap3A_45] {strides = array<i32>} : memref<128x128xf32, #tpu.memory_space<vmem>>, vector<1x16xf32>,
      %swap3A_47 = vector.shape_cast %swap3A_46 : vector<1x16xf32> to vector<16xf32>
      %swap3A_48 = vector.shape_cast %broadcast_in_dim3A_43 : vector<16xf32> to vector<1x16xf32>
      tpu.vector_store %arg9[%swap3A_44, %swap3A_45], %swap3A_48 {strides = array<i32>} : memref<128x128xf32, #tpu.memory_space<vmem>>, vector<1x16xf32>,
      %broadcast_in_dim3A_49 = arith.constant 0.000000e+00 : f32
      %broadcast_in_dim3A_50 = vector.broadcast %broadcast_in_dim3A_49 : f32 to vector<16xf32>
      %swap3A_51 = arith.index_cast %scan3A_35 : i32 to index
      %swap3A_52 = arith.constant 32 : index
      %swap3A_53 = tpu.vector_load %arg9[%swap3A_51, %swap3A_52] {strides = array<i32>} : memref<128x128xf32, #tpu.memory_space<vmem>>, vector<1x16xf32>,
      %swap3A_54 = vector.shape_cast %swap3A_53 : vector<1x16xf32> to vector<16xf32>
      %swap3A_55 = vector.shape_cast %broadcast_in_dim3A_50 : vector<16xf32> to vector<1x16xf32>
      tpu.vector_store %arg9[%swap3A_51, %swap3A_52], %swap3A_55 {strides = array<i32>} : memref<128x128xf32, #tpu.memory_space<vmem>>, vector<1x16xf32>,
      %broadcast_in_dim3A_56 = arith.constant 0.000000e+00 : f32
      %broadcast_in_dim3A_57 = vector.broadcast %broadcast_in_dim3A_56 : f32 to vector<16xf32>
      %swap3A_58 = arith.index_cast %scan3A_35 : i32 to index
      %swap3A_59 = arith.constant 48 : index
      %swap3A_60 = tpu.vector_load %arg9[%swap3A_58, %swap3A_59] {strides = array<i32>} : memref<128x128xf32, #tpu.memory_space<vmem>>, vector<1x16xf32>,
      %swap3A_61 = vector.shape_cast %swap3A_60 : vector<1x16xf32> to vector<16xf32>
      %swap3A_62 = vector.shape_cast %broadcast_in_dim3A_57 : vector<16xf32> to vector<1x16xf32>
      tpu.vector_store %arg9[%swap3A_58, %swap3A_59], %swap3A_62 {strides = array<i32>} : memref<128x128xf32, #tpu.memory_space<vmem>>, vector<1x16xf32>,
      %broadcast_in_dim3A_63 = arith.constant 0.000000e+00 : f32
      %broadcast_in_dim3A_64 = vector.broadcast %broadcast_in_dim3A_63 : f32 to vector<16xf32>
      %swap3A_65 = arith.index_cast %scan3A_35 : i32 to index
      %swap3A_66 = arith.constant 64 : index
      %swap3A_67 = tpu.vector_load %arg9[%swap3A_65, %swap3A_66] {strides = array<i32>} : memref<128x128xf32, #tpu.memory_space<vmem>>, vector<1x16xf32>,
      %swap3A_68 = vector.shape_cast %swap3A_67 : vector<1x16xf32> to vector<16xf32>
      %swap3A_69 = vector.shape_cast %broadcast_in_dim3A_64 : vector<16xf32> to vector<1x16xf32>
      tpu.vector_store %arg9[%swap3A_65, %swap3A_66], %swap3A_69 {strides = array<i32>} : memref<128x128xf32, #tpu.memory_space<vmem>>, vector<1x16xf32>,
      %broadcast_in_dim3A_70 = arith.constant 0.000000e+00 : f32
      %broadcast_in_dim3A_71 = vector.broadcast %broadcast_in_dim3A_70 : f32 to vector<16xf32>
      %swap3A_72 = arith.index_cast %scan3A_35 : i32 to index
      %swap3A_73 = arith.constant 80 : index
      %swap3A_74 = tpu.vector_load %arg9[%swap3A_72, %swap3A_73] {strides = array<i32>} : memref<128x128xf32, #tpu.memory_space<vmem>>, vector<1x16xf32>,
      %swap3A_75 = vector.shape_cast %swap3A_74 : vector<1x16xf32> to vector<16xf32>
      %swap3A_76 = vector.shape_cast %broadcast_in_dim3A_71 : vector<16xf32> to vector<1x16xf32>
      tpu.vector_store %arg9[%swap3A_72, %swap3A_73], %swap3A_76 {strides = array<i32>} : memref<128x128xf32, #tpu.memory_space<vmem>>, vector<1x16xf32>,
      %broadcast_in_dim3A_77 = arith.constant 0.000000e+00 : f32
      %broadcast_in_dim3A_78 = vector.broadcast %broadcast_in_dim3A_77 : f32 to vector<16xf32>
      %swap3A_79 = arith.index_cast %scan3A_35 : i32 to index
      %swap3A_80 = arith.constant 96 : index
      %swap3A_81 = tpu.vector_load %arg9[%swap3A_79, %swap3A_80] {strides = array<i32>} : memref<128x128xf32, #tpu.memory_space<vmem>>, vector<1x16xf32>,
      %swap3A_82 = vector.shape_cast %swap3A_81 : vector<1x16xf32> to vector<16xf32>
      %swap3A_83 = vector.shape_cast %broadcast_in_dim3A_78 : vector<16xf32> to vector<1x16xf32>
      tpu.vector_store %arg9[%swap3A_79, %swap3A_80], %swap3A_83 {strides = array<i32>} : memref<128x128xf32, #tpu.memory_space<vmem>>, vector<1x16xf32>,
      %broadcast_in_dim3A_84 = arith.constant 0.000000e+00 : f32
      %broadcast_in_dim3A_85 = vector.broadcast %broadcast_in_dim3A_84 : f32 to vector<16xf32>
      %swap3A_86 = arith.index_cast %scan3A_35 : i32 to index
      %swap3A_87 = arith.constant 112 : index
      %swap3A_88 = tpu.vector_load %arg9[%swap3A_86, %swap3A_87] {strides = array<i32>} : memref<128x128xf32, #tpu.memory_space<vmem>>, vector<1x16xf32>,
      %swap3A_89 = vector.shape_cast %swap3A_88 : vector<1x16xf32> to vector<16xf32>
      %swap3A_90 = vector.shape_cast %broadcast_in_dim3A_85 : vector<16xf32> to vector<1x16xf32>
      tpu.vector_store %arg9[%swap3A_86, %swap3A_87], %swap3A_90 {strides = array<i32>} : memref<128x128xf32, #tpu.memory_space<vmem>>, vector<1x16xf32>,
      %scan3A_91 = arith.constant 0 : i32
      scf.yield %scan3A_91 : i32
    }
    %scan3A_5 = arith.constant 128 : i32
    %scan3A_6 = arith.constant 0 : i32
    %scan3A_7 = arith.constant 0 : i32
    %scan3A_8 = arith.constant 128 : i32
    %scan3A_9 = arith.addi %scan3A_7, %scan3A_8 : i32
    %scan3A_10 = arith.constant 1 : i32
    %scan3A_11 = scf.for %scan3A_35 = %scan3A_7 to %scan3A_9 step %scan3A_10 iter_args(%scan3A_36 = %scan3A_6) -> (i32)  : i32 {
      %broadcast_in_dim3A = arith.constant 0.000000e+00 : f32
      %broadcast_in_dim3A_37 = vector.broadcast %broadcast_in_dim3A : f32 to vector<16xf32>
      %swap3A = arith.index_cast %scan3A_35 : i32 to index
      %swap3A_38 = arith.constant 0 : index
      %swap3A_39 = tpu.vector_load %arg10[%swap3A, %swap3A_38] {strides = array<i32>} : memref<128x16xf32, #tpu.memory_space<vmem>>, vector<1x16xf32>,
      %swap3A_40 = vector.shape_cast %swap3A_39 : vector<1x16xf32> to vector<16xf32>
      %swap3A_41 = vector.shape_cast %broadcast_in_dim3A_37 : vector<16xf32> to vector<1x16xf32>
      tpu.vector_store %arg10[%swap3A, %swap3A_38], %swap3A_41 {strides = array<i32>} : memref<128x16xf32, #tpu.memory_space<vmem>>, vector<1x16xf32>,
      %scan3A_42 = arith.constant 0 : i32
      scf.yield %scan3A_42 : i32
    }
    %scan3A_12 = arith.constant 128 : i32
    %scan3A_13 = arith.constant 0 : i32
    %scan3A_14 = arith.constant 0 : i32
    %scan3A_15 = arith.constant 5 : i32
    %scan3A_16 = arith.addi %scan3A_14, %scan3A_15 : i32
    %scan3A_17 = arith.constant 1 : i32
    %scan3A_18 = scf.for %scan3A_35 = %scan3A_14 to %scan3A_16 step %scan3A_17 iter_args(%scan3A_36 = %scan3A_13) -> (i32)  : i32 {
      %mul3A = arith.constant 640 : i32
      %mul3A_37 = arith.muli %arg1, %mul3A : i32
      %mul3A_38 = arith.constant 128 : i32
      %mul3A_39 = arith.muli %scan3A_35, %mul3A_38 : i32
      %add3A = arith.addi %mul3A_37, %mul3A_39 : i32
      "tpu.region"() ({
        %run_scoped3A = tpu.sem_alloc : memref<!tpu.dma_semaphore, #tpu.memory_space<semaphore_mem>>
        %dma_start3A = arith.constant 0 : i32
        %dma_start3A_41 = tpu.memref_slice %arg11[%add3A, %dma_start3A] : memref<10240x128xf32, #tpu.memory_space<vmem_shared>> -> memref<128x128xf32, #tpu.memory_space<vmem_shared>>
        %dma_start3A_42 = arith.constant 0 : i32
        %dma_start3A_43 = tpu.memref_slice %arg11[%add3A, %dma_start3A_42] : memref<10240x128xf32, #tpu.memory_space<vmem_shared>> -> memref<128x128xf32, #tpu.memory_space<vmem_shared>>
        tpu.enqueue_dma source(%arg9 : memref<128x128xf32, #tpu.memory_space<vmem>>) target(%dma_start3A_43 : memref<128x128xf32, #tpu.memory_space<vmem_shared>>) target_semaphore(%run_scoped3A : memref<!tpu.dma_semaphore, #tpu.memory_space<semaphore_mem>>)
        %dma_wait3A = arith.constant 0 : i32
        %dma_wait3A_44 = tpu.memref_slice %arg11[%add3A, %dma_wait3A] : memref<10240x128xf32, #tpu.memory_space<vmem_shared>> -> memref<128x128xf32, #tpu.memory_space<vmem_shared>>
        %dma_wait3A_45 = arith.constant 0 : i32
        %dma_wait3A_46 = tpu.memref_slice %arg11[%add3A, %dma_wait3A_45] : memref<10240x128xf32, #tpu.memory_space<vmem_shared>> -> memref<128x128xf32, #tpu.memory_space<vmem_shared>>
        tpu.wait_dma2 semaphore(%run_scoped3A : memref<!tpu.dma_semaphore, #tpu.memory_space<semaphore_mem>>) src(%arg9 : memref<128x128xf32, #tpu.memory_space<vmem>>) dst(%dma_wait3A_46 : memref<128x128xf32, #tpu.memory_space<vmem_shared>>)
        tpu.yield
      }) : () -> ()
      %scan3A_40 = arith.constant 0 : i32
      scf.yield %scan3A_40 : i32
    }
    %scan3A_19 = arith.constant 5 : i32
    %barrier3A = arith.constant 0 : index
    tpu.barrier barrier_id(%barrier3A)
    %scan3A_20 = arith.constant 0 : i32
    %scan3A_21 = arith.constant 0 : i32
    %scan3A_22 = arith.constant 158 : i32
    %scan3A_23 = arith.addi %scan3A_21, %scan3A_22 : i32
    %scan3A_24 = arith.constant 1 : i32
    %scan3A_25 = scf.for %scan3A_35 = %scan3A_21 to %scan3A_23 step %scan3A_24 iter_args(%scan3A_36 = %scan3A_20) -> (i32)  : i32 {
      %mul3A = arith.constant 20224 : i32
      %mul3A_37 = arith.muli %arg1, %mul3A : i32
      %mul3A_38 = arith.constant 128 : i32
      %mul3A_39 = arith.muli %scan3A_35, %mul3A_38 : i32
      %add3A = arith.addi %mul3A_37, %mul3A_39 : i32
      "tpu.region"() ({
        %run_scoped3A = tpu.sem_alloc : memref<!tpu.dma_semaphore, #tpu.memory_space<semaphore_mem>>
        %dma_start3A_139 = tpu.memref_slice %arg3[%add3A] : memref<323584xi32, #tpu.memory_space<hbm>> -> memref<128xi32, #tpu.memory_space<hbm>>
        %dma_start3A_140 = tpu.memref_slice %arg3[%add3A] : memref<323584xi32, #tpu.memory_space<hbm>> -> memref<128xi32, #tpu.memory_space<hbm>>
        tpu.enqueue_dma source(%dma_start3A_140 : memref<128xi32, #tpu.memory_space<hbm>>) target(%arg6 : memref<128xi32, #tpu.memory_space<vmem>>) target_semaphore(%run_scoped3A : memref<!tpu.dma_semaphore, #tpu.memory_space<semaphore_mem>>)
        %dma_wait3A_141 = tpu.memref_slice %arg3[%add3A] : memref<323584xi32, #tpu.memory_space<hbm>> -> memref<128xi32, #tpu.memory_space<hbm>>
        %dma_wait3A_142 = tpu.memref_slice %arg3[%add3A] : memref<323584xi32, #tpu.memory_space<hbm>> -> memref<128xi32, #tpu.memory_space<hbm>>
        tpu.wait_dma2 semaphore(%run_scoped3A : memref<!tpu.dma_semaphore, #tpu.memory_space<semaphore_mem>>) src(%dma_wait3A_142 : memref<128xi32, #tpu.memory_space<hbm>>) dst(%arg6 : memref<128xi32, #tpu.memory_space<vmem>>)
        tpu.yield
      }) : () -> ()
      "tpu.region"() ({
        %run_scoped3A = tpu.sem_alloc : memref<!tpu.dma_semaphore, #tpu.memory_space<semaphore_mem>>
        %dma_start3A_139 = tpu.memref_slice %arg4[%add3A] : memref<323584xi32, #tpu.memory_space<hbm>> -> memref<128xi32, #tpu.memory_space<hbm>>
        %dma_start3A_140 = tpu.memref_slice %arg4[%add3A] : memref<323584xi32, #tpu.memory_space<hbm>> -> memref<128xi32, #tpu.memory_space<hbm>>
        tpu.enqueue_dma source(%dma_start3A_140 : memref<128xi32, #tpu.memory_space<hbm>>) target(%arg8 : memref<128xi32, #tpu.memory_space<vmem>>) target_semaphore(%run_scoped3A : memref<!tpu.dma_semaphore, #tpu.memory_space<semaphore_mem>>)
        %dma_wait3A_141 = tpu.memref_slice %arg4[%add3A] : memref<323584xi32, #tpu.memory_space<hbm>> -> memref<128xi32, #tpu.memory_space<hbm>>
        %dma_wait3A_142 = tpu.memref_slice %arg4[%add3A] : memref<323584xi32, #tpu.memory_space<hbm>> -> memref<128xi32, #tpu.memory_space<hbm>>
        tpu.wait_dma2 semaphore(%run_scoped3A : memref<!tpu.dma_semaphore, #tpu.memory_space<semaphore_mem>>) src(%dma_wait3A_142 : memref<128xi32, #tpu.memory_space<hbm>>) dst(%arg8 : memref<128xi32, #tpu.memory_space<vmem>>)
        tpu.yield
      }) : () -> ()
      %get3A = arith.constant 0 : index
      %get3A_40 = tpu.vector_load %arg6[%get3A] {strides = array<i32>} : memref<128xi32, #tpu.memory_space<vmem>>, vector<16xi32>,
      %get3A_41 = vector.shape_cast %get3A_40 : vector<16xi32> to vector<16xi32>
      %mul3A_42 = arith.constant 2 : i32
      %mul3A_43 = vector.broadcast %mul3A_42 : i32 to vector<16xi32>
      %mul3A_44 = arith.muli %get3A_41, %mul3A_43 : vector<16xi32>
      %add3A_45 = vector.broadcast %arg0 : i32 to vector<16xi32>
      %add3A_46 = arith.addi %mul3A_44, %add3A_45 : vector<16xi32>
      %swap3A = arith.constant 0 : index
      %swap3A_47 = tpu.vector_load %arg7[%swap3A] {strides = array<i32>} : memref<128xi32, #tpu.memory_space<vmem>>, vector<16xi32>,
      %swap3A_48 = vector.shape_cast %swap3A_47 : vector<16xi32> to vector<16xi32>
      %swap3A_49 = vector.shape_cast %add3A_46 : vector<16xi32> to vector<16xi32>
      tpu.vector_store %arg7[%swap3A], %swap3A_49 {strides = array<i32>} : memref<128xi32, #tpu.memory_space<vmem>>, vector<16xi32>,
      %get3A_50 = arith.constant 16 : index
      %get3A_51 = tpu.vector_load %arg6[%get3A_50] {strides = array<i32>} : memref<128xi32, #tpu.memory_space<vmem>>, vector<16xi32>,
      %get3A_52 = vector.shape_cast %get3A_51 : vector<16xi32> to vector<16xi32>
      %mul3A_53 = arith.constant 2 : i32
      %mul3A_54 = vector.broadcast %mul3A_53 : i32 to vector<16xi32>
      %mul3A_55 = arith.muli %get3A_52, %mul3A_54 : vector<16xi32>
      %add3A_56 = vector.broadcast %arg0 : i32 to vector<16xi32>
      %add3A_57 = arith.addi %mul3A_55, %add3A_56 : vector<16xi32>
      %swap3A_58 = arith.constant 16 : index
      %swap3A_59 = tpu.vector_load %arg7[%swap3A_58] {strides = array<i32>} : memref<128xi32, #tpu.memory_space<vmem>>, vector<16xi32>,
      %swap3A_60 = vector.shape_cast %swap3A_59 : vector<16xi32> to vector<16xi32>
      %swap3A_61 = vector.shape_cast %add3A_57 : vector<16xi32> to vector<16xi32>
      tpu.vector_store %arg7[%swap3A_58], %swap3A_61 {strides = array<i32>} : memref<128xi32, #tpu.memory_space<vmem>>, vector<16xi32>,
      %get3A_62 = arith.constant 32 : index
      %get3A_63 = tpu.vector_load %arg6[%get3A_62] {strides = array<i32>} : memref<128xi32, #tpu.memory_space<vmem>>, vector<16xi32>,
      %get3A_64 = vector.shape_cast %get3A_63 : vector<16xi32> to vector<16xi32>
      %mul3A_65 = arith.constant 2 : i32
      %mul3A_66 = vector.broadcast %mul3A_65 : i32 to vector<16xi32>
      %mul3A_67 = arith.muli %get3A_64, %mul3A_66 : vector<16xi32>
      %add3A_68 = vector.broadcast %arg0 : i32 to vector<16xi32>
      %add3A_69 = arith.addi %mul3A_67, %add3A_68 : vector<16xi32>
      %swap3A_70 = arith.constant 32 : index
      %swap3A_71 = tpu.vector_load %arg7[%swap3A_70] {strides = array<i32>} : memref<128xi32, #tpu.memory_space<vmem>>, vector<16xi32>,
      %swap3A_72 = vector.shape_cast %swap3A_71 : vector<16xi32> to vector<16xi32>
      %swap3A_73 = vector.shape_cast %add3A_69 : vector<16xi32> to vector<16xi32>
      tpu.vector_store %arg7[%swap3A_70], %swap3A_73 {strides = array<i32>} : memref<128xi32, #tpu.memory_space<vmem>>, vector<16xi32>,
      %get3A_74 = arith.constant 48 : index
      %get3A_75 = tpu.vector_load %arg6[%get3A_74] {strides = array<i32>} : memref<128xi32, #tpu.memory_space<vmem>>, vector<16xi32>,
      %get3A_76 = vector.shape_cast %get3A_75 : vector<16xi32> to vector<16xi32>
      %mul3A_77 = arith.constant 2 : i32
      %mul3A_78 = vector.broadcast %mul3A_77 : i32 to vector<16xi32>
      %mul3A_79 = arith.muli %get3A_76, %mul3A_78 : vector<16xi32>
      %add3A_80 = vector.broadcast %arg0 : i32 to vector<16xi32>
      %add3A_81 = arith.addi %mul3A_79, %add3A_80 : vector<16xi32>
      %swap3A_82 = arith.constant 48 : index
      %swap3A_83 = tpu.vector_load %arg7[%swap3A_82] {strides = array<i32>} : memref<128xi32, #tpu.memory_space<vmem>>, vector<16xi32>,
      %swap3A_84 = vector.shape_cast %swap3A_83 : vector<16xi32> to vector<16xi32>
      %swap3A_85 = vector.shape_cast %add3A_81 : vector<16xi32> to vector<16xi32>
      tpu.vector_store %arg7[%swap3A_82], %swap3A_85 {strides = array<i32>} : memref<128xi32, #tpu.memory_space<vmem>>, vector<16xi32>,
      %get3A_86 = arith.constant 64 : index
      %get3A_87 = tpu.vector_load %arg6[%get3A_86] {strides = array<i32>} : memref<128xi32, #tpu.memory_space<vmem>>, vector<16xi32>,
      %get3A_88 = vector.shape_cast %get3A_87 : vector<16xi32> to vector<16xi32>
      %mul3A_89 = arith.constant 2 : i32
      %mul3A_90 = vector.broadcast %mul3A_89 : i32 to vector<16xi32>
      %mul3A_91 = arith.muli %get3A_88, %mul3A_90 : vector<16xi32>
      %add3A_92 = vector.broadcast %arg0 : i32 to vector<16xi32>
      %add3A_93 = arith.addi %mul3A_91, %add3A_92 : vector<16xi32>
      %swap3A_94 = arith.constant 64 : index
      %swap3A_95 = tpu.vector_load %arg7[%swap3A_94] {strides = array<i32>} : memref<128xi32, #tpu.memory_space<vmem>>, vector<16xi32>,
      %swap3A_96 = vector.shape_cast %swap3A_95 : vector<16xi32> to vector<16xi32>
      %swap3A_97 = vector.shape_cast %add3A_93 : vector<16xi32> to vector<16xi32>
      tpu.vector_store %arg7[%swap3A_94], %swap3A_97 {strides = array<i32>} : memref<128xi32, #tpu.memory_space<vmem>>, vector<16xi32>,
      %get3A_98 = arith.constant 80 : index
      %get3A_99 = tpu.vector_load %arg6[%get3A_98] {strides = array<i32>} : memref<128xi32, #tpu.memory_space<vmem>>, vector<16xi32>,
      %get3A_100 = vector.shape_cast %get3A_99 : vector<16xi32> to vector<16xi32>
      %mul3A_101 = arith.constant 2 : i32
      %mul3A_102 = vector.broadcast %mul3A_101 : i32 to vector<16xi32>
      %mul3A_103 = arith.muli %get3A_100, %mul3A_102 : vector<16xi32>
      %add3A_104 = vector.broadcast %arg0 : i32 to vector<16xi32>
      %add3A_105 = arith.addi %mul3A_103, %add3A_104 : vector<16xi32>
      %swap3A_106 = arith.constant 80 : index
      %swap3A_107 = tpu.vector_load %arg7[%swap3A_106] {strides = array<i32>} : memref<128xi32, #tpu.memory_space<vmem>>, vector<16xi32>,
      %swap3A_108 = vector.shape_cast %swap3A_107 : vector<16xi32> to vector<16xi32>
      %swap3A_109 = vector.shape_cast %add3A_105 : vector<16xi32> to vector<16xi32>
      tpu.vector_store %arg7[%swap3A_106], %swap3A_109 {strides = array<i32>} : memref<128xi32, #tpu.memory_space<vmem>>, vector<16xi32>,
      %get3A_110 = arith.constant 96 : index
      %get3A_111 = tpu.vector_load %arg6[%get3A_110] {strides = array<i32>} : memref<128xi32, #tpu.memory_space<vmem>>, vector<16xi32>,
      %get3A_112 = vector.shape_cast %get3A_111 : vector<16xi32> to vector<16xi32>
      %mul3A_113 = arith.constant 2 : i32
      %mul3A_114 = vector.broadcast %mul3A_113 : i32 to vector<16xi32>
      %mul3A_115 = arith.muli %get3A_112, %mul3A_114 : vector<16xi32>
      %add3A_116 = vector.broadcast %arg0 : i32 to vector<16xi32>
      %add3A_117 = arith.addi %mul3A_115, %add3A_116 : vector<16xi32>
      %swap3A_118 = arith.constant 96 : index
      %swap3A_119 = tpu.vector_load %arg7[%swap3A_118] {strides = array<i32>} : memref<128xi32, #tpu.memory_space<vmem>>, vector<16xi32>,
      %swap3A_120 = vector.shape_cast %swap3A_119 : vector<16xi32> to vector<16xi32>
      %swap3A_121 = vector.shape_cast %add3A_117 : vector<16xi32> to vector<16xi32>
      tpu.vector_store %arg7[%swap3A_118], %swap3A_121 {strides = array<i32>} : memref<128xi32, #tpu.memory_space<vmem>>, vector<16xi32>,
      %get3A_122 = arith.constant 112 : index
      %get3A_123 = tpu.vector_load %arg6[%get3A_122] {strides = array<i32>} : memref<128xi32, #tpu.memory_space<vmem>>, vector<16xi32>,
      %get3A_124 = vector.shape_cast %get3A_123 : vector<16xi32> to vector<16xi32>
      %mul3A_125 = arith.constant 2 : i32
      %mul3A_126 = vector.broadcast %mul3A_125 : i32 to vector<16xi32>
      %mul3A_127 = arith.muli %get3A_124, %mul3A_126 : vector<16xi32>
      %add3A_128 = vector.broadcast %arg0 : i32 to vector<16xi32>
      %add3A_129 = arith.addi %mul3A_127, %add3A_128 : vector<16xi32>
      %swap3A_130 = arith.constant 112 : index
      %swap3A_131 = tpu.vector_load %arg7[%swap3A_130] {strides = array<i32>} : memref<128xi32, #tpu.memory_space<vmem>>, vector<16xi32>,
      %swap3A_132 = vector.shape_cast %swap3A_131 : vector<16xi32> to vector<16xi32>
      %swap3A_133 = vector.shape_cast %add3A_129 : vector<16xi32> to vector<16xi32>
      tpu.vector_store %arg7[%swap3A_130], %swap3A_133 {strides = array<i32>} : memref<128xi32, #tpu.memory_space<vmem>>, vector<16xi32>,
      %dma_start3A = arith.constant 0 : i32
      %dma_start3A_134 = arith.constant 0 : i32
      %dma_start3A_135 = tpu.memref_slice %arg2[%dma_start3A, %dma_start3A_134] : memref<20000x128xf32, #tpu.memory_space<hbm>> -> memref<20000x128xf32, #tpu.memory_space<hbm>>
      tpu.enqueue_indirect_dma source(%dma_start3A_135 : memref<20000x128xf32, #tpu.memory_space<hbm>>) target(%arg9 : memref<128x128xf32, #tpu.memory_space<vmem>>) offsets(%arg7 : memref<128xi32, #tpu.memory_space<vmem>>) semaphore(%arg12 : memref<!tpu.dma_semaphore, #tpu.memory_space<semaphore_mem>>)
      %dma_wait3A = arith.constant 0 : i32
      %dma_wait3A_136 = arith.constant 0 : i32
      %dma_wait3A_137 = tpu.memref_slice %arg2[%dma_wait3A, %dma_wait3A_136] : memref<20000x128xf32, #tpu.memory_space<hbm>> -> memref<20000x128xf32, #tpu.memory_space<hbm>>
      tpu.wait_indirect_dma semaphore(%arg12 : memref<!tpu.dma_semaphore, #tpu.memory_space<semaphore_mem>>) src(%dma_wait3A_137 : memref<20000x128xf32, #tpu.memory_space<hbm>>) dst(%arg9 : memref<128x128xf32, #tpu.memory_space<vmem>>)
      "tpu.region"() ({
        %run_scoped3A = tpu.sem_alloc : memref<!tpu.dma_semaphore, #tpu.memory_space<semaphore_mem>>
        %dma_start3A_139 = arith.constant 0 : i32
        %dma_start3A_140 = arith.constant 0 : i32
        %dma_start3A_141 = tpu.memref_slice %arg11[%dma_start3A_139, %dma_start3A_140] : memref<10240x128xf32, #tpu.memory_space<vmem_shared>> -> memref<10240x128xf32, #tpu.memory_space<vmem_shared>>
        tpu.enqueue_indirect_dma source(%arg9 : memref<128x128xf32, #tpu.memory_space<vmem>>) target(%dma_start3A_141 : memref<10240x128xf32, #tpu.memory_space<vmem_shared>>) offsets(%arg8 : memref<128xi32, #tpu.memory_space<vmem>>) semaphore(%run_scoped3A : memref<!tpu.dma_semaphore, #tpu.memory_space<semaphore_mem>>) {add = true}
        %dma_wait3A_142 = arith.constant 0 : i32
        %dma_wait3A_143 = arith.constant 0 : i32
        %dma_wait3A_144 = tpu.memref_slice %arg11[%dma_wait3A_142, %dma_wait3A_143] : memref<10240x128xf32, #tpu.memory_space<vmem_shared>> -> memref<10240x128xf32, #tpu.memory_space<vmem_shared>>
        tpu.wait_indirect_dma semaphore(%run_scoped3A : memref<!tpu.dma_semaphore, #tpu.memory_space<semaphore_mem>>) src(%arg9 : memref<128x128xf32, #tpu.memory_space<vmem>>) dst(%dma_wait3A_144 : memref<10240x128xf32, #tpu.memory_space<vmem_shared>>)
        tpu.yield
      }) : () -> ()
      %scan3A_138 = arith.constant 0 : i32
      scf.yield %scan3A_138 : i32
    }
    %scan3A_26 = arith.constant 158 : i32
    %barrier3A_27 = arith.constant 0 : index
    tpu.barrier barrier_id(%barrier3A_27)
    %scan3A_28 = arith.constant 0 : i32
    %scan3A_29 = arith.constant 0 : i32
    %scan3A_30 = arith.constant 5 : i32
    %scan3A_31 = arith.addi %scan3A_29, %scan3A_30 : i32
    %scan3A_32 = arith.constant 1 : i32
    %scan3A_33 = scf.for %scan3A_35 = %scan3A_29 to %scan3A_31 step %scan3A_32 iter_args(%scan3A_36 = %scan3A_28) -> (i32)  : i32 {
      %mul3A = arith.constant 640 : i32
      %mul3A_37 = arith.muli %arg1, %mul3A : i32
      %mul3A_38 = arith.constant 128 : i32
      %mul3A_39 = arith.muli %scan3A_35, %mul3A_38 : i32
      %add3A = arith.addi %mul3A_37, %mul3A_39 : i32
      "tpu.region"() ({
        %run_scoped3A = tpu.sem_alloc : memref<!tpu.dma_semaphore, #tpu.memory_space<semaphore_mem>>
        %dma_start3A = arith.constant 0 : i32
        %dma_start3A_41 = tpu.memref_slice %arg11[%add3A, %dma_start3A] : memref<10240x128xf32, #tpu.memory_space<vmem_shared>> -> memref<128x128xf32, #tpu.memory_space<vmem_shared>>
        %dma_start3A_42 = arith.constant 0 : i32
        %dma_start3A_43 = tpu.memref_slice %arg11[%add3A, %dma_start3A_42] : memref<10240x128xf32, #tpu.memory_space<vmem_shared>> -> memref<128x128xf32, #tpu.memory_space<vmem_shared>>
        tpu.enqueue_dma source(%dma_start3A_43 : memref<128x128xf32, #tpu.memory_space<vmem_shared>>) target(%arg9 : memref<128x128xf32, #tpu.memory_space<vmem>>) target_semaphore(%run_scoped3A : memref<!tpu.dma_semaphore, #tpu.memory_space<semaphore_mem>>)
        %dma_wait3A = arith.constant 0 : i32
        %dma_wait3A_44 = tpu.memref_slice %arg11[%add3A, %dma_wait3A] : memref<10240x128xf32, #tpu.memory_space<vmem_shared>> -> memref<128x128xf32, #tpu.memory_space<vmem_shared>>
        %dma_wait3A_45 = arith.constant 0 : i32
        %dma_wait3A_46 = tpu.memref_slice %arg11[%add3A, %dma_wait3A_45] : memref<10240x128xf32, #tpu.memory_space<vmem_shared>> -> memref<128x128xf32, #tpu.memory_space<vmem_shared>>
        tpu.wait_dma2 semaphore(%run_scoped3A : memref<!tpu.dma_semaphore, #tpu.memory_space<semaphore_mem>>) src(%dma_wait3A_46 : memref<128x128xf32, #tpu.memory_space<vmem_shared>>) dst(%arg9 : memref<128x128xf32, #tpu.memory_space<vmem>>)
        tpu.yield
      }) : () -> ()
      "tpu.region"() ({
        %run_scoped3A = tpu.sem_alloc : memref<!tpu.dma_semaphore, #tpu.memory_space<semaphore_mem>>
        %dma_start3A = arith.constant 0 : i32
        %dma_start3A_41 = tpu.memref_slice %arg5[%arg0, %add3A, %dma_start3A] : memref<2x10240x128xf32, #tpu.memory_space<hbm>> -> memref<1x128x128xf32, #tpu.memory_space<hbm>>
        %dma_start3A_42 = tpu.memref_squeeze %dma_start3A_41 : memref<1x128x128xf32, #tpu.memory_space<hbm>> -> memref<128x128xf32, #tpu.memory_space<hbm>>
        %dma_start3A_43 = arith.constant 0 : i32
        %dma_start3A_44 = tpu.memref_slice %arg5[%arg0, %add3A, %dma_start3A_43] : memref<2x10240x128xf32, #tpu.memory_space<hbm>> -> memref<1x128x128xf32, #tpu.memory_space<hbm>>
        %dma_start3A_45 = tpu.memref_squeeze %dma_start3A_44 : memref<1x128x128xf32, #tpu.memory_space<hbm>> -> memref<128x128xf32, #tpu.memory_space<hbm>>
        tpu.enqueue_dma source(%arg9 : memref<128x128xf32, #tpu.memory_space<vmem>>) target(%dma_start3A_45 : memref<128x128xf32, #tpu.memory_space<hbm>>) target_semaphore(%run_scoped3A : memref<!tpu.dma_semaphore, #tpu.memory_space<semaphore_mem>>)
        %dma_wait3A = arith.constant 0 : i32
        %dma_wait3A_46 = tpu.memref_slice %arg5[%arg0, %add3A, %dma_wait3A] : memref<2x10240x128xf32, #tpu.memory_space<hbm>> -> memref<1x128x128xf32, #tpu.memory_space<hbm>>
        %dma_wait3A_47 = tpu.memref_squeeze %dma_wait3A_46 : memref<1x128x128xf32, #tpu.memory_space<hbm>> -> memref<128x128xf32, #tpu.memory_space<hbm>>
        %dma_wait3A_48 = arith.constant 0 : i32
        %dma_wait3A_49 = tpu.memref_slice %arg5[%arg0, %add3A, %dma_wait3A_48] : memref<2x10240x128xf32, #tpu.memory_space<hbm>> -> memref<1x128x128xf32, #tpu.memory_space<hbm>>
        %dma_wait3A_50 = tpu.memref_squeeze %dma_wait3A_49 : memref<1x128x128xf32, #tpu.memory_space<hbm>> -> memref<128x128xf32, #tpu.memory_space<hbm>>
        tpu.wait_dma2 semaphore(%run_scoped3A : memref<!tpu.dma_semaphore, #tpu.memory_space<semaphore_mem>>) src(%arg9 : memref<128x128xf32, #tpu.memory_space<vmem>>) dst(%dma_wait3A_50 : memref<128x128xf32, #tpu.memory_space<hbm>>)
        tpu.yield
      }) : () -> ()
      %scan3A_40 = arith.constant 0 : i32
      scf.yield %scan3A_40 : i32
    }
    %scan3A_34 = arith.constant 5 : i32
    return
  }
}

#map = affine_map<(d0, d1) -> (0, 0)>
#map1 = affine_map<(d0, d1) -> (0)>
#map2 = affine_map<(d0, d1) -> (0, 0, 0)>
module attributes {stable_mosaic.version = 14 : i64} {
  func.func @body(%arg0: i32, %arg1: i32, %arg2: memref<20000x128xf32, #tpu.memory_space<hbm>>, %arg3: memref<323584xi32, #tpu.memory_space<hbm>>, %arg4: memref<323584xi32, #tpu.memory_space<hbm>>, %arg5: memref<2x10240x128xf32, #tpu.memory_space<hbm>>, %arg6: memref<128xi32, #tpu.memory_space<vmem>>, %arg7: memref<128xi32, #tpu.memory_space<vmem>>, %arg8: memref<128xi32, #tpu.memory_space<vmem>>, %arg9: memref<128x128xf32, #tpu.memory_space<vmem>>, %arg10: memref<128x16xf32, #tpu.memory_space<vmem>>, %arg11: memref<10240x128xf32, #tpu.memory_space<vmem_shared>>, %arg12: memref<!tpu.dma_semaphore, #tpu.memory_space<semaphore_mem>>) attributes {dimension_semantics = [#tpu.dimension_semantics<core_parallel>, #tpu.dimension_semantics<subcore_parallel>], iteration_bounds = array<i64: 2, 16>, scalar_prefetch = 0 : i64, scratch_operands = 7 : i64, tpu.core_type = #tpu.core_type<sc_vector_subcore>, window_params = [{transform_indices = #map}, {transform_indices = #map1}, {transform_indices = #map1}, {transform_indices = #map2}]} {
    %scan3A = arith.constant 0 : i32
    %scan3A_0 = arith.constant 0 : i32
    %scan3A_1 = arith.constant 128 : i32
    %scan3A_2 = arith.addi %scan3A_0, %scan3A_1 : i32
    %scan3A_3 = arith.constant 1 : i32
    %scan3A_4 = scf.for %scan3A_35 = %scan3A_0 to %scan3A_2 step %scan3A_3 iter_args(%scan3A_36 = %scan3A) -> (i32)  : i32 {
      %broadcast_in_dim3A = arith.constant 0.000000e+00 : f32
      %broadcast_in_dim3A_37 = vector.broadcast %broadcast_in_dim3A : f32 to vector<16xf32>
      %swap3A = arith.index_cast %scan3A_35 : i32 to index
      %swap3A_38 = arith.constant 0 : index
      %swap3A_39 = tpu.vector_load %arg9[%swap3A, %swap3A_38] {strides = array<i32>} : memref<128x128xf32, #tpu.memory_space<vmem>>, vector<1x16xf32>,
      %swap3A_40 = vector.shape_cast %swap3A_39 : vector<1x16xf32> to vector<16xf32>
      %swap3A_41 = vector.shape_cast %broadcast_in_dim3A_37 : vector<16xf32> to vector<1x16xf32>
      tpu.vector_store %arg9[%swap3A, %swap3A_38], %swap3A_41 {strides = array<i32>} : memref<128x128xf32, #tpu.memory_space<vmem>>, vector<1x16xf32>,
      %broadcast_in_dim3A_42 = arith.constant 0.000000e+00 : f32
      %broadcast_in_dim3A_43 = vector.broadcast %broadcast_in_dim3A_42 : f32 to vector<16xf32>
      %swap3A_44 = arith.index_cast %scan3A_35 : i32 to index
      %swap3A_45 = arith.constant 16 : index
      %swap3A_46 = tpu.vector_load %arg9[%swap3A_44, %swap3A_45] {strides = array<i32>} : memref<128x128xf32, #tpu.memory_space<vmem>>, vector<1x16xf32>,
      %swap3A_47 = vector.shape_cast %swap3A_46 : vector<1x16xf32> to vector<16xf32>
      %swap3A_48 = vector.shape_cast %broadcast_in_dim3A_43 : vector<16xf32> to vector<1x16xf32>
      tpu.vector_store %arg9[%swap3A_44, %swap3A_45], %swap3A_48 {strides = array<i32>} : memref<128x128xf32, #tpu.memory_space<vmem>>, vector<1x16xf32>,
      %broadcast_in_dim3A_49 = arith.constant 0.000000e+00 : f32
      %broadcast_in_dim3A_50 = vector.broadcast %broadcast_in_dim3A_49 : f32 to vector<16xf32>
      %swap3A_51 = arith.index_cast %scan3A_35 : i32 to index
      %swap3A_52 = arith.constant 32 : index
      %swap3A_53 = tpu.vector_load %arg9[%swap3A_51, %swap3A_52] {strides = array<i32>} : memref<128x128xf32, #tpu.memory_space<vmem>>, vector<1x16xf32>,
      %swap3A_54 = vector.shape_cast %swap3A_53 : vector<1x16xf32> to vector<16xf32>
      %swap3A_55 = vector.shape_cast %broadcast_in_dim3A_50 : vector<16xf32> to vector<1x16xf32>
      tpu.vector_store %arg9[%swap3A_51, %swap3A_52], %swap3A_55 {strides = array<i32>} : memref<128x128xf32, #tpu.memory_space<vmem>>, vector<1x16xf32>,
      %broadcast_in_dim3A_56 = arith.constant 0.000000e+00 : f32
      %broadcast_in_dim3A_57 = vector.broadcast %broadcast_in_dim3A_56 : f32 to vector<16xf32>
      %swap3A_58 = arith.index_cast %scan3A_35 : i32 to index
      %swap3A_59 = arith.constant 48 : index
      %swap3A_60 = tpu.vector_load %arg9[%swap3A_58, %swap3A_59] {strides = array<i32>} : memref<128x128xf32, #tpu.memory_space<vmem>>, vector<1x16xf32>,
      %swap3A_61 = vector.shape_cast %swap3A_60 : vector<1x16xf32> to vector<16xf32>
      %swap3A_62 = vector.shape_cast %broadcast_in_dim3A_57 : vector<16xf32> to vector<1x16xf32>
      tpu.vector_store %arg9[%swap3A_58, %swap3A_59], %swap3A_62 {strides = array<i32>} : memref<128x128xf32, #tpu.memory_space<vmem>>, vector<1x16xf32>,
      %broadcast_in_dim3A_63 = arith.constant 0.000000e+00 : f32
      %broadcast_in_dim3A_64 = vector.broadcast %broadcast_in_dim3A_63 : f32 to vector<16xf32>
      %swap3A_65 = arith.index_cast %scan3A_35 : i32 to index
      %swap3A_66 = arith.constant 64 : index
      %swap3A_67 = tpu.vector_load %arg9[%swap3A_65, %swap3A_66] {strides = array<i32>} : memref<128x128xf32, #tpu.memory_space<vmem>>, vector<1x16xf32>,
      %swap3A_68 = vector.shape_cast %swap3A_67 : vector<1x16xf32> to vector<16xf32>
      %swap3A_69 = vector.shape_cast %broadcast_in_dim3A_64 : vector<16xf32> to vector<1x16xf32>
      tpu.vector_store %arg9[%swap3A_65, %swap3A_66], %swap3A_69 {strides = array<i32>} : memref<128x128xf32, #tpu.memory_space<vmem>>, vector<1x16xf32>,
      %broadcast_in_dim3A_70 = arith.constant 0.000000e+00 : f32
      %broadcast_in_dim3A_71 = vector.broadcast %broadcast_in_dim3A_70 : f32 to vector<16xf32>
      %swap3A_72 = arith.index_cast %scan3A_35 : i32 to index
      %swap3A_73 = arith.constant 80 : index
      %swap3A_74 = tpu.vector_load %arg9[%swap3A_72, %swap3A_73] {strides = array<i32>} : memref<128x128xf32, #tpu.memory_space<vmem>>, vector<1x16xf32>,
      %swap3A_75 = vector.shape_cast %swap3A_74 : vector<1x16xf32> to vector<16xf32>
      %swap3A_76 = vector.shape_cast %broadcast_in_dim3A_71 : vector<16xf32> to vector<1x16xf32>
      tpu.vector_store %arg9[%swap3A_72, %swap3A_73], %swap3A_76 {strides = array<i32>} : memref<128x128xf32, #tpu.memory_space<vmem>>, vector<1x16xf32>,
      %broadcast_in_dim3A_77 = arith.constant 0.000000e+00 : f32
      %broadcast_in_dim3A_78 = vector.broadcast %broadcast_in_dim3A_77 : f32 to vector<16xf32>
      %swap3A_79 = arith.index_cast %scan3A_35 : i32 to index
      %swap3A_80 = arith.constant 96 : index
      %swap3A_81 = tpu.vector_load %arg9[%swap3A_79, %swap3A_80] {strides = array<i32>} : memref<128x128xf32, #tpu.memory_space<vmem>>, vector<1x16xf32>,
      %swap3A_82 = vector.shape_cast %swap3A_81 : vector<1x16xf32> to vector<16xf32>
      %swap3A_83 = vector.shape_cast %broadcast_in_dim3A_78 : vector<16xf32> to vector<1x16xf32>
      tpu.vector_store %arg9[%swap3A_79, %swap3A_80], %swap3A_83 {strides = array<i32>} : memref<128x128xf32, #tpu.memory_space<vmem>>, vector<1x16xf32>,
      %broadcast_in_dim3A_84 = arith.constant 0.000000e+00 : f32
      %broadcast_in_dim3A_85 = vector.broadcast %broadcast_in_dim3A_84 : f32 to vector<16xf32>
      %swap3A_86 = arith.index_cast %scan3A_35 : i32 to index
      %swap3A_87 = arith.constant 112 : index
      %swap3A_88 = tpu.vector_load %arg9[%swap3A_86, %swap3A_87] {strides = array<i32>} : memref<128x128xf32, #tpu.memory_space<vmem>>, vector<1x16xf32>,
      %swap3A_89 = vector.shape_cast %swap3A_88 : vector<1x16xf32> to vector<16xf32>
      %swap3A_90 = vector.shape_cast %broadcast_in_dim3A_85 : vector<16xf32> to vector<1x16xf32>
      tpu.vector_store %arg9[%swap3A_86, %swap3A_87], %swap3A_90 {strides = array<i32>} : memref<128x128xf32, #tpu.memory_space<vmem>>, vector<1x16xf32>,
      %scan3A_91 = arith.constant 0 : i32
      scf.yield %scan3A_91 : i32
    }
    %scan3A_5 = arith.constant 128 : i32
    %scan3A_6 = arith.constant 0 : i32
    %scan3A_7 = arith.constant 0 : i32
    %scan3A_8 = arith.constant 128 : i32
    %scan3A_9 = arith.addi %scan3A_7, %scan3A_8 : i32
    %scan3A_10 = arith.constant 1 : i32
    %scan3A_11 = scf.for %scan3A_35 = %scan3A_7 to %scan3A_9 step %scan3A_10 iter_args(%scan3A_36 = %scan3A_6) -> (i32)  : i32 {
      %broadcast_in_dim3A = arith.constant 0.000000e+00 : f32
      %broadcast_in_dim3A_37 = vector.broadcast %broadcast_in_dim3A : f32 to vector<16xf32>
      %swap3A = arith.index_cast %scan3A_35 : i32 to index
      %swap3A_38 = arith.constant 0 : index
      %swap3A_39 = tpu.vector_load %arg10[%swap3A, %swap3A_38] {strides = array<i32>} : memref<128x16xf32, #tpu.memory_space<vmem>>, vector<1x16xf32>,
      %swap3A_40 = vector.shape_cast %swap3A_39 : vector<1x16xf32> to vector<16xf32>
      %swap3A_41 = vector.shape_cast %broadcast_in_dim3A_37 : vector<16xf32> to vector<1x16xf32>
      tpu.vector_store %arg10[%swap3A, %swap3A_38], %swap3A_41 {strides = array<i32>} : memref<128x16xf32, #tpu.memory_space<vmem>>, vector<1x16xf32>,
      %scan3A_42 = arith.constant 0 : i32
      scf.yield %scan3A_42 : i32
    }
    %scan3A_12 = arith.constant 128 : i32
    %scan3A_13 = arith.constant 0 : i32
    %scan3A_14 = arith.constant 0 : i32
    %scan3A_15 = arith.constant 5 : i32
    %scan3A_16 = arith.addi %scan3A_14, %scan3A_15 : i32
    %scan3A_17 = arith.constant 1 : i32
    %scan3A_18 = scf.for %scan3A_35 = %scan3A_14 to %scan3A_16 step %scan3A_17 iter_args(%scan3A_36 = %scan3A_13) -> (i32)  : i32 {
      %mul3A = arith.constant 640 : i32
      %mul3A_37 = arith.muli %arg1, %mul3A : i32
      %mul3A_38 = arith.constant 128 : i32
      %mul3A_39 = arith.muli %scan3A_35, %mul3A_38 : i32
      %add3A = arith.addi %mul3A_37, %mul3A_39 : i32
      "tpu.region"() ({
        %run_scoped3A = tpu.sem_alloc : memref<!tpu.dma_semaphore, #tpu.memory_space<semaphore_mem>>
        %dma_start3A = arith.constant 0 : i32
        %dma_start3A_41 = tpu.memref_slice %arg11[%add3A, %dma_start3A] : memref<10240x128xf32, #tpu.memory_space<vmem_shared>> -> memref<128x128xf32, #tpu.memory_space<vmem_shared>>
        %dma_start3A_42 = arith.constant 0 : i32
        %dma_start3A_43 = tpu.memref_slice %arg11[%add3A, %dma_start3A_42] : memref<10240x128xf32, #tpu.memory_space<vmem_shared>> -> memref<128x128xf32, #tpu.memory_space<vmem_shared>>
        tpu.enqueue_dma source(%arg9 : memref<128x128xf32, #tpu.memory_space<vmem>>) target(%dma_start3A_43 : memref<128x128xf32, #tpu.memory_space<vmem_shared>>) target_semaphore(%run_scoped3A : memref<!tpu.dma_semaphore, #tpu.memory_space<semaphore_mem>>)
        %dma_wait3A = arith.constant 0 : i32
        %dma_wait3A_44 = tpu.memref_slice %arg11[%add3A, %dma_wait3A] : memref<10240x128xf32, #tpu.memory_space<vmem_shared>> -> memref<128x128xf32, #tpu.memory_space<vmem_shared>>
        %dma_wait3A_45 = arith.constant 0 : i32
        %dma_wait3A_46 = tpu.memref_slice %arg11[%add3A, %dma_wait3A_45] : memref<10240x128xf32, #tpu.memory_space<vmem_shared>> -> memref<128x128xf32, #tpu.memory_space<vmem_shared>>
        tpu.wait_dma2 semaphore(%run_scoped3A : memref<!tpu.dma_semaphore, #tpu.memory_space<semaphore_mem>>) src(%arg9 : memref<128x128xf32, #tpu.memory_space<vmem>>) dst(%dma_wait3A_46 : memref<128x128xf32, #tpu.memory_space<vmem_shared>>)
        tpu.yield
      }) : () -> ()
      %scan3A_40 = arith.constant 0 : i32
      scf.yield %scan3A_40 : i32
    }
    %scan3A_19 = arith.constant 5 : i32
    %barrier3A = arith.constant 0 : index
    tpu.barrier barrier_id(%barrier3A)
    %scan3A_20 = arith.constant 0 : i32
    %scan3A_21 = arith.constant 0 : i32
    %scan3A_22 = arith.constant 158 : i32
    %scan3A_23 = arith.addi %scan3A_21, %scan3A_22 : i32
    %scan3A_24 = arith.constant 1 : i32
    %scan3A_25 = scf.for %scan3A_35 = %scan3A_21 to %scan3A_23 step %scan3A_24 iter_args(%scan3A_36 = %scan3A_20) -> (i32)  : i32 {
      %mul3A = arith.constant 20224 : i32
      %mul3A_37 = arith.muli %arg1, %mul3A : i32
      %mul3A_38 = arith.constant 128 : i32
      %mul3A_39 = arith.muli %scan3A_35, %mul3A_38 : i32
      %add3A = arith.addi %mul3A_37, %mul3A_39 : i32
      "tpu.region"() ({
        %run_scoped3A = tpu.sem_alloc : memref<!tpu.dma_semaphore, #tpu.memory_space<semaphore_mem>>
        %dma_start3A_139 = tpu.memref_slice %arg3[%add3A] : memref<323584xi32, #tpu.memory_space<hbm>> -> memref<128xi32, #tpu.memory_space<hbm>>
        %dma_start3A_140 = tpu.memref_slice %arg3[%add3A] : memref<323584xi32, #tpu.memory_space<hbm>> -> memref<128xi32, #tpu.memory_space<hbm>>
        tpu.enqueue_dma source(%dma_start3A_140 : memref<128xi32, #tpu.memory_space<hbm>>) target(%arg6 : memref<128xi32, #tpu.memory_space<vmem>>) target_semaphore(%run_scoped3A : memref<!tpu.dma_semaphore, #tpu.memory_space<semaphore_mem>>)
        %dma_wait3A_141 = tpu.memref_slice %arg3[%add3A] : memref<323584xi32, #tpu.memory_space<hbm>> -> memref<128xi32, #tpu.memory_space<hbm>>
        %dma_wait3A_142 = tpu.memref_slice %arg3[%add3A] : memref<323584xi32, #tpu.memory_space<hbm>> -> memref<128xi32, #tpu.memory_space<hbm>>
        tpu.wait_dma2 semaphore(%run_scoped3A : memref<!tpu.dma_semaphore, #tpu.memory_space<semaphore_mem>>) src(%dma_wait3A_142 : memref<128xi32, #tpu.memory_space<hbm>>) dst(%arg6 : memref<128xi32, #tpu.memory_space<vmem>>)
        tpu.yield
      }) : () -> ()
      "tpu.region"() ({
        %run_scoped3A = tpu.sem_alloc : memref<!tpu.dma_semaphore, #tpu.memory_space<semaphore_mem>>
        %dma_start3A_139 = tpu.memref_slice %arg4[%add3A] : memref<323584xi32, #tpu.memory_space<hbm>> -> memref<128xi32, #tpu.memory_space<hbm>>
        %dma_start3A_140 = tpu.memref_slice %arg4[%add3A] : memref<323584xi32, #tpu.memory_space<hbm>> -> memref<128xi32, #tpu.memory_space<hbm>>
        tpu.enqueue_dma source(%dma_start3A_140 : memref<128xi32, #tpu.memory_space<hbm>>) target(%arg8 : memref<128xi32, #tpu.memory_space<vmem>>) target_semaphore(%run_scoped3A : memref<!tpu.dma_semaphore, #tpu.memory_space<semaphore_mem>>)
        %dma_wait3A_141 = tpu.memref_slice %arg4[%add3A] : memref<323584xi32, #tpu.memory_space<hbm>> -> memref<128xi32, #tpu.memory_space<hbm>>
        %dma_wait3A_142 = tpu.memref_slice %arg4[%add3A] : memref<323584xi32, #tpu.memory_space<hbm>> -> memref<128xi32, #tpu.memory_space<hbm>>
        tpu.wait_dma2 semaphore(%run_scoped3A : memref<!tpu.dma_semaphore, #tpu.memory_space<semaphore_mem>>) src(%dma_wait3A_142 : memref<128xi32, #tpu.memory_space<hbm>>) dst(%arg8 : memref<128xi32, #tpu.memory_space<vmem>>)
        tpu.yield
      }) : () -> ()
      %get3A = arith.constant 0 : index
      %get3A_40 = tpu.vector_load %arg6[%get3A] {strides = array<i32>} : memref<128xi32, #tpu.memory_space<vmem>>, vector<16xi32>,
      %get3A_41 = vector.shape_cast %get3A_40 : vector<16xi32> to vector<16xi32>
      %mul3A_42 = arith.constant 2 : i32
      %mul3A_43 = vector.broadcast %mul3A_42 : i32 to vector<16xi32>
      %mul3A_44 = arith.muli %get3A_41, %mul3A_43 : vector<16xi32>
      %add3A_45 = vector.broadcast %arg0 : i32 to vector<16xi32>
      %add3A_46 = arith.addi %mul3A_44, %add3A_45 : vector<16xi32>
      %swap3A = arith.constant 0 : index
      %swap3A_47 = tpu.vector_load %arg7[%swap3A] {strides = array<i32>} : memref<128xi32, #tpu.memory_space<vmem>>, vector<16xi32>,
      %swap3A_48 = vector.shape_cast %swap3A_47 : vector<16xi32> to vector<16xi32>
      %swap3A_49 = vector.shape_cast %add3A_46 : vector<16xi32> to vector<16xi32>
      tpu.vector_store %arg7[%swap3A], %swap3A_49 {strides = array<i32>} : memref<128xi32, #tpu.memory_space<vmem>>, vector<16xi32>,
      %get3A_50 = arith.constant 16 : index
      %get3A_51 = tpu.vector_load %arg6[%get3A_50] {strides = array<i32>} : memref<128xi32, #tpu.memory_space<vmem>>, vector<16xi32>,
      %get3A_52 = vector.shape_cast %get3A_51 : vector<16xi32> to vector<16xi32>
      %mul3A_53 = arith.constant 2 : i32
      %mul3A_54 = vector.broadcast %mul3A_53 : i32 to vector<16xi32>
      %mul3A_55 = arith.muli %get3A_52, %mul3A_54 : vector<16xi32>
      %add3A_56 = vector.broadcast %arg0 : i32 to vector<16xi32>
      %add3A_57 = arith.addi %mul3A_55, %add3A_56 : vector<16xi32>
      %swap3A_58 = arith.constant 16 : index
      %swap3A_59 = tpu.vector_load %arg7[%swap3A_58] {strides = array<i32>} : memref<128xi32, #tpu.memory_space<vmem>>, vector<16xi32>,
      %swap3A_60 = vector.shape_cast %swap3A_59 : vector<16xi32> to vector<16xi32>
      %swap3A_61 = vector.shape_cast %add3A_57 : vector<16xi32> to vector<16xi32>
      tpu.vector_store %arg7[%swap3A_58], %swap3A_61 {strides = array<i32>} : memref<128xi32, #tpu.memory_space<vmem>>, vector<16xi32>,
      %get3A_62 = arith.constant 32 : index
      %get3A_63 = tpu.vector_load %arg6[%get3A_62] {strides = array<i32>} : memref<128xi32, #tpu.memory_space<vmem>>, vector<16xi32>,
      %get3A_64 = vector.shape_cast %get3A_63 : vector<16xi32> to vector<16xi32>
      %mul3A_65 = arith.constant 2 : i32
      %mul3A_66 = vector.broadcast %mul3A_65 : i32 to vector<16xi32>
      %mul3A_67 = arith.muli %get3A_64, %mul3A_66 : vector<16xi32>
      %add3A_68 = vector.broadcast %arg0 : i32 to vector<16xi32>
      %add3A_69 = arith.addi %mul3A_67, %add3A_68 : vector<16xi32>
      %swap3A_70 = arith.constant 32 : index
      %swap3A_71 = tpu.vector_load %arg7[%swap3A_70] {strides = array<i32>} : memref<128xi32, #tpu.memory_space<vmem>>, vector<16xi32>,
      %swap3A_72 = vector.shape_cast %swap3A_71 : vector<16xi32> to vector<16xi32>
      %swap3A_73 = vector.shape_cast %add3A_69 : vector<16xi32> to vector<16xi32>
      tpu.vector_store %arg7[%swap3A_70], %swap3A_73 {strides = array<i32>} : memref<128xi32, #tpu.memory_space<vmem>>, vector<16xi32>,
      %get3A_74 = arith.constant 48 : index
      %get3A_75 = tpu.vector_load %arg6[%get3A_74] {strides = array<i32>} : memref<128xi32, #tpu.memory_space<vmem>>, vector<16xi32>,
      %get3A_76 = vector.shape_cast %get3A_75 : vector<16xi32> to vector<16xi32>
      %mul3A_77 = arith.constant 2 : i32
      %mul3A_78 = vector.broadcast %mul3A_77 : i32 to vector<16xi32>
      %mul3A_79 = arith.muli %get3A_76, %mul3A_78 : vector<16xi32>
      %add3A_80 = vector.broadcast %arg0 : i32 to vector<16xi32>
      %add3A_81 = arith.addi %mul3A_79, %add3A_80 : vector<16xi32>
      %swap3A_82 = arith.constant 48 : index
      %swap3A_83 = tpu.vector_load %arg7[%swap3A_82] {strides = array<i32>} : memref<128xi32, #tpu.memory_space<vmem>>, vector<16xi32>,
      %swap3A_84 = vector.shape_cast %swap3A_83 : vector<16xi32> to vector<16xi32>
      %swap3A_85 = vector.shape_cast %add3A_81 : vector<16xi32> to vector<16xi32>
      tpu.vector_store %arg7[%swap3A_82], %swap3A_85 {strides = array<i32>} : memref<128xi32, #tpu.memory_space<vmem>>, vector<16xi32>,
      %get3A_86 = arith.constant 64 : index
      %get3A_87 = tpu.vector_load %arg6[%get3A_86] {strides = array<i32>} : memref<128xi32, #tpu.memory_space<vmem>>, vector<16xi32>,
      %get3A_88 = vector.shape_cast %get3A_87 : vector<16xi32> to vector<16xi32>
      %mul3A_89 = arith.constant 2 : i32
      %mul3A_90 = vector.broadcast %mul3A_89 : i32 to vector<16xi32>
      %mul3A_91 = arith.muli %get3A_88, %mul3A_90 : vector<16xi32>
      %add3A_92 = vector.broadcast %arg0 : i32 to vector<16xi32>
      %add3A_93 = arith.addi %mul3A_91, %add3A_92 : vector<16xi32>
      %swap3A_94 = arith.constant 64 : index
      %swap3A_95 = tpu.vector_load %arg7[%swap3A_94] {strides = array<i32>} : memref<128xi32, #tpu.memory_space<vmem>>, vector<16xi32>,
      %swap3A_96 = vector.shape_cast %swap3A_95 : vector<16xi32> to vector<16xi32>
      %swap3A_97 = vector.shape_cast %add3A_93 : vector<16xi32> to vector<16xi32>
      tpu.vector_store %arg7[%swap3A_94], %swap3A_97 {strides = array<i32>} : memref<128xi32, #tpu.memory_space<vmem>>, vector<16xi32>,
      %get3A_98 = arith.constant 80 : index
      %get3A_99 = tpu.vector_load %arg6[%get3A_98] {strides = array<i32>} : memref<128xi32, #tpu.memory_space<vmem>>, vector<16xi32>,
      %get3A_100 = vector.shape_cast %get3A_99 : vector<16xi32> to vector<16xi32>
      %mul3A_101 = arith.constant 2 : i32
      %mul3A_102 = vector.broadcast %mul3A_101 : i32 to vector<16xi32>
      %mul3A_103 = arith.muli %get3A_100, %mul3A_102 : vector<16xi32>
      %add3A_104 = vector.broadcast %arg0 : i32 to vector<16xi32>
      %add3A_105 = arith.addi %mul3A_103, %add3A_104 : vector<16xi32>
      %swap3A_106 = arith.constant 80 : index
      %swap3A_107 = tpu.vector_load %arg7[%swap3A_106] {strides = array<i32>} : memref<128xi32, #tpu.memory_space<vmem>>, vector<16xi32>,
      %swap3A_108 = vector.shape_cast %swap3A_107 : vector<16xi32> to vector<16xi32>
      %swap3A_109 = vector.shape_cast %add3A_105 : vector<16xi32> to vector<16xi32>
      tpu.vector_store %arg7[%swap3A_106], %swap3A_109 {strides = array<i32>} : memref<128xi32, #tpu.memory_space<vmem>>, vector<16xi32>,
      %get3A_110 = arith.constant 96 : index
      %get3A_111 = tpu.vector_load %arg6[%get3A_110] {strides = array<i32>} : memref<128xi32, #tpu.memory_space<vmem>>, vector<16xi32>,
      %get3A_112 = vector.shape_cast %get3A_111 : vector<16xi32> to vector<16xi32>
      %mul3A_113 = arith.constant 2 : i32
      %mul3A_114 = vector.broadcast %mul3A_113 : i32 to vector<16xi32>
      %mul3A_115 = arith.muli %get3A_112, %mul3A_114 : vector<16xi32>
      %add3A_116 = vector.broadcast %arg0 : i32 to vector<16xi32>
      %add3A_117 = arith.addi %mul3A_115, %add3A_116 : vector<16xi32>
      %swap3A_118 = arith.constant 96 : index
      %swap3A_119 = tpu.vector_load %arg7[%swap3A_118] {strides = array<i32>} : memref<128xi32, #tpu.memory_space<vmem>>, vector<16xi32>,
      %swap3A_120 = vector.shape_cast %swap3A_119 : vector<16xi32> to vector<16xi32>
      %swap3A_121 = vector.shape_cast %add3A_117 : vector<16xi32> to vector<16xi32>
      tpu.vector_store %arg7[%swap3A_118], %swap3A_121 {strides = array<i32>} : memref<128xi32, #tpu.memory_space<vmem>>, vector<16xi32>,
      %get3A_122 = arith.constant 112 : index
      %get3A_123 = tpu.vector_load %arg6[%get3A_122] {strides = array<i32>} : memref<128xi32, #tpu.memory_space<vmem>>, vector<16xi32>,
      %get3A_124 = vector.shape_cast %get3A_123 : vector<16xi32> to vector<16xi32>
      %mul3A_125 = arith.constant 2 : i32
      %mul3A_126 = vector.broadcast %mul3A_125 : i32 to vector<16xi32>
      %mul3A_127 = arith.muli %get3A_124, %mul3A_126 : vector<16xi32>
      %add3A_128 = vector.broadcast %arg0 : i32 to vector<16xi32>
      %add3A_129 = arith.addi %mul3A_127, %add3A_128 : vector<16xi32>
      %swap3A_130 = arith.constant 112 : index
      %swap3A_131 = tpu.vector_load %arg7[%swap3A_130] {strides = array<i32>} : memref<128xi32, #tpu.memory_space<vmem>>, vector<16xi32>,
      %swap3A_132 = vector.shape_cast %swap3A_131 : vector<16xi32> to vector<16xi32>
      %swap3A_133 = vector.shape_cast %add3A_129 : vector<16xi32> to vector<16xi32>
      tpu.vector_store %arg7[%swap3A_130], %swap3A_133 {strides = array<i32>} : memref<128xi32, #tpu.memory_space<vmem>>, vector<16xi32>,
      %dma_start3A = arith.constant 0 : i32
      %dma_start3A_134 = arith.constant 0 : i32
      %dma_start3A_135 = tpu.memref_slice %arg2[%dma_start3A, %dma_start3A_134] : memref<20000x128xf32, #tpu.memory_space<hbm>> -> memref<20000x128xf32, #tpu.memory_space<hbm>>
      tpu.enqueue_indirect_dma source(%dma_start3A_135 : memref<20000x128xf32, #tpu.memory_space<hbm>>) target(%arg9 : memref<128x128xf32, #tpu.memory_space<vmem>>) offsets(%arg7 : memref<128xi32, #tpu.memory_space<vmem>>) semaphore(%arg12 : memref<!tpu.dma_semaphore, #tpu.memory_space<semaphore_mem>>)
      %dma_wait3A = arith.constant 0 : i32
      %dma_wait3A_136 = arith.constant 0 : i32
      %dma_wait3A_137 = tpu.memref_slice %arg2[%dma_wait3A, %dma_wait3A_136] : memref<20000x128xf32, #tpu.memory_space<hbm>> -> memref<20000x128xf32, #tpu.memory_space<hbm>>
      tpu.wait_indirect_dma semaphore(%arg12 : memref<!tpu.dma_semaphore, #tpu.memory_space<semaphore_mem>>) src(%dma_wait3A_137 : memref<20000x128xf32, #tpu.memory_space<hbm>>) dst(%arg9 : memref<128x128xf32, #tpu.memory_space<vmem>>)
      "tpu.region"() ({
        %run_scoped3A = tpu.sem_alloc : memref<!tpu.dma_semaphore, #tpu.memory_space<semaphore_mem>>
        %dma_start3A_139 = arith.constant 0 : i32
        %dma_start3A_140 = arith.constant 0 : i32
        %dma_start3A_141 = tpu.memref_slice %arg11[%dma_start3A_139, %dma_start3A_140] : memref<10240x128xf32, #tpu.memory_space<vmem_shared>> -> memref<10240x128xf32, #tpu.memory_space<vmem_shared>>
        tpu.enqueue_indirect_dma source(%arg9 : memref<128x128xf32, #tpu.memory_space<vmem>>) target(%dma_start3A_141 : memref<10240x128xf32, #tpu.memory_space<vmem_shared>>) offsets(%arg8 : memref<128xi32, #tpu.memory_space<vmem>>) semaphore(%run_scoped3A : memref<!tpu.dma_semaphore, #tpu.memory_space<semaphore_mem>>) {add = true}
        %dma_wait3A_142 = arith.constant 0 : i32
        %dma_wait3A_143 = arith.constant 0 : i32
        %dma_wait3A_144 = tpu.memref_slice %arg11[%dma_wait3A_142, %dma_wait3A_143] : memref<10240x128xf32, #tpu.memory_space<vmem_shared>> -> memref<10240x128xf32, #tpu.memory_space<vmem_shared>>
        tpu.wait_indirect_dma semaphore(%run_scoped3A : memref<!tpu.dma_semaphore, #tpu.memory_space<semaphore_mem>>) src(%arg9 : memref<128x128xf32, #tpu.memory_space<vmem>>) dst(%dma_wait3A_144 : memref<10240x128xf32, #tpu.memory_space<vmem_shared>>)
        tpu.yield
      }) : () -> ()
      %scan3A_138 = arith.constant 0 : i32
      scf.yield %scan3A_138 : i32
    }
    %scan3A_26 = arith.constant 158 : i32
    %barrier3A_27 = arith.constant 0 : index
    tpu.barrier barrier_id(%barrier3A_27)
    %scan3A_28 = arith.constant 0 : i32
    %scan3A_29 = arith.constant 0 : i32
    %scan3A_30 = arith.constant 5 : i32
    %scan3A_31 = arith.addi %scan3A_29, %scan3A_30 : i32
    %scan3A_32 = arith.constant 1 : i32
    %scan3A_33 = scf.for %scan3A_35 = %scan3A_29 to %scan3A_31 step %scan3A_32 iter_args(%scan3A_36 = %scan3A_28) -> (i32)  : i32 {
      %mul3A = arith.constant 640 : i32
      %mul3A_37 = arith.muli %arg1, %mul3A : i32
      %mul3A_38 = arith.constant 128 : i32
      %mul3A_39 = arith.muli %scan3A_35, %mul3A_38 : i32
      %add3A = arith.addi %mul3A_37, %mul3A_39 : i32
      "tpu.region"() ({
        %run_scoped3A = tpu.sem_alloc : memref<!tpu.dma_semaphore, #tpu.memory_space<semaphore_mem>>
        %dma_start3A = arith.constant 0 : i32
        %dma_start3A_41 = tpu.memref_slice %arg11[%add3A, %dma_start3A] : memref<10240x128xf32, #tpu.memory_space<vmem_shared>> -> memref<128x128xf32, #tpu.memory_space<vmem_shared>>
        %dma_start3A_42 = arith.constant 0 : i32
        %dma_start3A_43 = tpu.memref_slice %arg11[%add3A, %dma_start3A_42] : memref<10240x128xf32, #tpu.memory_space<vmem_shared>> -> memref<128x128xf32, #tpu.memory_space<vmem_shared>>
        tpu.enqueue_dma source(%dma_start3A_43 : memref<128x128xf32, #tpu.memory_space<vmem_shared>>) target(%arg9 : memref<128x128xf32, #tpu.memory_space<vmem>>) target_semaphore(%run_scoped3A : memref<!tpu.dma_semaphore, #tpu.memory_space<semaphore_mem>>)
        %dma_wait3A = arith.constant 0 : i32
        %dma_wait3A_44 = tpu.memref_slice %arg11[%add3A, %dma_wait3A] : memref<10240x128xf32, #tpu.memory_space<vmem_shared>> -> memref<128x128xf32, #tpu.memory_space<vmem_shared>>
        %dma_wait3A_45 = arith.constant 0 : i32
        %dma_wait3A_46 = tpu.memref_slice %arg11[%add3A, %dma_wait3A_45] : memref<10240x128xf32, #tpu.memory_space<vmem_shared>> -> memref<128x128xf32, #tpu.memory_space<vmem_shared>>
        tpu.wait_dma2 semaphore(%run_scoped3A : memref<!tpu.dma_semaphore, #tpu.memory_space<semaphore_mem>>) src(%dma_wait3A_46 : memref<128x128xf32, #tpu.memory_space<vmem_shared>>) dst(%arg9 : memref<128x128xf32, #tpu.memory_space<vmem>>)
        tpu.yield
      }) : () -> ()
      "tpu.region"() ({
        %run_scoped3A = tpu.sem_alloc : memref<!tpu.dma_semaphore, #tpu.memory_space<semaphore_mem>>
        %dma_start3A = arith.constant 0 : i32
        %dma_start3A_41 = tpu.memref_slice %arg5[%arg0, %add3A, %dma_start3A] : memref<2x10240x128xf32, #tpu.memory_space<hbm>> -> memref<1x128x128xf32, #tpu.memory_space<hbm>>
        %dma_start3A_42 = tpu.memref_squeeze %dma_start3A_41 : memref<1x128x128xf32, #tpu.memory_space<hbm>> -> memref<128x128xf32, #tpu.memory_space<hbm>>
        %dma_start3A_43 = arith.constant 0 : i32
        %dma_start3A_44 = tpu.memref_slice %arg5[%arg0, %add3A, %dma_start3A_43] : memref<2x10240x128xf32, #tpu.memory_space<hbm>> -> memref<1x128x128xf32, #tpu.memory_space<hbm>>
        %dma_start3A_45 = tpu.memref_squeeze %dma_start3A_44 : memref<1x128x128xf32, #tpu.memory_space<hbm>> -> memref<128x128xf32, #tpu.memory_space<hbm>>
        tpu.enqueue_dma source(%arg9 : memref<128x128xf32, #tpu.memory_space<vmem>>) target(%dma_start3A_45 : memref<128x128xf32, #tpu.memory_space<hbm>>) target_semaphore(%run_scoped3A : memref<!tpu.dma_semaphore, #tpu.memory_space<semaphore_mem>>)
        %dma_wait3A = arith.constant 0 : i32
        %dma_wait3A_46 = tpu.memref_slice %arg5[%arg0, %add3A, %dma_wait3A] : memref<2x10240x128xf32, #tpu.memory_space<hbm>> -> memref<1x128x128xf32, #tpu.memory_space<hbm>>
        %dma_wait3A_47 = tpu.memref_squeeze %dma_wait3A_46 : memref<1x128x128xf32, #tpu.memory_space<hbm>> -> memref<128x128xf32, #tpu.memory_space<hbm>>
        %dma_wait3A_48 = arith.constant 0 : i32
        %dma_wait3A_49 = tpu.memref_slice %arg5[%arg0, %add3A, %dma_wait3A_48] : memref<2x10240x128xf32, #tpu.memory_space<hbm>> -> memref<1x128x128xf32, #tpu.memory_space<hbm>>
        %dma_wait3A_50 = tpu.memref_squeeze %dma_wait3A_49 : memref<1x128x128xf32, #tpu.memory_space<hbm>> -> memref<128x128xf32, #tpu.memory_space<hbm>>
        tpu.wait_dma2 semaphore(%run_scoped3A : memref<!tpu.dma_semaphore, #tpu.memory_space<semaphore_mem>>) src(%arg9 : memref<128x128xf32, #tpu.memory_space<vmem>>) dst(%dma_wait3A_50 : memref<128x128xf32, #tpu.memory_space<hbm>>)
        tpu.yield
      }) : () -> ()
      %scan3A_40 = arith.constant 0 : i32
      scf.yield %scan3A_40 : i32
    }
    %scan3A_34 = arith.constant 5 : i32
    return
  }
}

#map = affine_map<(d0, d1) -> (0, 0)>
#map1 = affine_map<(d0, d1) -> (0)>
#map2 = affine_map<(d0, d1) -> (0, 0, 0)>
module attributes {stable_mosaic.version = 14 : i64} {
  func.func @body(%arg0: i32, %arg1: i32, %arg2: memref<10000x128xf32, #tpu.memory_space<hbm>>, %arg3: memref<323584xi32, #tpu.memory_space<hbm>>, %arg4: memref<323584xi32, #tpu.memory_space<hbm>>, %arg5: memref<2x10240x128xf32, #tpu.memory_space<hbm>>, %arg6: memref<2x10240x16xf32, #tpu.memory_space<hbm>>, %arg7: memref<128xi32, #tpu.memory_space<vmem>>, %arg8: memref<128xi32, #tpu.memory_space<vmem>>, %arg9: memref<128xi32, #tpu.memory_space<vmem>>, %arg10: memref<128x128xf32, #tpu.memory_space<vmem>>, %arg11: memref<128x16xf32, #tpu.memory_space<vmem>>, %arg12: memref<10240x128xf32, #tpu.memory_space<vmem_shared>>, %arg13: memref<10240x16xf32, #tpu.memory_space<vmem_shared>>, %arg14: memref<!tpu.dma_semaphore, #tpu.memory_space<semaphore_mem>>) attributes {dimension_semantics = [#tpu.dimension_semantics<core_parallel>, #tpu.dimension_semantics<subcore_parallel>], iteration_bounds = array<i64: 2, 16>, scalar_prefetch = 0 : i64, scratch_operands = 8 : i64, tpu.core_type = #tpu.core_type<sc_vector_subcore>, window_params = [{transform_indices = #map}, {transform_indices = #map1}, {transform_indices = #map1}, {transform_indices = #map2}, {transform_indices = #map2}]} {
    %mul3A = arith.constant 16 : i32
    %mul3A_0 = arith.muli %arg0, %mul3A : i32
    %add3A = arith.addi %mul3A_0, %arg1 : i32
    %scan3A = arith.constant 0 : i32
    %scan3A_1 = arith.constant 0 : i32
    %scan3A_2 = arith.constant 128 : i32
    %scan3A_3 = arith.addi %scan3A_1, %scan3A_2 : i32
    %scan3A_4 = arith.constant 1 : i32
    %scan3A_5 = scf.for %scan3A_43 = %scan3A_1 to %scan3A_3 step %scan3A_4 iter_args(%scan3A_44 = %scan3A) -> (i32)  : i32 {
      %broadcast_in_dim3A = arith.constant 0.000000e+00 : f32
      %broadcast_in_dim3A_45 = vector.broadcast %broadcast_in_dim3A : f32 to vector<16xf32>
      %swap3A = arith.index_cast %scan3A_43 : i32 to index
      %swap3A_46 = arith.constant 0 : index
      %swap3A_47 = tpu.vector_load %arg10[%swap3A, %swap3A_46] {strides = array<i32>} : memref<128x128xf32, #tpu.memory_space<vmem>>, vector<1x16xf32>,
      %swap3A_48 = vector.shape_cast %swap3A_47 : vector<1x16xf32> to vector<16xf32>
      %swap3A_49 = vector.shape_cast %broadcast_in_dim3A_45 : vector<16xf32> to vector<1x16xf32>
      tpu.vector_store %arg10[%swap3A, %swap3A_46], %swap3A_49 {strides = array<i32>} : memref<128x128xf32, #tpu.memory_space<vmem>>, vector<1x16xf32>,
      %broadcast_in_dim3A_50 = arith.constant 0.000000e+00 : f32
      %broadcast_in_dim3A_51 = vector.broadcast %broadcast_in_dim3A_50 : f32 to vector<16xf32>
      %swap3A_52 = arith.index_cast %scan3A_43 : i32 to index
      %swap3A_53 = arith.constant 16 : index
      %swap3A_54 = tpu.vector_load %arg10[%swap3A_52, %swap3A_53] {strides = array<i32>} : memref<128x128xf32, #tpu.memory_space<vmem>>, vector<1x16xf32>,
      %swap3A_55 = vector.shape_cast %swap3A_54 : vector<1x16xf32> to vector<16xf32>
      %swap3A_56 = vector.shape_cast %broadcast_in_dim3A_51 : vector<16xf32> to vector<1x16xf32>
      tpu.vector_store %arg10[%swap3A_52, %swap3A_53], %swap3A_56 {strides = array<i32>} : memref<128x128xf32, #tpu.memory_space<vmem>>, vector<1x16xf32>,
      %broadcast_in_dim3A_57 = arith.constant 0.000000e+00 : f32
      %broadcast_in_dim3A_58 = vector.broadcast %broadcast_in_dim3A_57 : f32 to vector<16xf32>
      %swap3A_59 = arith.index_cast %scan3A_43 : i32 to index
      %swap3A_60 = arith.constant 32 : index
      %swap3A_61 = tpu.vector_load %arg10[%swap3A_59, %swap3A_60] {strides = array<i32>} : memref<128x128xf32, #tpu.memory_space<vmem>>, vector<1x16xf32>,
      %swap3A_62 = vector.shape_cast %swap3A_61 : vector<1x16xf32> to vector<16xf32>
      %swap3A_63 = vector.shape_cast %broadcast_in_dim3A_58 : vector<16xf32> to vector<1x16xf32>
      tpu.vector_store %arg10[%swap3A_59, %swap3A_60], %swap3A_63 {strides = array<i32>} : memref<128x128xf32, #tpu.memory_space<vmem>>, vector<1x16xf32>,
      %broadcast_in_dim3A_64 = arith.constant 0.000000e+00 : f32
      %broadcast_in_dim3A_65 = vector.broadcast %broadcast_in_dim3A_64 : f32 to vector<16xf32>
      %swap3A_66 = arith.index_cast %scan3A_43 : i32 to index
      %swap3A_67 = arith.constant 48 : index
      %swap3A_68 = tpu.vector_load %arg10[%swap3A_66, %swap3A_67] {strides = array<i32>} : memref<128x128xf32, #tpu.memory_space<vmem>>, vector<1x16xf32>,
      %swap3A_69 = vector.shape_cast %swap3A_68 : vector<1x16xf32> to vector<16xf32>
      %swap3A_70 = vector.shape_cast %broadcast_in_dim3A_65 : vector<16xf32> to vector<1x16xf32>
      tpu.vector_store %arg10[%swap3A_66, %swap3A_67], %swap3A_70 {strides = array<i32>} : memref<128x128xf32, #tpu.memory_space<vmem>>, vector<1x16xf32>,
      %broadcast_in_dim3A_71 = arith.constant 0.000000e+00 : f32
      %broadcast_in_dim3A_72 = vector.broadcast %broadcast_in_dim3A_71 : f32 to vector<16xf32>
      %swap3A_73 = arith.index_cast %scan3A_43 : i32 to index
      %swap3A_74 = arith.constant 64 : index
      %swap3A_75 = tpu.vector_load %arg10[%swap3A_73, %swap3A_74] {strides = array<i32>} : memref<128x128xf32, #tpu.memory_space<vmem>>, vector<1x16xf32>,
      %swap3A_76 = vector.shape_cast %swap3A_75 : vector<1x16xf32> to vector<16xf32>
      %swap3A_77 = vector.shape_cast %broadcast_in_dim3A_72 : vector<16xf32> to vector<1x16xf32>
      tpu.vector_store %arg10[%swap3A_73, %swap3A_74], %swap3A_77 {strides = array<i32>} : memref<128x128xf32, #tpu.memory_space<vmem>>, vector<1x16xf32>,
      %broadcast_in_dim3A_78 = arith.constant 0.000000e+00 : f32
      %broadcast_in_dim3A_79 = vector.broadcast %broadcast_in_dim3A_78 : f32 to vector<16xf32>
      %swap3A_80 = arith.index_cast %scan3A_43 : i32 to index
      %swap3A_81 = arith.constant 80 : index
      %swap3A_82 = tpu.vector_load %arg10[%swap3A_80, %swap3A_81] {strides = array<i32>} : memref<128x128xf32, #tpu.memory_space<vmem>>, vector<1x16xf32>,
      %swap3A_83 = vector.shape_cast %swap3A_82 : vector<1x16xf32> to vector<16xf32>
      %swap3A_84 = vector.shape_cast %broadcast_in_dim3A_79 : vector<16xf32> to vector<1x16xf32>
      tpu.vector_store %arg10[%swap3A_80, %swap3A_81], %swap3A_84 {strides = array<i32>} : memref<128x128xf32, #tpu.memory_space<vmem>>, vector<1x16xf32>,
      %broadcast_in_dim3A_85 = arith.constant 0.000000e+00 : f32
      %broadcast_in_dim3A_86 = vector.broadcast %broadcast_in_dim3A_85 : f32 to vector<16xf32>
      %swap3A_87 = arith.index_cast %scan3A_43 : i32 to index
      %swap3A_88 = arith.constant 96 : index
      %swap3A_89 = tpu.vector_load %arg10[%swap3A_87, %swap3A_88] {strides = array<i32>} : memref<128x128xf32, #tpu.memory_space<vmem>>, vector<1x16xf32>,
      %swap3A_90 = vector.shape_cast %swap3A_89 : vector<1x16xf32> to vector<16xf32>
      %swap3A_91 = vector.shape_cast %broadcast_in_dim3A_86 : vector<16xf32> to vector<1x16xf32>
      tpu.vector_store %arg10[%swap3A_87, %swap3A_88], %swap3A_91 {strides = array<i32>} : memref<128x128xf32, #tpu.memory_space<vmem>>, vector<1x16xf32>,
      %broadcast_in_dim3A_92 = arith.constant 0.000000e+00 : f32
      %broadcast_in_dim3A_93 = vector.broadcast %broadcast_in_dim3A_92 : f32 to vector<16xf32>
      %swap3A_94 = arith.index_cast %scan3A_43 : i32 to index
      %swap3A_95 = arith.constant 112 : index
      %swap3A_96 = tpu.vector_load %arg10[%swap3A_94, %swap3A_95] {strides = array<i32>} : memref<128x128xf32, #tpu.memory_space<vmem>>, vector<1x16xf32>,
      %swap3A_97 = vector.shape_cast %swap3A_96 : vector<1x16xf32> to vector<16xf32>
      %swap3A_98 = vector.shape_cast %broadcast_in_dim3A_93 : vector<16xf32> to vector<1x16xf32>
      tpu.vector_store %arg10[%swap3A_94, %swap3A_95], %swap3A_98 {strides = array<i32>} : memref<128x128xf32, #tpu.memory_space<vmem>>, vector<1x16xf32>,
      %scan3A_99 = arith.constant 0 : i32
      scf.yield %scan3A_99 : i32
    }
    %scan3A_6 = arith.constant 128 : i32
    %scan3A_7 = arith.constant 0 : i32
    %scan3A_8 = arith.constant 0 : i32
    %scan3A_9 = arith.constant 128 : i32
    %scan3A_10 = arith.addi %scan3A_8, %scan3A_9 : i32
    %scan3A_11 = arith.constant 1 : i32
    %scan3A_12 = scf.for %scan3A_43 = %scan3A_8 to %scan3A_10 step %scan3A_11 iter_args(%scan3A_44 = %scan3A_7) -> (i32)  : i32 {
      %broadcast_in_dim3A = arith.constant 0.000000e+00 : f32
      %broadcast_in_dim3A_45 = vector.broadcast %broadcast_in_dim3A : f32 to vector<16xf32>
      %swap3A = arith.index_cast %scan3A_43 : i32 to index
      %swap3A_46 = arith.constant 0 : index
      %swap3A_47 = tpu.vector_load %arg11[%swap3A, %swap3A_46] {strides = array<i32>} : memref<128x16xf32, #tpu.memory_space<vmem>>, vector<1x16xf32>,
      %swap3A_48 = vector.shape_cast %swap3A_47 : vector<1x16xf32> to vector<16xf32>
      %swap3A_49 = vector.shape_cast %broadcast_in_dim3A_45 : vector<16xf32> to vector<1x16xf32>
      tpu.vector_store %arg11[%swap3A, %swap3A_46], %swap3A_49 {strides = array<i32>} : memref<128x16xf32, #tpu.memory_space<vmem>>, vector<1x16xf32>,
      %scan3A_50 = arith.constant 0 : i32
      scf.yield %scan3A_50 : i32
    }
    %scan3A_13 = arith.constant 128 : i32
    %scan3A_14 = arith.constant 0 : i32
    %scan3A_15 = arith.constant 0 : i32
    %scan3A_16 = arith.constant 5 : i32
    %scan3A_17 = arith.addi %scan3A_15, %scan3A_16 : i32
    %scan3A_18 = arith.constant 1 : i32
    %scan3A_19 = scf.for %scan3A_43 = %scan3A_15 to %scan3A_17 step %scan3A_18 iter_args(%scan3A_44 = %scan3A_14) -> (i32)  : i32 {
      %mul3A_45 = arith.constant 640 : i32
      %mul3A_46 = arith.muli %arg1, %mul3A_45 : i32
      %mul3A_47 = arith.constant 128 : i32
      %mul3A_48 = arith.muli %scan3A_43, %mul3A_47 : i32
      %add3A_49 = arith.addi %mul3A_46, %mul3A_48 : i32
      "tpu.region"() ({
        %run_scoped3A = tpu.sem_alloc : memref<!tpu.dma_semaphore, #tpu.memory_space<semaphore_mem>>
        %dma_start3A = arith.constant 0 : i32
        %dma_start3A_51 = tpu.memref_slice %arg12[%add3A_49, %dma_start3A] : memref<10240x128xf32, #tpu.memory_space<vmem_shared>> -> memref<128x128xf32, #tpu.memory_space<vmem_shared>>
        %dma_start3A_52 = arith.constant 0 : i32
        %dma_start3A_53 = tpu.memref_slice %arg12[%add3A_49, %dma_start3A_52] : memref<10240x128xf32, #tpu.memory_space<vmem_shared>> -> memref<128x128xf32, #tpu.memory_space<vmem_shared>>
        tpu.enqueue_dma source(%arg10 : memref<128x128xf32, #tpu.memory_space<vmem>>) target(%dma_start3A_53 : memref<128x128xf32, #tpu.memory_space<vmem_shared>>) target_semaphore(%run_scoped3A : memref<!tpu.dma_semaphore, #tpu.memory_space<semaphore_mem>>)
        %dma_wait3A = arith.constant 0 : i32
        %dma_wait3A_54 = tpu.memref_slice %arg12[%add3A_49, %dma_wait3A] : memref<10240x128xf32, #tpu.memory_space<vmem_shared>> -> memref<128x128xf32, #tpu.memory_space<vmem_shared>>
        %dma_wait3A_55 = arith.constant 0 : i32
        %dma_wait3A_56 = tpu.memref_slice %arg12[%add3A_49, %dma_wait3A_55] : memref<10240x128xf32, #tpu.memory_space<vmem_shared>> -> memref<128x128xf32, #tpu.memory_space<vmem_shared>>
        tpu.wait_dma2 semaphore(%run_scoped3A : memref<!tpu.dma_semaphore, #tpu.memory_space<semaphore_mem>>) src(%arg10 : memref<128x128xf32, #tpu.memory_space<vmem>>) dst(%dma_wait3A_56 : memref<128x128xf32, #tpu.memory_space<vmem_shared>>)
        tpu.yield
      }) : () -> ()
      "tpu.region"() ({
        %run_scoped3A = tpu.sem_alloc : memref<!tpu.dma_semaphore, #tpu.memory_space<semaphore_mem>>
        %dma_start3A = arith.constant 0 : i32
        %dma_start3A_51 = tpu.memref_slice %arg13[%add3A_49, %dma_start3A] : memref<10240x16xf32, #tpu.memory_space<vmem_shared>> -> memref<128x16xf32, #tpu.memory_space<vmem_shared>>
        %dma_start3A_52 = arith.constant 0 : i32
        %dma_start3A_53 = tpu.memref_slice %arg13[%add3A_49, %dma_start3A_52] : memref<10240x16xf32, #tpu.memory_space<vmem_shared>> -> memref<128x16xf32, #tpu.memory_space<vmem_shared>>
        tpu.enqueue_dma source(%arg11 : memref<128x16xf32, #tpu.memory_space<vmem>>) target(%dma_start3A_53 : memref<128x16xf32, #tpu.memory_space<vmem_shared>>) target_semaphore(%run_scoped3A : memref<!tpu.dma_semaphore, #tpu.memory_space<semaphore_mem>>)
        %dma_wait3A = arith.constant 0 : i32
        %dma_wait3A_54 = tpu.memref_slice %arg13[%add3A_49, %dma_wait3A] : memref<10240x16xf32, #tpu.memory_space<vmem_shared>> -> memref<128x16xf32, #tpu.memory_space<vmem_shared>>
        %dma_wait3A_55 = arith.constant 0 : i32
        %dma_wait3A_56 = tpu.memref_slice %arg13[%add3A_49, %dma_wait3A_55] : memref<10240x16xf32, #tpu.memory_space<vmem_shared>> -> memref<128x16xf32, #tpu.memory_space<vmem_shared>>
        tpu.wait_dma2 semaphore(%run_scoped3A : memref<!tpu.dma_semaphore, #tpu.memory_space<semaphore_mem>>) src(%arg11 : memref<128x16xf32, #tpu.memory_space<vmem>>) dst(%dma_wait3A_56 : memref<128x16xf32, #tpu.memory_space<vmem_shared>>)
        tpu.yield
      }) : () -> ()
      %scan3A_50 = arith.constant 0 : i32
      scf.yield %scan3A_50 : i32
    }
    %scan3A_20 = arith.constant 5 : i32
    %scan3A_21 = arith.constant 0 : i32
    %scan3A_22 = arith.constant 0 : i32
    %scan3A_23 = arith.constant 128 : i32
    %scan3A_24 = arith.addi %scan3A_22, %scan3A_23 : i32
    %scan3A_25 = arith.constant 1 : i32
    %scan3A_26 = scf.for %scan3A_43 = %scan3A_22 to %scan3A_24 step %scan3A_25 iter_args(%scan3A_44 = %scan3A_21) -> (i32)  : i32 {
      %broadcast_in_dim3A = arith.constant 1.000000e+00 : f32
      %broadcast_in_dim3A_45 = vector.broadcast %broadcast_in_dim3A : f32 to vector<16xf32>
      %swap3A = arith.index_cast %scan3A_43 : i32 to index
      %swap3A_46 = arith.constant 0 : index
      %swap3A_47 = tpu.vector_load %arg11[%swap3A, %swap3A_46] {strides = array<i32>} : memref<128x16xf32, #tpu.memory_space<vmem>>, vector<1x16xf32>,
      %swap3A_48 = vector.shape_cast %swap3A_47 : vector<1x16xf32> to vector<16xf32>
      %swap3A_49 = vector.shape_cast %broadcast_in_dim3A_45 : vector<16xf32> to vector<1x16xf32>
      tpu.vector_store %arg11[%swap3A, %swap3A_46], %swap3A_49 {strides = array<i32>} : memref<128x16xf32, #tpu.memory_space<vmem>>, vector<1x16xf32>,
      %scan3A_50 = arith.constant 0 : i32
      scf.yield %scan3A_50 : i32
    }
    %scan3A_27 = arith.constant 128 : i32
    %barrier3A = arith.constant 0 : index
    tpu.barrier barrier_id(%barrier3A)
    %scan3A_28 = arith.constant 0 : i32
    %scan3A_29 = arith.constant 0 : i32
    %scan3A_30 = arith.constant 79 : i32
    %scan3A_31 = arith.addi %scan3A_29, %scan3A_30 : i32
    %scan3A_32 = arith.constant 1 : i32
    %scan3A_33 = scf.for %scan3A_43 = %scan3A_29 to %scan3A_31 step %scan3A_32 iter_args(%scan3A_44 = %scan3A_28) -> (i32)  : i32 {
      %mul3A_45 = arith.constant 10112 : i32
      %mul3A_46 = arith.muli %add3A, %mul3A_45 : i32
      %mul3A_47 = arith.constant 128 : i32
      %mul3A_48 = arith.muli %scan3A_43, %mul3A_47 : i32
      %add3A_49 = arith.addi %mul3A_46, %mul3A_48 : i32
      "tpu.region"() ({
        %run_scoped3A = tpu.sem_alloc : memref<!tpu.dma_semaphore, #tpu.memory_space<semaphore_mem>>
        %dma_start3A_55 = tpu.memref_slice %arg3[%add3A_49] : memref<323584xi32, #tpu.memory_space<hbm>> -> memref<128xi32, #tpu.memory_space<hbm>>
        %dma_start3A_56 = tpu.memref_slice %arg3[%add3A_49] : memref<323584xi32, #tpu.memory_space<hbm>> -> memref<128xi32, #tpu.memory_space<hbm>>
        tpu.enqueue_dma source(%dma_start3A_56 : memref<128xi32, #tpu.memory_space<hbm>>) target(%arg7 : memref<128xi32, #tpu.memory_space<vmem>>) target_semaphore(%run_scoped3A : memref<!tpu.dma_semaphore, #tpu.memory_space<semaphore_mem>>)
        %dma_wait3A_57 = tpu.memref_slice %arg3[%add3A_49] : memref<323584xi32, #tpu.memory_space<hbm>> -> memref<128xi32, #tpu.memory_space<hbm>>
        %dma_wait3A_58 = tpu.memref_slice %arg3[%add3A_49] : memref<323584xi32, #tpu.memory_space<hbm>> -> memref<128xi32, #tpu.memory_space<hbm>>
        tpu.wait_dma2 semaphore(%run_scoped3A : memref<!tpu.dma_semaphore, #tpu.memory_space<semaphore_mem>>) src(%dma_wait3A_58 : memref<128xi32, #tpu.memory_space<hbm>>) dst(%arg7 : memref<128xi32, #tpu.memory_space<vmem>>)
        tpu.yield
      }) : () -> ()
      "tpu.region"() ({
        %run_scoped3A = tpu.sem_alloc : memref<!tpu.dma_semaphore, #tpu.memory_space<semaphore_mem>>
        %dma_start3A_55 = tpu.memref_slice %arg4[%add3A_49] : memref<323584xi32, #tpu.memory_space<hbm>> -> memref<128xi32, #tpu.memory_space<hbm>>
        %dma_start3A_56 = tpu.memref_slice %arg4[%add3A_49] : memref<323584xi32, #tpu.memory_space<hbm>> -> memref<128xi32, #tpu.memory_space<hbm>>
        tpu.enqueue_dma source(%dma_start3A_56 : memref<128xi32, #tpu.memory_space<hbm>>) target(%arg9 : memref<128xi32, #tpu.memory_space<vmem>>) target_semaphore(%run_scoped3A : memref<!tpu.dma_semaphore, #tpu.memory_space<semaphore_mem>>)
        %dma_wait3A_57 = tpu.memref_slice %arg4[%add3A_49] : memref<323584xi32, #tpu.memory_space<hbm>> -> memref<128xi32, #tpu.memory_space<hbm>>
        %dma_wait3A_58 = tpu.memref_slice %arg4[%add3A_49] : memref<323584xi32, #tpu.memory_space<hbm>> -> memref<128xi32, #tpu.memory_space<hbm>>
        tpu.wait_dma2 semaphore(%run_scoped3A : memref<!tpu.dma_semaphore, #tpu.memory_space<semaphore_mem>>) src(%dma_wait3A_58 : memref<128xi32, #tpu.memory_space<hbm>>) dst(%arg9 : memref<128xi32, #tpu.memory_space<vmem>>)
        tpu.yield
      }) : () -> ()
      %dma_start3A = arith.constant 0 : i32
      %dma_start3A_50 = arith.constant 0 : i32
      %dma_start3A_51 = tpu.memref_slice %arg2[%dma_start3A, %dma_start3A_50] : memref<10000x128xf32, #tpu.memory_space<hbm>> -> memref<10000x128xf32, #tpu.memory_space<hbm>>
      tpu.enqueue_indirect_dma source(%dma_start3A_51 : memref<10000x128xf32, #tpu.memory_space<hbm>>) target(%arg10 : memref<128x128xf32, #tpu.memory_space<vmem>>) offsets(%arg7 : memref<128xi32, #tpu.memory_space<vmem>>) semaphore(%arg14 : memref<!tpu.dma_semaphore, #tpu.memory_space<semaphore_mem>>)
      %dma_wait3A = arith.constant 0 : i32
      %dma_wait3A_52 = arith.constant 0 : i32
      %dma_wait3A_53 = tpu.memref_slice %arg2[%dma_wait3A, %dma_wait3A_52] : memref<10000x128xf32, #tpu.memory_space<hbm>> -> memref<10000x128xf32, #tpu.memory_space<hbm>>
      tpu.wait_indirect_dma semaphore(%arg14 : memref<!tpu.dma_semaphore, #tpu.memory_space<semaphore_mem>>) src(%dma_wait3A_53 : memref<10000x128xf32, #tpu.memory_space<hbm>>) dst(%arg10 : memref<128x128xf32, #tpu.memory_space<vmem>>)
      "tpu.region"() ({
        %run_scoped3A = tpu.sem_alloc : memref<!tpu.dma_semaphore, #tpu.memory_space<semaphore_mem>>
        %dma_start3A_55 = arith.constant 0 : i32
        %dma_start3A_56 = arith.constant 0 : i32
        %dma_start3A_57 = tpu.memref_slice %arg12[%dma_start3A_55, %dma_start3A_56] : memref<10240x128xf32, #tpu.memory_space<vmem_shared>> -> memref<10240x128xf32, #tpu.memory_space<vmem_shared>>
        tpu.enqueue_indirect_dma source(%arg10 : memref<128x128xf32, #tpu.memory_space<vmem>>) target(%dma_start3A_57 : memref<10240x128xf32, #tpu.memory_space<vmem_shared>>) offsets(%arg9 : memref<128xi32, #tpu.memory_space<vmem>>) semaphore(%run_scoped3A : memref<!tpu.dma_semaphore, #tpu.memory_space<semaphore_mem>>) {add = true}
        %dma_wait3A_58 = arith.constant 0 : i32
        %dma_wait3A_59 = arith.constant 0 : i32
        %dma_wait3A_60 = tpu.memref_slice %arg12[%dma_wait3A_58, %dma_wait3A_59] : memref<10240x128xf32, #tpu.memory_space<vmem_shared>> -> memref<10240x128xf32, #tpu.memory_space<vmem_shared>>
        tpu.wait_indirect_dma semaphore(%run_scoped3A : memref<!tpu.dma_semaphore, #tpu.memory_space<semaphore_mem>>) src(%arg10 : memref<128x128xf32, #tpu.memory_space<vmem>>) dst(%dma_wait3A_60 : memref<10240x128xf32, #tpu.memory_space<vmem_shared>>)
        tpu.yield
      }) : () -> ()
      "tpu.region"() ({
        %run_scoped3A = tpu.sem_alloc : memref<!tpu.dma_semaphore, #tpu.memory_space<semaphore_mem>>
        %dma_start3A_55 = arith.constant 0 : i32
        %dma_start3A_56 = arith.constant 0 : i32
        %dma_start3A_57 = tpu.memref_slice %arg13[%dma_start3A_55, %dma_start3A_56] : memref<10240x16xf32, #tpu.memory_space<vmem_shared>> -> memref<10240x16xf32, #tpu.memory_space<vmem_shared>>
        tpu.enqueue_indirect_dma source(%arg11 : memref<128x16xf32, #tpu.memory_space<vmem>>) target(%dma_start3A_57 : memref<10240x16xf32, #tpu.memory_space<vmem_shared>>) offsets(%arg9 : memref<128xi32, #tpu.memory_space<vmem>>) semaphore(%run_scoped3A : memref<!tpu.dma_semaphore, #tpu.memory_space<semaphore_mem>>) {add = true}
        %dma_wait3A_58 = arith.constant 0 : i32
        %dma_wait3A_59 = arith.constant 0 : i32
        %dma_wait3A_60 = tpu.memref_slice %arg13[%dma_wait3A_58, %dma_wait3A_59] : memref<10240x16xf32, #tpu.memory_space<vmem_shared>> -> memref<10240x16xf32, #tpu.memory_space<vmem_shared>>
        tpu.wait_indirect_dma semaphore(%run_scoped3A : memref<!tpu.dma_semaphore, #tpu.memory_space<semaphore_mem>>) src(%arg11 : memref<128x16xf32, #tpu.memory_space<vmem>>) dst(%dma_wait3A_60 : memref<10240x16xf32, #tpu.memory_space<vmem_shared>>)
        tpu.yield
      }) : () -> ()
      %scan3A_54 = arith.constant 0 : i32
      scf.yield %scan3A_54 : i32
    }
    %scan3A_34 = arith.constant 79 : i32
    %barrier3A_35 = arith.constant 0 : index
    tpu.barrier barrier_id(%barrier3A_35)
    %scan3A_36 = arith.constant 0 : i32
    %scan3A_37 = arith.constant 0 : i32
    %scan3A_38 = arith.constant 5 : i32
    %scan3A_39 = arith.addi %scan3A_37, %scan3A_38 : i32
    %scan3A_40 = arith.constant 1 : i32
    %scan3A_41 = scf.for %scan3A_43 = %scan3A_37 to %scan3A_39 step %scan3A_40 iter_args(%scan3A_44 = %scan3A_36) -> (i32)  : i32 {
      %mul3A_45 = arith.constant 640 : i32
      %mul3A_46 = arith.muli %arg1, %mul3A_45 : i32
      %mul3A_47 = arith.constant 128 : i32
      %mul3A_48 = arith.muli %scan3A_43, %mul3A_47 : i32
      %add3A_49 = arith.addi %mul3A_46, %mul3A_48 : i32
      "tpu.region"() ({
        %run_scoped3A = tpu.sem_alloc : memref<!tpu.dma_semaphore, #tpu.memory_space<semaphore_mem>>
        %dma_start3A = arith.constant 0 : i32
        %dma_start3A_51 = tpu.memref_slice %arg12[%add3A_49, %dma_start3A] : memref<10240x128xf32, #tpu.memory_space<vmem_shared>> -> memref<128x128xf32, #tpu.memory_space<vmem_shared>>
        %dma_start3A_52 = arith.constant 0 : i32
        %dma_start3A_53 = tpu.memref_slice %arg12[%add3A_49, %dma_start3A_52] : memref<10240x128xf32, #tpu.memory_space<vmem_shared>> -> memref<128x128xf32, #tpu.memory_space<vmem_shared>>
        tpu.enqueue_dma source(%dma_start3A_53 : memref<128x128xf32, #tpu.memory_space<vmem_shared>>) target(%arg10 : memref<128x128xf32, #tpu.memory_space<vmem>>) target_semaphore(%run_scoped3A : memref<!tpu.dma_semaphore, #tpu.memory_space<semaphore_mem>>)
        %dma_wait3A = arith.constant 0 : i32
        %dma_wait3A_54 = tpu.memref_slice %arg12[%add3A_49, %dma_wait3A] : memref<10240x128xf32, #tpu.memory_space<vmem_shared>> -> memref<128x128xf32, #tpu.memory_space<vmem_shared>>
        %dma_wait3A_55 = arith.constant 0 : i32
        %dma_wait3A_56 = tpu.memref_slice %arg12[%add3A_49, %dma_wait3A_55] : memref<10240x128xf32, #tpu.memory_space<vmem_shared>> -> memref<128x128xf32, #tpu.memory_space<vmem_shared>>
        tpu.wait_dma2 semaphore(%run_scoped3A : memref<!tpu.dma_semaphore, #tpu.memory_space<semaphore_mem>>) src(%dma_wait3A_56 : memref<128x128xf32, #tpu.memory_space<vmem_shared>>) dst(%arg10 : memref<128x128xf32, #tpu.memory_space<vmem>>)
        tpu.yield
      }) : () -> ()
      "tpu.region"() ({
        %run_scoped3A = tpu.sem_alloc : memref<!tpu.dma_semaphore, #tpu.memory_space<semaphore_mem>>
        %dma_start3A = arith.constant 0 : i32
        %dma_start3A_51 = tpu.memref_slice %arg5[%arg0, %add3A_49, %dma_start3A] : memref<2x10240x128xf32, #tpu.memory_space<hbm>> -> memref<1x128x128xf32, #tpu.memory_space<hbm>>
        %dma_start3A_52 = tpu.memref_squeeze %dma_start3A_51 : memref<1x128x128xf32, #tpu.memory_space<hbm>> -> memref<128x128xf32, #tpu.memory_space<hbm>>
        %dma_start3A_53 = arith.constant 0 : i32
        %dma_start3A_54 = tpu.memref_slice %arg5[%arg0, %add3A_49, %dma_start3A_53] : memref<2x10240x128xf32, #tpu.memory_space<hbm>> -> memref<1x128x128xf32, #tpu.memory_space<hbm>>
        %dma_start3A_55 = tpu.memref_squeeze %dma_start3A_54 : memref<1x128x128xf32, #tpu.memory_space<hbm>> -> memref<128x128xf32, #tpu.memory_space<hbm>>
        tpu.enqueue_dma source(%arg10 : memref<128x128xf32, #tpu.memory_space<vmem>>) target(%dma_start3A_55 : memref<128x128xf32, #tpu.memory_space<hbm>>) target_semaphore(%run_scoped3A : memref<!tpu.dma_semaphore, #tpu.memory_space<semaphore_mem>>)
        %dma_wait3A = arith.constant 0 : i32
        %dma_wait3A_56 = tpu.memref_slice %arg5[%arg0, %add3A_49, %dma_wait3A] : memref<2x10240x128xf32, #tpu.memory_space<hbm>> -> memref<1x128x128xf32, #tpu.memory_space<hbm>>
        %dma_wait3A_57 = tpu.memref_squeeze %dma_wait3A_56 : memref<1x128x128xf32, #tpu.memory_space<hbm>> -> memref<128x128xf32, #tpu.memory_space<hbm>>
        %dma_wait3A_58 = arith.constant 0 : i32
        %dma_wait3A_59 = tpu.memref_slice %arg5[%arg0, %add3A_49, %dma_wait3A_58] : memref<2x10240x128xf32, #tpu.memory_space<hbm>> -> memref<1x128x128xf32, #tpu.memory_space<hbm>>
        %dma_wait3A_60 = tpu.memref_squeeze %dma_wait3A_59 : memref<1x128x128xf32, #tpu.memory_space<hbm>> -> memref<128x128xf32, #tpu.memory_space<hbm>>
        tpu.wait_dma2 semaphore(%run_scoped3A : memref<!tpu.dma_semaphore, #tpu.memory_space<semaphore_mem>>) src(%arg10 : memref<128x128xf32, #tpu.memory_space<vmem>>) dst(%dma_wait3A_60 : memref<128x128xf32, #tpu.memory_space<hbm>>)
        tpu.yield
      }) : () -> ()
      "tpu.region"() ({
        %run_scoped3A = tpu.sem_alloc : memref<!tpu.dma_semaphore, #tpu.memory_space<semaphore_mem>>
        %dma_start3A = arith.constant 0 : i32
        %dma_start3A_51 = tpu.memref_slice %arg13[%add3A_49, %dma_start3A] : memref<10240x16xf32, #tpu.memory_space<vmem_shared>> -> memref<128x16xf32, #tpu.memory_space<vmem_shared>>
        %dma_start3A_52 = arith.constant 0 : i32
        %dma_start3A_53 = tpu.memref_slice %arg13[%add3A_49, %dma_start3A_52] : memref<10240x16xf32, #tpu.memory_space<vmem_shared>> -> memref<128x16xf32, #tpu.memory_space<vmem_shared>>
        tpu.enqueue_dma source(%dma_start3A_53 : memref<128x16xf32, #tpu.memory_space<vmem_shared>>) target(%arg11 : memref<128x16xf32, #tpu.memory_space<vmem>>) target_semaphore(%run_scoped3A : memref<!tpu.dma_semaphore, #tpu.memory_space<semaphore_mem>>)
        %dma_wait3A = arith.constant 0 : i32
        %dma_wait3A_54 = tpu.memref_slice %arg13[%add3A_49, %dma_wait3A] : memref<10240x16xf32, #tpu.memory_space<vmem_shared>> -> memref<128x16xf32, #tpu.memory_space<vmem_shared>>
        %dma_wait3A_55 = arith.constant 0 : i32
        %dma_wait3A_56 = tpu.memref_slice %arg13[%add3A_49, %dma_wait3A_55] : memref<10240x16xf32, #tpu.memory_space<vmem_shared>> -> memref<128x16xf32, #tpu.memory_space<vmem_shared>>
        tpu.wait_dma2 semaphore(%run_scoped3A : memref<!tpu.dma_semaphore, #tpu.memory_space<semaphore_mem>>) src(%dma_wait3A_56 : memref<128x16xf32, #tpu.memory_space<vmem_shared>>) dst(%arg11 : memref<128x16xf32, #tpu.memory_space<vmem>>)
        tpu.yield
      }) : () -> ()
      "tpu.region"() ({
        %run_scoped3A = tpu.sem_alloc : memref<!tpu.dma_semaphore, #tpu.memory_space<semaphore_mem>>
        %dma_start3A = arith.constant 0 : i32
        %dma_start3A_51 = tpu.memref_slice %arg6[%arg0, %add3A_49, %dma_start3A] : memref<2x10240x16xf32, #tpu.memory_space<hbm>> -> memref<1x128x16xf32, #tpu.memory_space<hbm>>
        %dma_start3A_52 = tpu.memref_squeeze %dma_start3A_51 : memref<1x128x16xf32, #tpu.memory_space<hbm>> -> memref<128x16xf32, #tpu.memory_space<hbm>>
        %dma_start3A_53 = arith.constant 0 : i32
        %dma_start3A_54 = tpu.memref_slice %arg6[%arg0, %add3A_49, %dma_start3A_53] : memref<2x10240x16xf32, #tpu.memory_space<hbm>> -> memref<1x128x16xf32, #tpu.memory_space<hbm>>
        %dma_start3A_55 = tpu.memref_squeeze %dma_start3A_54 : memref<1x128x16xf32, #tpu.memory_space<hbm>> -> memref<128x16xf32, #tpu.memory_space<hbm>>
        tpu.enqueue_dma source(%arg11 : memref<128x16xf32, #tpu.memory_space<vmem>>) target(%dma_start3A_55 : memref<128x16xf32, #tpu.memory_space<hbm>>) target_semaphore(%run_scoped3A : memref<!tpu.dma_semaphore, #tpu.memory_space<semaphore_mem>>)
        %dma_wait3A = arith.constant 0 : i32
        %dma_wait3A_56 = tpu.memref_slice %arg6[%arg0, %add3A_49, %dma_wait3A] : memref<2x10240x16xf32, #tpu.memory_space<hbm>> -> memref<1x128x16xf32, #tpu.memory_space<hbm>>
        %dma_wait3A_57 = tpu.memref_squeeze %dma_wait3A_56 : memref<1x128x16xf32, #tpu.memory_space<hbm>> -> memref<128x16xf32, #tpu.memory_space<hbm>>
        %dma_wait3A_58 = arith.constant 0 : i32
        %dma_wait3A_59 = tpu.memref_slice %arg6[%arg0, %add3A_49, %dma_wait3A_58] : memref<2x10240x16xf32, #tpu.memory_space<hbm>> -> memref<1x128x16xf32, #tpu.memory_space<hbm>>
        %dma_wait3A_60 = tpu.memref_squeeze %dma_wait3A_59 : memref<1x128x16xf32, #tpu.memory_space<hbm>> -> memref<128x16xf32, #tpu.memory_space<hbm>>
        tpu.wait_dma2 semaphore(%run_scoped3A : memref<!tpu.dma_semaphore, #tpu.memory_space<semaphore_mem>>) src(%arg11 : memref<128x16xf32, #tpu.memory_space<vmem>>) dst(%dma_wait3A_60 : memref<128x16xf32, #tpu.memory_space<hbm>>)
        tpu.yield
      }) : () -> ()
      %scan3A_50 = arith.constant 0 : i32
      scf.yield %scan3A_50 : i32
    }
    %scan3A_42 = arith.constant 5 : i32
    return
  }
}

module attributes {stable_mosaic.version = 14 : i64} {
  func.func @body(%arg0: i32, %arg1: i32, %arg2: memref<2x1000x128xf32, #tpu.memory_space<vmem>>, %arg3: memref<2x1000x16xf32, #tpu.memory_space<vmem>>, %arg4: memref<1000x128xf32, #tpu.memory_space<vmem>>, %arg5: memref<256x128xf32, #tpu.memory_space<vmem>>, %arg6: memref<1x256xf32, #tpu.memory_space<vmem>>, %arg7: memref<256x128xf32, #tpu.memory_space<vmem>>, %arg8: memref<1x256xf32, #tpu.memory_space<vmem>>, %arg9: memref<1x256xf32, #tpu.memory_space<vmem>>, %arg10: memref<1000x256xf32, #tpu.memory_space<vmem>>, %arg11: memref<10000x256xf32, #tpu.memory_space<vmem>>, %arg12: memref<2x256xf32, #tpu.memory_space<vmem>>) attributes {dimension_semantics = [#tpu.dimension_semantics<arbitrary>, #tpu.dimension_semantics<arbitrary>], iteration_bounds = array<i64: 2, 10>, scalar_prefetch = 0 : i64, scratch_operands = 2 : i64, tpu.core_type = #tpu.core_type<tc>, window_params = [{transform_indices = @transform_0, window_bounds = array<i64: 2, 1000, 128>}, {transform_indices = @transform_1, window_bounds = array<i64: 2, 1000, 16>}, {transform_indices = @transform_2, window_bounds = array<i64: 1000, 128>}, {pipeline_mode = #tpu.pipeline_mode<synchronous>, transform_indices = @transform_3, window_bounds = array<i64: 256, 128>}, {pipeline_mode = #tpu.pipeline_mode<synchronous>, transform_indices = @transform_4, window_bounds = array<i64: 1, 256>}, {pipeline_mode = #tpu.pipeline_mode<synchronous>, transform_indices = @transform_5, window_bounds = array<i64: 256, 128>}, {pipeline_mode = #tpu.pipeline_mode<synchronous>, transform_indices = @transform_6, window_bounds = array<i64: 1, 256>}, {pipeline_mode = #tpu.pipeline_mode<synchronous>, transform_indices = @transform_7, window_bounds = array<i64: 1, 256>}, {transform_indices = @transform_8, window_bounds = array<i64: 1000, 256>}]} {
    %eq3A = arith.constant 0 : i32
    %eq3A_0 = arith.cmpi eq, %arg0, %eq3A : i32
    %convert_element_type3A = arith.extui %eq3A_0 : i1 to i32
    %cond3A = arith.constant 0 : i32
    %cond3A_1 = arith.cmpi ne, %convert_element_type3A, %cond3A : i32
    scf.if %cond3A_1 {
      %get3A = arith.constant 0 : index
      %get3A_7 = arith.constant 0 : index
      %get3A_8 = arith.constant 0 : index
      %get3A_9 = vector.load %arg3[%get3A, %get3A_7, %get3A_8] : memref<2x1000x16xf32, #tpu.memory_space<vmem>>, vector<1x1000x1xf32>
      %get3A_10 = vector.shape_cast %get3A_9 : vector<1x1000x1xf32> to vector<1000x1xf32>
      %get3A_11 = arith.constant 1 : index
      %get3A_12 = arith.constant 0 : index
      %get3A_13 = arith.constant 0 : index
      %get3A_14 = vector.load %arg3[%get3A_11, %get3A_12, %get3A_13] : memref<2x1000x16xf32, #tpu.memory_space<vmem>>, vector<1x1000x1xf32>
      %get3A_15 = vector.shape_cast %get3A_14 : vector<1x1000x1xf32> to vector<1000x1xf32>
      %add3A = arith.addf %get3A_10, %get3A_15 : vector<1000x1xf32>
      %max3A = arith.constant 1.000000e+00 : f32
      %max3A_16 = vector.broadcast %max3A : f32 to vector<1000x1xf32>
      %max3A_17 = arith.maximumf %add3A, %max3A_16 : vector<1000x1xf32>
      %get3A_18 = arith.constant 0 : index
      %get3A_19 = arith.constant 0 : index
      %get3A_20 = arith.constant 0 : index
      %get3A_21 = vector.load %arg2[%get3A_18, %get3A_19, %get3A_20] : memref<2x1000x128xf32, #tpu.memory_space<vmem>>, vector<1x1000x128xf32>
      %get3A_22 = vector.shape_cast %get3A_21 : vector<1x1000x128xf32> to vector<1000x128xf32>
      %get3A_23 = arith.constant 1 : index
      %get3A_24 = arith.constant 0 : index
      %get3A_25 = arith.constant 0 : index
      %get3A_26 = vector.load %arg2[%get3A_23, %get3A_24, %get3A_25] : memref<2x1000x128xf32, #tpu.memory_space<vmem>>, vector<1x1000x128xf32>
      %get3A_27 = vector.shape_cast %get3A_26 : vector<1x1000x128xf32> to vector<1000x128xf32>
      %add3A_28 = arith.addf %get3A_22, %get3A_27 : vector<1000x128xf32>
      %div3A = vector.broadcast %max3A_17 : vector<1000x1xf32> to vector<1000x128xf32>
      %div3A_29 = arith.divf %add3A_28, %div3A : vector<1000x128xf32>
      %get3A_30 = arith.constant 0 : index
      %get3A_31 = arith.constant 0 : index
      %get3A_32 = vector.load %arg5[%get3A_30, %get3A_31] : memref<256x128xf32, #tpu.memory_space<vmem>>, vector<256x128xf32>
      %dot_general3A = arith.constant dense<0.000000e+00> : vector<1000x256xf32>
      %dot_general3A_33 = tpu.matmul %div3A_29, %get3A_32, %dot_general3A {dimension_numbers = #tpu.dot_dimension_numbers<[1], [1], [0], [0], [0, 0, 1, 0], [], []>, transpose_lhs_hint = false} : vector<1000x128xf32>, vector<256x128xf32>, vector<1000x256xf32> -> vector<1000x256xf32>
      %get3A_34 = arith.constant 0 : index
      %get3A_35 = arith.constant 0 : index
      %get3A_36 = vector.load %arg6[%get3A_34, %get3A_35] : memref<1x256xf32, #tpu.memory_space<vmem>>, vector<1x256xf32>
      %add3A_37 = vector.broadcast %get3A_36 : vector<1x256xf32> to vector<1000x256xf32>
      %add3A_38 = arith.addf %dot_general3A_33, %add3A_37 : vector<1000x256xf32>
      %get3A_39 = arith.constant 0 : index
      %get3A_40 = arith.constant 0 : index
      %get3A_41 = vector.load %arg4[%get3A_39, %get3A_40] : memref<1000x128xf32, #tpu.memory_space<vmem>>, vector<1000x128xf32>
      %get3A_42 = arith.constant 0 : index
      %get3A_43 = arith.constant 0 : index
      %get3A_44 = vector.load %arg7[%get3A_42, %get3A_43] : memref<256x128xf32, #tpu.memory_space<vmem>>, vector<256x128xf32>
      %dot_general3A_45 = arith.constant dense<0.000000e+00> : vector<1000x256xf32>
      %dot_general3A_46 = tpu.matmul %get3A_41, %get3A_44, %dot_general3A_45 {dimension_numbers = #tpu.dot_dimension_numbers<[1], [1], [0], [0], [0, 0, 1, 0], [], []>, transpose_lhs_hint = false} : vector<1000x128xf32>, vector<256x128xf32>, vector<1000x256xf32> -> vector<1000x256xf32>
      %add3A_47 = arith.addf %add3A_38, %dot_general3A_46 : vector<1000x256xf32>
      %mul3A = arith.constant 1000 : i32
      %mul3A_48 = arith.muli %arg1, %mul3A : i32
      %swap3A = arith.index_cast %mul3A_48 : i32 to index
      %swap3A_49 = arith.constant 0 : index
      %swap3A_50 = vector.load %arg11[%swap3A, %swap3A_49] : memref<10000x256xf32, #tpu.memory_space<vmem>>, vector<1000x256xf32>
      tpu.vector_store %arg11[%swap3A, %swap3A_49], %add3A_47 {strides = array<i32>} : memref<10000x256xf32, #tpu.memory_space<vmem>>, vector<1000x256xf32>,
      %eq3A_51 = arith.constant 0 : i32
      %eq3A_52 = arith.cmpi eq, %arg1, %eq3A_51 : i32
      %convert_element_type3A_53 = arith.extui %eq3A_52 : i1 to i32
      %cond3A_54 = arith.constant 0 : i32
      %cond3A_55 = arith.cmpi ne, %convert_element_type3A_53, %cond3A_54 : i32
      scf.if %cond3A_55 {
        %broadcast_in_dim3A_75 = arith.constant 0.000000e+00 : f32
        %broadcast_in_dim3A_76 = vector.broadcast %broadcast_in_dim3A_75 : f32 to vector<2x256xf32>
        %swap3A_77 = arith.constant 0 : index
        %swap3A_78 = arith.constant 0 : index
        %swap3A_79 = vector.load %arg12[%swap3A_77, %swap3A_78] : memref<2x256xf32, #tpu.memory_space<vmem>>, vector<2x256xf32>
        tpu.vector_store %arg12[%swap3A_77, %swap3A_78], %broadcast_in_dim3A_76 {strides = array<i32>} : memref<2x256xf32, #tpu.memory_space<vmem>>, vector<2x256xf32>,
      } else {
      }
      %get3A_56 = arith.constant 0 : index
      %get3A_57 = arith.constant 0 : index
      %get3A_58 = vector.load %arg12[%get3A_56, %get3A_57] : memref<2x256xf32, #tpu.memory_space<vmem>>, vector<1x256xf32>
      %reduce_sum3A = arith.constant dense<0.000000e+00> : vector<256xf32>
      %reduce_sum3A_59 = vector.multi_reduction <add>, %add3A_47, %reduce_sum3A [0] : vector<1000x256xf32> to vector<256xf32>
      %broadcast_in_dim3A = vector.shape_cast %reduce_sum3A_59 : vector<256xf32> to vector<1x256xf32>
      %add3A_60 = arith.addf %get3A_58, %broadcast_in_dim3A : vector<1x256xf32>
      %swap3A_61 = arith.constant 0 : index
      %swap3A_62 = arith.constant 0 : index
      %swap3A_63 = vector.load %arg12[%swap3A_61, %swap3A_62] : memref<2x256xf32, #tpu.memory_space<vmem>>, vector<1x256xf32>
      tpu.vector_store %arg12[%swap3A_61, %swap3A_62], %add3A_60 {strides = array<i32>} : memref<2x256xf32, #tpu.memory_space<vmem>>, vector<1x256xf32>,
      %get3A_64 = arith.constant 1 : index
      %get3A_65 = arith.constant 0 : index
      %get3A_66 = vector.load %arg12[%get3A_64, %get3A_65] : memref<2x256xf32, #tpu.memory_space<vmem>>, vector<1x256xf32>
      %mul3A_67 = arith.mulf %add3A_47, %add3A_47 : vector<1000x256xf32>
      %reduce_sum3A_68 = arith.constant dense<0.000000e+00> : vector<256xf32>
      %reduce_sum3A_69 = vector.multi_reduction <add>, %mul3A_67, %reduce_sum3A_68 [0] : vector<1000x256xf32> to vector<256xf32>
      %broadcast_in_dim3A_70 = vector.shape_cast %reduce_sum3A_69 : vector<256xf32> to vector<1x256xf32>
      %add3A_71 = arith.addf %get3A_66, %broadcast_in_dim3A_70 : vector<1x256xf32>
      %swap3A_72 = arith.constant 1 : index
      %swap3A_73 = arith.constant 0 : index
      %swap3A_74 = vector.load %arg12[%swap3A_72, %swap3A_73] : memref<2x256xf32, #tpu.memory_space<vmem>>, vector<1x256xf32>
      tpu.vector_store %arg12[%swap3A_72, %swap3A_73], %add3A_71 {strides = array<i32>} : memref<2x256xf32, #tpu.memory_space<vmem>>, vector<1x256xf32>,
    } else {
    }
    %eq3A_2 = arith.constant 1 : i32
    %eq3A_3 = arith.cmpi eq, %arg0, %eq3A_2 : i32
    %convert_element_type3A_4 = arith.extui %eq3A_3 : i1 to i32
    %cond3A_5 = arith.constant 0 : i32
    %cond3A_6 = arith.cmpi ne, %convert_element_type3A_4, %cond3A_5 : i32
    scf.if %cond3A_6 {
      %mul3A = arith.constant 1000 : i32
      %mul3A_7 = arith.muli %arg1, %mul3A : i32
      %get3A = arith.index_cast %mul3A_7 : i32 to index
      %get3A_8 = arith.constant 0 : index
      %get3A_9 = vector.load %arg11[%get3A, %get3A_8] : memref<10000x256xf32, #tpu.memory_space<vmem>>, vector<1000x256xf32>
      %get3A_10 = arith.constant 0 : index
      %get3A_11 = arith.constant 0 : index
      %get3A_12 = vector.load %arg12[%get3A_10, %get3A_11] : memref<2x256xf32, #tpu.memory_space<vmem>>, vector<1x256xf32>
      %mul3A_13 = arith.constant 9.99999974E-5 : f32
      %mul3A_14 = vector.broadcast %mul3A_13 : f32 to vector<1x256xf32>
      %mul3A_15 = arith.mulf %get3A_12, %mul3A_14 : vector<1x256xf32>
      %get3A_16 = arith.constant 1 : index
      %get3A_17 = arith.constant 0 : index
      %get3A_18 = vector.load %arg12[%get3A_16, %get3A_17] : memref<2x256xf32, #tpu.memory_space<vmem>>, vector<1x256xf32>
      %mul3A_19 = arith.constant 9.99999974E-5 : f32
      %mul3A_20 = vector.broadcast %mul3A_19 : f32 to vector<1x256xf32>
      %mul3A_21 = arith.mulf %get3A_18, %mul3A_20 : vector<1x256xf32>
      %mul3A_22 = arith.mulf %mul3A_15, %mul3A_15 : vector<1x256xf32>
      %sub3A = arith.subf %mul3A_21, %mul3A_22 : vector<1x256xf32>
      %sub3A_23 = vector.broadcast %mul3A_15 : vector<1x256xf32> to vector<1000x256xf32>
      %sub3A_24 = arith.subf %get3A_9, %sub3A_23 : vector<1000x256xf32>
      %add3A = arith.constant 9.99999974E-6 : f32
      %add3A_25 = vector.broadcast %add3A : f32 to vector<1x256xf32>
      %add3A_26 = arith.addf %sub3A, %add3A_25 : vector<1x256xf32>
      %rsqrt3A = math.rsqrt %add3A_26 : vector<1x256xf32>
      %mul3A_27 = vector.broadcast %rsqrt3A : vector<1x256xf32> to vector<1000x256xf32>
      %mul3A_28 = arith.mulf %sub3A_24, %mul3A_27 : vector<1000x256xf32>
      %get3A_29 = arith.constant 0 : index
      %get3A_30 = arith.constant 0 : index
      %get3A_31 = vector.load %arg8[%get3A_29, %get3A_30] : memref<1x256xf32, #tpu.memory_space<vmem>>, vector<1x256xf32>
      %mul3A_32 = vector.broadcast %get3A_31 : vector<1x256xf32> to vector<1000x256xf32>
      %mul3A_33 = arith.mulf %mul3A_28, %mul3A_32 : vector<1000x256xf32>
      %get3A_34 = arith.constant 0 : index
      %get3A_35 = arith.constant 0 : index
      %get3A_36 = vector.load %arg9[%get3A_34, %get3A_35] : memref<1x256xf32, #tpu.memory_space<vmem>>, vector<1x256xf32>
      %add3A_37 = vector.broadcast %get3A_36 : vector<1x256xf32> to vector<1000x256xf32>
      %add3A_38 = arith.addf %mul3A_33, %add3A_37 : vector<1000x256xf32>
      %max3A = arith.constant 0.000000e+00 : f32
      %max3A_39 = vector.broadcast %max3A : f32 to vector<1000x256xf32>
      %max3A_40 = arith.maximumf %add3A_38, %max3A_39 : vector<1000x256xf32>
      %swap3A = arith.constant 0 : index
      %swap3A_41 = arith.constant 0 : index
      %swap3A_42 = vector.load %arg10[%swap3A, %swap3A_41] : memref<1000x256xf32, #tpu.memory_space<vmem>>, vector<1000x256xf32>
      tpu.vector_store %arg10[%swap3A, %swap3A_41], %max3A_40 {strides = array<i32>} : memref<1000x256xf32, #tpu.memory_space<vmem>>, vector<1000x256xf32>,
    } else {
    }
    return
  }
  func.func @transform_0(%arg0: i32, %arg1: i32) -> (i32, i32, i32) {
    %c0_i32 = arith.constant 0 : i32
    %c0_i32_0 = arith.constant 0 : i32
    %c0_i32_1 = arith.constant 0 : i32
    return %c0_i32, %arg1, %c0_i32_0 : i32, i32, i32
  }
  func.func @transform_1(%arg0: i32, %arg1: i32) -> (i32, i32, i32) {
    %c0_i32 = arith.constant 0 : i32
    %c0_i32_0 = arith.constant 0 : i32
    %c0_i32_1 = arith.constant 0 : i32
    return %c0_i32, %arg1, %c0_i32_0 : i32, i32, i32
  }
  func.func @transform_2(%arg0: i32, %arg1: i32) -> (i32, i32) {
    %c0_i32 = arith.constant 0 : i32
    %c0_i32_0 = arith.constant 0 : i32
    return %arg1, %c0_i32 : i32, i32
  }
  func.func @transform_3(%arg0: i32, %arg1: i32) -> (i32, i32) {
    %c0_i32 = arith.constant 0 : i32
    %c0_i32_0 = arith.constant 0 : i32
    %c0_i32_1 = arith.constant 0 : i32
    return %c0_i32, %c0_i32_0 : i32, i32
  }
  func.func @transform_4(%arg0: i32, %arg1: i32) -> (i32, i32) {
    %c0_i32 = arith.constant 0 : i32
    %c0_i32_0 = arith.constant 0 : i32
    %c0_i32_1 = arith.constant 0 : i32
    return %c0_i32, %c0_i32_0 : i32, i32
  }
  func.func @transform_5(%arg0: i32, %arg1: i32) -> (i32, i32) {
    %c0_i32 = arith.constant 0 : i32
    %c0_i32_0 = arith.constant 0 : i32
    %c0_i32_1 = arith.constant 0 : i32
    return %c0_i32, %c0_i32_0 : i32, i32
  }
  func.func @transform_6(%arg0: i32, %arg1: i32) -> (i32, i32) {
    %c0_i32 = arith.constant 0 : i32
    %c0_i32_0 = arith.constant 0 : i32
    %c0_i32_1 = arith.constant 0 : i32
    return %c0_i32, %c0_i32_0 : i32, i32
  }
  func.func @transform_7(%arg0: i32, %arg1: i32) -> (i32, i32) {
    %c0_i32 = arith.constant 0 : i32
    %c0_i32_0 = arith.constant 0 : i32
    %c0_i32_1 = arith.constant 0 : i32
    return %c0_i32, %c0_i32_0 : i32, i32
  }
  func.func @transform_8(%arg0: i32, %arg1: i32) -> (i32, i32) {
    %c0_i32 = arith.constant 0 : i32
    %c0_i32_0 = arith.constant 0 : i32
    return %arg1, %c0_i32 : i32, i32
  }
}

module attributes {stable_mosaic.version = 14 : i64} {
  func.func @body(%arg0: i32, %arg1: i32, %arg2: memref<2x1000x128xf32, #tpu.memory_space<vmem>>, %arg3: memref<2x1000x16xf32, #tpu.memory_space<vmem>>, %arg4: memref<1000x256xf32, #tpu.memory_space<vmem>>, %arg5: memref<1000x1xi32, #tpu.memory_space<vmem>>, %arg6: memref<256x256xf32, #tpu.memory_space<vmem>>, %arg7: memref<1x256xf32, #tpu.memory_space<vmem>>, %arg8: memref<256x256xf32, #tpu.memory_space<vmem>>, %arg9: memref<1x256xf32, #tpu.memory_space<vmem>>, %arg10: memref<1x256xf32, #tpu.memory_space<vmem>>, %arg11: memref<16x512xf32, #tpu.memory_space<vmem>>, %arg12: memref<10000x256xf32, #tpu.memory_space<vmem>>, %arg13: memref<2x256xf32, #tpu.memory_space<vmem>>, %arg14: memref<16x256xf32, #tpu.memory_space<vmem>>, %arg15: memref<16x256xf32, #tpu.memory_space<vmem>>, %arg16: memref<16x1xf32, #tpu.memory_space<vmem>>) attributes {dimension_semantics = [#tpu.dimension_semantics<arbitrary>, #tpu.dimension_semantics<arbitrary>], iteration_bounds = array<i64: 2, 10>, scalar_prefetch = 0 : i64, scratch_operands = 5 : i64, tpu.core_type = #tpu.core_type<tc>, window_params = [{transform_indices = @transform_0, window_bounds = array<i64: 2, 1000, 128>}, {transform_indices = @transform_1, window_bounds = array<i64: 2, 1000, 16>}, {transform_indices = @transform_2, window_bounds = array<i64: 1000, 256>}, {transform_indices = @transform_3, window_bounds = array<i64: 1000, 1>}, {pipeline_mode = #tpu.pipeline_mode<synchronous>, transform_indices = @transform_4, window_bounds = array<i64: 256, 256>}, {pipeline_mode = #tpu.pipeline_mode<synchronous>, transform_indices = @transform_5, window_bounds = array<i64: 1, 256>}, {pipeline_mode = #tpu.pipeline_mode<synchronous>, transform_indices = @transform_6, window_bounds = array<i64: 256, 256>}, {pipeline_mode = #tpu.pipeline_mode<synchronous>, transform_indices = @transform_7, window_bounds = array<i64: 1, 256>}, {pipeline_mode = #tpu.pipeline_mode<synchronous>, transform_indices = @transform_8, window_bounds = array<i64: 1, 256>}, {pipeline_mode = #tpu.pipeline_mode<synchronous>, transform_indices = @transform_9, window_bounds = array<i64: 16, 512>}]} {
    %eq3A = arith.constant 0 : i32
    %eq3A_0 = arith.cmpi eq, %arg0, %eq3A : i32
    %convert_element_type3A = arith.extui %eq3A_0 : i1 to i32
    %cond3A = arith.constant 0 : i32
    %cond3A_1 = arith.cmpi ne, %convert_element_type3A, %cond3A : i32
    scf.if %cond3A_1 {
      %get3A = arith.constant 0 : index
      %get3A_7 = arith.constant 0 : index
      %get3A_8 = arith.constant 0 : index
      %get3A_9 = vector.load %arg3[%get3A, %get3A_7, %get3A_8] : memref<2x1000x16xf32, #tpu.memory_space<vmem>>, vector<1x1000x1xf32>
      %get3A_10 = vector.shape_cast %get3A_9 : vector<1x1000x1xf32> to vector<1000x1xf32>
      %get3A_11 = arith.constant 1 : index
      %get3A_12 = arith.constant 0 : index
      %get3A_13 = arith.constant 0 : index
      %get3A_14 = vector.load %arg3[%get3A_11, %get3A_12, %get3A_13] : memref<2x1000x16xf32, #tpu.memory_space<vmem>>, vector<1x1000x1xf32>
      %get3A_15 = vector.shape_cast %get3A_14 : vector<1x1000x1xf32> to vector<1000x1xf32>
      %add3A = arith.addf %get3A_10, %get3A_15 : vector<1000x1xf32>
      %max3A = arith.constant 1.000000e+00 : f32
      %max3A_16 = vector.broadcast %max3A : f32 to vector<1000x1xf32>
      %max3A_17 = arith.maximumf %add3A, %max3A_16 : vector<1000x1xf32>
      %get3A_18 = arith.constant 0 : index
      %get3A_19 = arith.constant 0 : index
      %get3A_20 = arith.constant 0 : index
      %get3A_21 = vector.load %arg2[%get3A_18, %get3A_19, %get3A_20] : memref<2x1000x128xf32, #tpu.memory_space<vmem>>, vector<1x1000x128xf32>
      %get3A_22 = vector.shape_cast %get3A_21 : vector<1x1000x128xf32> to vector<1000x128xf32>
      %get3A_23 = arith.constant 1 : index
      %get3A_24 = arith.constant 0 : index
      %get3A_25 = arith.constant 0 : index
      %get3A_26 = vector.load %arg2[%get3A_23, %get3A_24, %get3A_25] : memref<2x1000x128xf32, #tpu.memory_space<vmem>>, vector<1x1000x128xf32>
      %get3A_27 = vector.shape_cast %get3A_26 : vector<1x1000x128xf32> to vector<1000x128xf32>
      %concatenate3A = tpu.concatenate %get3A_22, %get3A_27 in 1 : vector<1000x128xf32>, vector<1000x128xf32> -> vector<1000x256xf32>
      %div3A = vector.broadcast %max3A_17 : vector<1000x1xf32> to vector<1000x256xf32>
      %div3A_28 = arith.divf %concatenate3A, %div3A : vector<1000x256xf32>
      %get3A_29 = arith.constant 0 : index
      %get3A_30 = arith.constant 0 : index
      %get3A_31 = vector.load %arg6[%get3A_29, %get3A_30] : memref<256x256xf32, #tpu.memory_space<vmem>>, vector<256x256xf32>
      %dot_general3A = arith.constant dense<0.000000e+00> : vector<1000x256xf32>
      %dot_general3A_32 = tpu.matmul %div3A_28, %get3A_31, %dot_general3A {dimension_numbers = #tpu.dot_dimension_numbers<[1], [1], [0], [0], [0, 0, 1, 0], [], []>, transpose_lhs_hint = false} : vector<1000x256xf32>, vector<256x256xf32>, vector<1000x256xf32> -> vector<1000x256xf32>
      %get3A_33 = arith.constant 0 : index
      %get3A_34 = arith.constant 0 : index
      %get3A_35 = vector.load %arg7[%get3A_33, %get3A_34] : memref<1x256xf32, #tpu.memory_space<vmem>>, vector<1x256xf32>
      %add3A_36 = vector.broadcast %get3A_35 : vector<1x256xf32> to vector<1000x256xf32>
      %add3A_37 = arith.addf %dot_general3A_32, %add3A_36 : vector<1000x256xf32>
      %get3A_38 = arith.constant 0 : index
      %get3A_39 = arith.constant 0 : index
      %get3A_40 = vector.load %arg4[%get3A_38, %get3A_39] : memref<1000x256xf32, #tpu.memory_space<vmem>>, vector<1000x256xf32>
      %get3A_41 = arith.constant 0 : index
      %get3A_42 = arith.constant 0 : index
      %get3A_43 = vector.load %arg8[%get3A_41, %get3A_42] : memref<256x256xf32, #tpu.memory_space<vmem>>, vector<256x256xf32>
      %dot_general3A_44 = arith.constant dense<0.000000e+00> : vector<1000x256xf32>
      %dot_general3A_45 = tpu.matmul %get3A_40, %get3A_43, %dot_general3A_44 {dimension_numbers = #tpu.dot_dimension_numbers<[1], [1], [0], [0], [0, 0, 1, 0], [], []>, transpose_lhs_hint = false} : vector<1000x256xf32>, vector<256x256xf32>, vector<1000x256xf32> -> vector<1000x256xf32>
      %add3A_46 = arith.addf %add3A_37, %dot_general3A_45 : vector<1000x256xf32>
      %mul3A = arith.constant 1000 : i32
      %mul3A_47 = arith.muli %arg1, %mul3A : i32
      %swap3A = arith.index_cast %mul3A_47 : i32 to index
      %swap3A_48 = arith.constant 0 : index
      %swap3A_49 = vector.load %arg12[%swap3A, %swap3A_48] : memref<10000x256xf32, #tpu.memory_space<vmem>>, vector<1000x256xf32>
      tpu.vector_store %arg12[%swap3A, %swap3A_48], %add3A_46 {strides = array<i32>} : memref<10000x256xf32, #tpu.memory_space<vmem>>, vector<1000x256xf32>,
      %eq3A_50 = arith.constant 0 : i32
      %eq3A_51 = arith.cmpi eq, %arg1, %eq3A_50 : i32
      %convert_element_type3A_52 = arith.extui %eq3A_51 : i1 to i32
      %cond3A_53 = arith.constant 0 : i32
      %cond3A_54 = arith.cmpi ne, %convert_element_type3A_52, %cond3A_53 : i32
      scf.if %cond3A_54 {
        %broadcast_in_dim3A_74 = arith.constant 0.000000e+00 : f32
        %broadcast_in_dim3A_75 = vector.broadcast %broadcast_in_dim3A_74 : f32 to vector<2x256xf32>
        %swap3A_76 = arith.constant 0 : index
        %swap3A_77 = arith.constant 0 : index
        %swap3A_78 = vector.load %arg13[%swap3A_76, %swap3A_77] : memref<2x256xf32, #tpu.memory_space<vmem>>, vector<2x256xf32>
        tpu.vector_store %arg13[%swap3A_76, %swap3A_77], %broadcast_in_dim3A_75 {strides = array<i32>} : memref<2x256xf32, #tpu.memory_space<vmem>>, vector<2x256xf32>,
      } else {
      }
      %get3A_55 = arith.constant 0 : index
      %get3A_56 = arith.constant 0 : index
      %get3A_57 = vector.load %arg13[%get3A_55, %get3A_56] : memref<2x256xf32, #tpu.memory_space<vmem>>, vector<1x256xf32>
      %reduce_sum3A = arith.constant dense<0.000000e+00> : vector<256xf32>
      %reduce_sum3A_58 = vector.multi_reduction <add>, %add3A_46, %reduce_sum3A [0] : vector<1000x256xf32> to vector<256xf32>
      %broadcast_in_dim3A = vector.shape_cast %reduce_sum3A_58 : vector<256xf32> to vector<1x256xf32>
      %add3A_59 = arith.addf %get3A_57, %broadcast_in_dim3A : vector<1x256xf32>
      %swap3A_60 = arith.constant 0 : index
      %swap3A_61 = arith.constant 0 : index
      %swap3A_62 = vector.load %arg13[%swap3A_60, %swap3A_61] : memref<2x256xf32, #tpu.memory_space<vmem>>, vector<1x256xf32>
      tpu.vector_store %arg13[%swap3A_60, %swap3A_61], %add3A_59 {strides = array<i32>} : memref<2x256xf32, #tpu.memory_space<vmem>>, vector<1x256xf32>,
      %get3A_63 = arith.constant 1 : index
      %get3A_64 = arith.constant 0 : index
      %get3A_65 = vector.load %arg13[%get3A_63, %get3A_64] : memref<2x256xf32, #tpu.memory_space<vmem>>, vector<1x256xf32>
      %mul3A_66 = arith.mulf %add3A_46, %add3A_46 : vector<1000x256xf32>
      %reduce_sum3A_67 = arith.constant dense<0.000000e+00> : vector<256xf32>
      %reduce_sum3A_68 = vector.multi_reduction <add>, %mul3A_66, %reduce_sum3A_67 [0] : vector<1000x256xf32> to vector<256xf32>
      %broadcast_in_dim3A_69 = vector.shape_cast %reduce_sum3A_68 : vector<256xf32> to vector<1x256xf32>
      %add3A_70 = arith.addf %get3A_65, %broadcast_in_dim3A_69 : vector<1x256xf32>
      %swap3A_71 = arith.constant 1 : index
      %swap3A_72 = arith.constant 0 : index
      %swap3A_73 = vector.load %arg13[%swap3A_71, %swap3A_72] : memref<2x256xf32, #tpu.memory_space<vmem>>, vector<1x256xf32>
      tpu.vector_store %arg13[%swap3A_71, %swap3A_72], %add3A_70 {strides = array<i32>} : memref<2x256xf32, #tpu.memory_space<vmem>>, vector<1x256xf32>,
    } else {
    }
    %eq3A_2 = arith.constant 1 : i32
    %eq3A_3 = arith.cmpi eq, %arg0, %eq3A_2 : i32
    %convert_element_type3A_4 = arith.extui %eq3A_3 : i1 to i32
    %cond3A_5 = arith.constant 0 : i32
    %cond3A_6 = arith.cmpi ne, %convert_element_type3A_4, %cond3A_5 : i32
    scf.if %cond3A_6 {
      %mul3A = arith.constant 1000 : i32
      %mul3A_7 = arith.muli %arg1, %mul3A : i32
      %get3A = arith.index_cast %mul3A_7 : i32 to index
      %get3A_8 = arith.constant 0 : index
      %get3A_9 = vector.load %arg12[%get3A, %get3A_8] : memref<10000x256xf32, #tpu.memory_space<vmem>>, vector<1000x256xf32>
      %get3A_10 = arith.constant 0 : index
      %get3A_11 = arith.constant 0 : index
      %get3A_12 = vector.load %arg13[%get3A_10, %get3A_11] : memref<2x256xf32, #tpu.memory_space<vmem>>, vector<1x256xf32>
      %mul3A_13 = arith.constant 9.99999974E-5 : f32
      %mul3A_14 = vector.broadcast %mul3A_13 : f32 to vector<1x256xf32>
      %mul3A_15 = arith.mulf %get3A_12, %mul3A_14 : vector<1x256xf32>
      %get3A_16 = arith.constant 1 : index
      %get3A_17 = arith.constant 0 : index
      %get3A_18 = vector.load %arg13[%get3A_16, %get3A_17] : memref<2x256xf32, #tpu.memory_space<vmem>>, vector<1x256xf32>
      %mul3A_19 = arith.constant 9.99999974E-5 : f32
      %mul3A_20 = vector.broadcast %mul3A_19 : f32 to vector<1x256xf32>
      %mul3A_21 = arith.mulf %get3A_18, %mul3A_20 : vector<1x256xf32>
      %mul3A_22 = arith.mulf %mul3A_15, %mul3A_15 : vector<1x256xf32>
      %sub3A = arith.subf %mul3A_21, %mul3A_22 : vector<1x256xf32>
      %sub3A_23 = vector.broadcast %mul3A_15 : vector<1x256xf32> to vector<1000x256xf32>
      %sub3A_24 = arith.subf %get3A_9, %sub3A_23 : vector<1000x256xf32>
      %add3A = arith.constant 9.99999974E-6 : f32
      %add3A_25 = vector.broadcast %add3A : f32 to vector<1x256xf32>
      %add3A_26 = arith.addf %sub3A, %add3A_25 : vector<1x256xf32>
      %rsqrt3A = math.rsqrt %add3A_26 : vector<1x256xf32>
      %mul3A_27 = vector.broadcast %rsqrt3A : vector<1x256xf32> to vector<1000x256xf32>
      %mul3A_28 = arith.mulf %sub3A_24, %mul3A_27 : vector<1000x256xf32>
      %get3A_29 = arith.constant 0 : index
      %get3A_30 = arith.constant 0 : index
      %get3A_31 = vector.load %arg9[%get3A_29, %get3A_30] : memref<1x256xf32, #tpu.memory_space<vmem>>, vector<1x256xf32>
      %mul3A_32 = vector.broadcast %get3A_31 : vector<1x256xf32> to vector<1000x256xf32>
      %mul3A_33 = arith.mulf %mul3A_28, %mul3A_32 : vector<1000x256xf32>
      %get3A_34 = arith.constant 0 : index
      %get3A_35 = arith.constant 0 : index
      %get3A_36 = vector.load %arg10[%get3A_34, %get3A_35] : memref<1x256xf32, #tpu.memory_space<vmem>>, vector<1x256xf32>
      %add3A_37 = vector.broadcast %get3A_36 : vector<1x256xf32> to vector<1000x256xf32>
      %add3A_38 = arith.addf %mul3A_33, %add3A_37 : vector<1000x256xf32>
      %max3A = arith.constant 0.000000e+00 : f32
      %max3A_39 = vector.broadcast %max3A : f32 to vector<1000x256xf32>
      %max3A_40 = arith.maximumf %add3A_38, %max3A_39 : vector<1000x256xf32>
      %eq3A_41 = arith.constant 0 : i32
      %eq3A_42 = arith.cmpi eq, %arg1, %eq3A_41 : i32
      %convert_element_type3A_43 = arith.extui %eq3A_42 : i1 to i32
      %cond3A_44 = arith.constant 0 : i32
      %cond3A_45 = arith.cmpi ne, %convert_element_type3A_43, %cond3A_44 : i32
      scf.if %cond3A_45 {
        %broadcast_in_dim3A = arith.constant 0.000000e+00 : f32
        %broadcast_in_dim3A_74 = vector.broadcast %broadcast_in_dim3A : f32 to vector<16x256xf32>
        %swap3A = arith.constant 0 : index
        %swap3A_75 = arith.constant 0 : index
        %swap3A_76 = vector.load %arg14[%swap3A, %swap3A_75] : memref<16x256xf32, #tpu.memory_space<vmem>>, vector<16x256xf32>
        tpu.vector_store %arg14[%swap3A, %swap3A_75], %broadcast_in_dim3A_74 {strides = array<i32>} : memref<16x256xf32, #tpu.memory_space<vmem>>, vector<16x256xf32>,
        %broadcast_in_dim3A_77 = arith.constant 0xFF800000 : f32
        %broadcast_in_dim3A_78 = vector.broadcast %broadcast_in_dim3A_77 : f32 to vector<16x256xf32>
        %swap3A_79 = arith.constant 0 : index
        %swap3A_80 = arith.constant 0 : index
        %swap3A_81 = vector.load %arg15[%swap3A_79, %swap3A_80] : memref<16x256xf32, #tpu.memory_space<vmem>>, vector<16x256xf32>
        tpu.vector_store %arg15[%swap3A_79, %swap3A_80], %broadcast_in_dim3A_78 {strides = array<i32>} : memref<16x256xf32, #tpu.memory_space<vmem>>, vector<16x256xf32>,
        %broadcast_in_dim3A_82 = arith.constant 0.000000e+00 : f32
        %broadcast_in_dim3A_83 = vector.broadcast %broadcast_in_dim3A_82 : f32 to vector<16x1xf32>
        %swap3A_84 = arith.constant 0 : index
        %swap3A_85 = arith.constant 0 : index
        %swap3A_86 = vector.load %arg16[%swap3A_84, %swap3A_85] : memref<16x1xf32, #tpu.memory_space<vmem>>, vector<16x1xf32>
        tpu.vector_store %arg16[%swap3A_84, %swap3A_85], %broadcast_in_dim3A_83 {strides = array<i32>} : memref<16x1xf32, #tpu.memory_space<vmem>>, vector<16x1xf32>,
      } else {
      }
      %get3A_46 = arith.constant 0 : index
      %get3A_47 = arith.constant 0 : index
      %get3A_48 = vector.load %arg5[%get3A_46, %get3A_47] : memref<1000x1xi32, #tpu.memory_space<vmem>>, vector<1000x1xi32>
      %get3A_49 = arith.constant 0 : index
      %get3A_50 = arith.constant 0 : index
      %get3A_51 = vector.load %arg5[%get3A_49, %get3A_50] : memref<1000x1xi32, #tpu.memory_space<vmem>>, vector<1x1xi32>
      %get3A_52 = vector.extract %get3A_51[0, 0] : i32 from vector<1x1xi32>
      %get3A_53 = arith.constant 999 : index
      %get3A_54 = arith.constant 0 : index
      %get3A_55 = vector.load %arg5[%get3A_53, %get3A_54] : memref<1000x1xi32, #tpu.memory_space<vmem>>, vector<1x1xi32>
      %get3A_56 = vector.extract %get3A_55[0, 0] : i32 from vector<1x1xi32>
      %add3A_57 = arith.constant 1 : i32
      %add3A_58 = arith.addi %get3A_56, %add3A_57 : i32
      %while3A = arith.constant 0 : i32
      %while3A_59 = arith.subi %add3A_58, %get3A_52 : i32
      %while3A_60 = arith.addi %get3A_52, %while3A_59 : i32
      %while3A_61 = arith.constant 1 : i32
      %while3A_62 = arith.divsi %while3A_59, %while3A_61 : i32
      %while3A_63 = arith.muli %while3A_62, %while3A_61 : i32
      %while3A_64 = arith.addi %get3A_52, %while3A_63 : i32
      %while3A_65 = arith.constant 1 : i32
      %while3A_66 = scf.for %while3A_74 = %get3A_52 to %while3A_64 step %while3A_65 iter_args(%while3A_75 = %while3A) -> (i32)  : i32 {
        %eq3A_76 = vector.broadcast %while3A_74 : i32 to vector<1000x1xi32>
        %eq3A_77 = arith.cmpi eq, %get3A_48, %eq3A_76 : vector<1000x1xi32>
        %jit3A = arith.constant 0.000000e+00 : f32
        %broadcast_in_dim3A = vector.shape_cast %eq3A_77 : vector<1000x1xi1> to vector<1000x1xi1>
        %broadcast_in_dim3A_78 = vector.broadcast %broadcast_in_dim3A : vector<1000x1xi1> to vector<1000x256xi1>
        %broadcast_in_dim3A_79 = vector.broadcast %jit3A : f32 to vector<1000x256xf32>
        %select_n3A = arith.select %broadcast_in_dim3A_78, %max3A_40, %broadcast_in_dim3A_79 : vector<1000x256xi1>, vector<1000x256xf32>
        %reduce_sum3A = arith.constant dense<0.000000e+00> : vector<256xf32>
        %reduce_sum3A_80 = vector.multi_reduction <add>, %select_n3A, %reduce_sum3A [0] : vector<1000x256xf32> to vector<256xf32>
        %broadcast_in_dim3A_81 = vector.shape_cast %reduce_sum3A_80 : vector<256xf32> to vector<1x256xf32>
        %jit3A_82 = arith.constant 0xFF800000 : f32
        %broadcast_in_dim3A_83 = vector.shape_cast %eq3A_77 : vector<1000x1xi1> to vector<1000x1xi1>
        %broadcast_in_dim3A_84 = vector.broadcast %broadcast_in_dim3A_83 : vector<1000x1xi1> to vector<1000x256xi1>
        %broadcast_in_dim3A_85 = vector.broadcast %jit3A_82 : f32 to vector<1000x256xf32>
        %select_n3A_86 = arith.select %broadcast_in_dim3A_84, %max3A_40, %broadcast_in_dim3A_85 : vector<1000x256xi1>, vector<1000x256xf32>
        %reduce_max3A = arith.constant dense<0xFF800000> : vector<256xf32>
        %reduce_max3A_87 = vector.multi_reduction <maximumf>, %select_n3A_86, %reduce_max3A [0] : vector<1000x256xf32> to vector<256xf32>
        %broadcast_in_dim3A_88 = vector.shape_cast %reduce_max3A_87 : vector<256xf32> to vector<1x256xf32>
        %convert_element_type3A_89 = arith.extui %eq3A_77 : vector<1000x1xi1> to vector<1000x1xi32>
        %convert_element_type3A_90 = arith.sitofp %convert_element_type3A_89 : vector<1000x1xi32> to vector<1000x1xf32>
        %reduce_sum3A_91 = arith.constant dense<0.000000e+00> : vector<1xf32>
        %reduce_sum3A_92 = vector.multi_reduction <add>, %convert_element_type3A_90, %reduce_sum3A_91 [0] : vector<1000x1xf32> to vector<1xf32>
        %broadcast_in_dim3A_93 = vector.shape_cast %reduce_sum3A_92 : vector<1xf32> to vector<1x1xf32>
        %get3A_94 = arith.index_cast %while3A_74 : i32 to index
        %get3A_95 = arith.constant 0 : index
        %get3A_96 = vector.load %arg14[%get3A_94, %get3A_95] : memref<16x256xf32, #tpu.memory_space<vmem>>, vector<1x256xf32>
        %add3A_97 = arith.addf %get3A_96, %broadcast_in_dim3A_81 : vector<1x256xf32>
        %swap3A = arith.index_cast %while3A_74 : i32 to index
        %swap3A_98 = arith.constant 0 : index
        %swap3A_99 = vector.load %arg14[%swap3A, %swap3A_98] : memref<16x256xf32, #tpu.memory_space<vmem>>, vector<1x256xf32>
        tpu.vector_store %arg14[%swap3A, %swap3A_98], %add3A_97 {strides = array<i32>} : memref<16x256xf32, #tpu.memory_space<vmem>>, vector<1x256xf32>,
        %get3A_100 = arith.index_cast %while3A_74 : i32 to index
        %get3A_101 = arith.constant 0 : index
        %get3A_102 = vector.load %arg15[%get3A_100, %get3A_101] : memref<16x256xf32, #tpu.memory_space<vmem>>, vector<1x256xf32>
        %max3A_103 = arith.maximumf %get3A_102, %broadcast_in_dim3A_88 : vector<1x256xf32>
        %swap3A_104 = arith.index_cast %while3A_74 : i32 to index
        %swap3A_105 = arith.constant 0 : index
        %swap3A_106 = vector.load %arg15[%swap3A_104, %swap3A_105] : memref<16x256xf32, #tpu.memory_space<vmem>>, vector<1x256xf32>
        tpu.vector_store %arg15[%swap3A_104, %swap3A_105], %max3A_103 {strides = array<i32>} : memref<16x256xf32, #tpu.memory_space<vmem>>, vector<1x256xf32>,
        %get3A_107 = arith.index_cast %while3A_74 : i32 to index
        %get3A_108 = arith.constant 0 : index
        %get3A_109 = vector.load %arg16[%get3A_107, %get3A_108] : memref<16x1xf32, #tpu.memory_space<vmem>>, vector<1x1xf32>
        %add3A_110 = arith.addf %get3A_109, %broadcast_in_dim3A_93 : vector<1x1xf32>
        %swap3A_111 = arith.index_cast %while3A_74 : i32 to index
        %swap3A_112 = arith.constant 0 : index
        %swap3A_113 = vector.load %arg16[%swap3A_111, %swap3A_112] : memref<16x1xf32, #tpu.memory_space<vmem>>, vector<1x1xf32>
        tpu.vector_store %arg16[%swap3A_111, %swap3A_112], %add3A_110 {strides = array<i32>} : memref<16x1xf32, #tpu.memory_space<vmem>>, vector<1x1xf32>,
        %while3A_114 = arith.constant 0 : i32
        scf.yield %while3A_114 : i32
      }
      %while3A_67 = arith.constant 1 : i32
      %while3A_68 = scf.for %while3A_74 = %while3A_64 to %while3A_60 step %while3A_67 iter_args(%while3A_75 = %while3A_66) -> (i32)  : i32 {
        %eq3A_76 = vector.broadcast %while3A_74 : i32 to vector<1000x1xi32>
        %eq3A_77 = arith.cmpi eq, %get3A_48, %eq3A_76 : vector<1000x1xi32>
        %jit3A = arith.constant 0.000000e+00 : f32
        %broadcast_in_dim3A = vector.shape_cast %eq3A_77 : vector<1000x1xi1> to vector<1000x1xi1>
        %broadcast_in_dim3A_78 = vector.broadcast %broadcast_in_dim3A : vector<1000x1xi1> to vector<1000x256xi1>
        %broadcast_in_dim3A_79 = vector.broadcast %jit3A : f32 to vector<1000x256xf32>
        %select_n3A = arith.select %broadcast_in_dim3A_78, %max3A_40, %broadcast_in_dim3A_79 : vector<1000x256xi1>, vector<1000x256xf32>
        %reduce_sum3A = arith.constant dense<0.000000e+00> : vector<256xf32>
        %reduce_sum3A_80 = vector.multi_reduction <add>, %select_n3A, %reduce_sum3A [0] : vector<1000x256xf32> to vector<256xf32>
        %broadcast_in_dim3A_81 = vector.shape_cast %reduce_sum3A_80 : vector<256xf32> to vector<1x256xf32>
        %jit3A_82 = arith.constant 0xFF800000 : f32
        %broadcast_in_dim3A_83 = vector.shape_cast %eq3A_77 : vector<1000x1xi1> to vector<1000x1xi1>
        %broadcast_in_dim3A_84 = vector.broadcast %broadcast_in_dim3A_83 : vector<1000x1xi1> to vector<1000x256xi1>
        %broadcast_in_dim3A_85 = vector.broadcast %jit3A_82 : f32 to vector<1000x256xf32>
        %select_n3A_86 = arith.select %broadcast_in_dim3A_84, %max3A_40, %broadcast_in_dim3A_85 : vector<1000x256xi1>, vector<1000x256xf32>
        %reduce_max3A = arith.constant dense<0xFF800000> : vector<256xf32>
        %reduce_max3A_87 = vector.multi_reduction <maximumf>, %select_n3A_86, %reduce_max3A [0] : vector<1000x256xf32> to vector<256xf32>
        %broadcast_in_dim3A_88 = vector.shape_cast %reduce_max3A_87 : vector<256xf32> to vector<1x256xf32>
        %convert_element_type3A_89 = arith.extui %eq3A_77 : vector<1000x1xi1> to vector<1000x1xi32>
        %convert_element_type3A_90 = arith.sitofp %convert_element_type3A_89 : vector<1000x1xi32> to vector<1000x1xf32>
        %reduce_sum3A_91 = arith.constant dense<0.000000e+00> : vector<1xf32>
        %reduce_sum3A_92 = vector.multi_reduction <add>, %convert_element_type3A_90, %reduce_sum3A_91 [0] : vector<1000x1xf32> to vector<1xf32>
        %broadcast_in_dim3A_93 = vector.shape_cast %reduce_sum3A_92 : vector<1xf32> to vector<1x1xf32>
        %get3A_94 = arith.index_cast %while3A_74 : i32 to index
        %get3A_95 = arith.constant 0 : index
        %get3A_96 = vector.load %arg14[%get3A_94, %get3A_95] : memref<16x256xf32, #tpu.memory_space<vmem>>, vector<1x256xf32>
        %add3A_97 = arith.addf %get3A_96, %broadcast_in_dim3A_81 : vector<1x256xf32>
        %swap3A = arith.index_cast %while3A_74 : i32 to index
        %swap3A_98 = arith.constant 0 : index
        %swap3A_99 = vector.load %arg14[%swap3A, %swap3A_98] : memref<16x256xf32, #tpu.memory_space<vmem>>, vector<1x256xf32>
        tpu.vector_store %arg14[%swap3A, %swap3A_98], %add3A_97 {strides = array<i32>} : memref<16x256xf32, #tpu.memory_space<vmem>>, vector<1x256xf32>,
        %get3A_100 = arith.index_cast %while3A_74 : i32 to index
        %get3A_101 = arith.constant 0 : index
        %get3A_102 = vector.load %arg15[%get3A_100, %get3A_101] : memref<16x256xf32, #tpu.memory_space<vmem>>, vector<1x256xf32>
        %max3A_103 = arith.maximumf %get3A_102, %broadcast_in_dim3A_88 : vector<1x256xf32>
        %swap3A_104 = arith.index_cast %while3A_74 : i32 to index
        %swap3A_105 = arith.constant 0 : index
        %swap3A_106 = vector.load %arg15[%swap3A_104, %swap3A_105] : memref<16x256xf32, #tpu.memory_space<vmem>>, vector<1x256xf32>
        tpu.vector_store %arg15[%swap3A_104, %swap3A_105], %max3A_103 {strides = array<i32>} : memref<16x256xf32, #tpu.memory_space<vmem>>, vector<1x256xf32>,
        %get3A_107 = arith.index_cast %while3A_74 : i32 to index
        %get3A_108 = arith.constant 0 : index
        %get3A_109 = vector.load %arg16[%get3A_107, %get3A_108] : memref<16x1xf32, #tpu.memory_space<vmem>>, vector<1x1xf32>
        %add3A_110 = arith.addf %get3A_109, %broadcast_in_dim3A_93 : vector<1x1xf32>
        %swap3A_111 = arith.index_cast %while3A_74 : i32 to index
        %swap3A_112 = arith.constant 0 : index
        %swap3A_113 = vector.load %arg16[%swap3A_111, %swap3A_112] : memref<16x1xf32, #tpu.memory_space<vmem>>, vector<1x1xf32>
        tpu.vector_store %arg16[%swap3A_111, %swap3A_112], %add3A_110 {strides = array<i32>} : memref<16x1xf32, #tpu.memory_space<vmem>>, vector<1x1xf32>,
        %while3A_114 = arith.constant 0 : i32
        scf.yield %while3A_114 : i32
      }
      %eq3A_69 = arith.constant 9 : i32
      %eq3A_70 = arith.cmpi eq, %arg1, %eq3A_69 : i32
      %convert_element_type3A_71 = arith.extui %eq3A_70 : i1 to i32
      %cond3A_72 = arith.constant 0 : i32
      %cond3A_73 = arith.cmpi ne, %convert_element_type3A_71, %cond3A_72 : i32
      scf.if %cond3A_73 {
        %get3A_74 = arith.constant 0 : index
        %get3A_75 = arith.constant 0 : index
        %get3A_76 = vector.load %arg16[%get3A_74, %get3A_75] : memref<16x1xf32, #tpu.memory_space<vmem>>, vector<16x1xf32>
        %max3A_77 = arith.constant 1.000000e+00 : f32
        %max3A_78 = vector.broadcast %max3A_77 : f32 to vector<16x1xf32>
        %max3A_79 = arith.maximumf %get3A_76, %max3A_78 : vector<16x1xf32>
        %get3A_80 = arith.constant 0 : index
        %get3A_81 = arith.constant 0 : index
        %get3A_82 = vector.load %arg14[%get3A_80, %get3A_81] : memref<16x256xf32, #tpu.memory_space<vmem>>, vector<16x256xf32>
        %div3A = vector.broadcast %max3A_79 : vector<16x1xf32> to vector<16x256xf32>
        %div3A_83 = arith.divf %get3A_82, %div3A : vector<16x256xf32>
        %get3A_84 = arith.constant 0 : index
        %get3A_85 = arith.constant 0 : index
        %get3A_86 = vector.load %arg15[%get3A_84, %get3A_85] : memref<16x256xf32, #tpu.memory_space<vmem>>, vector<16x256xf32>
        %concatenate3A = tpu.concatenate %div3A_83, %get3A_86 in 1 : vector<16x256xf32>, vector<16x256xf32> -> vector<16x512xf32>
        %swap3A = arith.constant 0 : index
        %swap3A_87 = arith.constant 0 : index
        %swap3A_88 = vector.load %arg11[%swap3A, %swap3A_87] : memref<16x512xf32, #tpu.memory_space<vmem>>, vector<16x512xf32>
        tpu.vector_store %arg11[%swap3A, %swap3A_87], %concatenate3A {strides = array<i32>} : memref<16x512xf32, #tpu.memory_space<vmem>>, vector<16x512xf32>,
      } else {
      }
    } else {
    }
    return
  }
  func.func @transform_0(%arg0: i32, %arg1: i32) -> (i32, i32, i32) {
    %c0_i32 = arith.constant 0 : i32
    %c0_i32_0 = arith.constant 0 : i32
    %c0_i32_1 = arith.constant 0 : i32
    return %c0_i32, %arg1, %c0_i32_0 : i32, i32, i32
  }
  func.func @transform_1(%arg0: i32, %arg1: i32) -> (i32, i32, i32) {
    %c0_i32 = arith.constant 0 : i32
    %c0_i32_0 = arith.constant 0 : i32
    %c0_i32_1 = arith.constant 0 : i32
    return %c0_i32, %arg1, %c0_i32_0 : i32, i32, i32
  }
  func.func @transform_2(%arg0: i32, %arg1: i32) -> (i32, i32) {
    %c0_i32 = arith.constant 0 : i32
    %c0_i32_0 = arith.constant 0 : i32
    return %arg1, %c0_i32 : i32, i32
  }
  func.func @transform_3(%arg0: i32, %arg1: i32) -> (i32, i32) {
    %c0_i32 = arith.constant 0 : i32
    %c0_i32_0 = arith.constant 0 : i32
    return %arg1, %c0_i32 : i32, i32
  }
  func.func @transform_4(%arg0: i32, %arg1: i32) -> (i32, i32) {
    %c0_i32 = arith.constant 0 : i32
    %c0_i32_0 = arith.constant 0 : i32
    %c0_i32_1 = arith.constant 0 : i32
    return %c0_i32, %c0_i32_0 : i32, i32
  }
  func.func @transform_5(%arg0: i32, %arg1: i32) -> (i32, i32) {
    %c0_i32 = arith.constant 0 : i32
    %c0_i32_0 = arith.constant 0 : i32
    %c0_i32_1 = arith.constant 0 : i32
    return %c0_i32, %c0_i32_0 : i32, i32
  }
  func.func @transform_6(%arg0: i32, %arg1: i32) -> (i32, i32) {
    %c0_i32 = arith.constant 0 : i32
    %c0_i32_0 = arith.constant 0 : i32
    %c0_i32_1 = arith.constant 0 : i32
    return %c0_i32, %c0_i32_0 : i32, i32
  }
  func.func @transform_7(%arg0: i32, %arg1: i32) -> (i32, i32) {
    %c0_i32 = arith.constant 0 : i32
    %c0_i32_0 = arith.constant 0 : i32
    %c0_i32_1 = arith.constant 0 : i32
    return %c0_i32, %c0_i32_0 : i32, i32
  }
  func.func @transform_8(%arg0: i32, %arg1: i32) -> (i32, i32) {
    %c0_i32 = arith.constant 0 : i32
    %c0_i32_0 = arith.constant 0 : i32
    %c0_i32_1 = arith.constant 0 : i32
    return %c0_i32, %c0_i32_0 : i32, i32
  }
  func.func @transform_9(%arg0: i32, %arg1: i32) -> (i32, i32) {
    %c0_i32 = arith.constant 0 : i32
    %c0_i32_0 = arith.constant 0 : i32
    %c0_i32_1 = arith.constant 0 : i32
    return %c0_i32, %c0_i32_0 : i32, i32
  }
}

module attributes {stable_mosaic.version = 14 : i64} {
  func.func @body(%arg0: memref<16x512xf32, #tpu.memory_space<vmem>>, %arg1: memref<16x512xf32, #tpu.memory_space<vmem>>, %arg2: memref<16x6xf32, #tpu.memory_space<vmem>>, %arg3: memref<16x6xf32, #tpu.memory_space<vmem>>, %arg4: memref<512x518xf32, #tpu.memory_space<vmem>>, %arg5: memref<1x512xf32, #tpu.memory_space<vmem>>, %arg6: memref<256x2048xf32, #tpu.memory_space<vmem>>, %arg7: memref<1x256xf32, #tpu.memory_space<vmem>>, %arg8: memref<8x256xf32, #tpu.memory_space<vmem>>, %arg9: memref<1x1xf32, #tpu.memory_space<vmem>>, %arg10: memref<16x1xf32, #tpu.memory_space<vmem>>) attributes {dimension_semantics = [], scalar_prefetch = 0 : i64, scratch_operands = 0 : i64, tpu.core_type = #tpu.core_type<tc>} {
    %get3A = arith.constant 0 : index
    %get3A_0 = arith.constant 0 : index
    %get3A_1 = vector.load %arg0[%get3A, %get3A_0] : memref<16x512xf32, #tpu.memory_space<vmem>>, vector<16x512xf32>
    %get3A_2 = arith.constant 0 : index
    %get3A_3 = arith.constant 0 : index
    %get3A_4 = vector.load %arg2[%get3A_2, %get3A_3] : memref<16x6xf32, #tpu.memory_space<vmem>>, vector<16x6xf32>
    %concatenate3A = tpu.concatenate %get3A_1, %get3A_4 in 1 : vector<16x512xf32>, vector<16x6xf32> -> vector<16x518xf32>
    %get3A_5 = arith.constant 0 : index
    %get3A_6 = arith.constant 0 : index
    %get3A_7 = vector.load %arg1[%get3A_5, %get3A_6] : memref<16x512xf32, #tpu.memory_space<vmem>>, vector<16x512xf32>
    %get3A_8 = arith.constant 0 : index
    %get3A_9 = arith.constant 0 : index
    %get3A_10 = vector.load %arg3[%get3A_8, %get3A_9] : memref<16x6xf32, #tpu.memory_space<vmem>>, vector<16x6xf32>
    %concatenate3A_11 = tpu.concatenate %get3A_7, %get3A_10 in 1 : vector<16x512xf32>, vector<16x6xf32> -> vector<16x518xf32>
    %get3A_12 = arith.constant 0 : index
    %get3A_13 = arith.constant 0 : index
    %get3A_14 = vector.load %arg4[%get3A_12, %get3A_13] : memref<512x518xf32, #tpu.memory_space<vmem>>, vector<512x518xf32>
    %dot_general3A = arith.constant dense<0.000000e+00> : vector<16x512xf32>
    %dot_general3A_15 = tpu.matmul %concatenate3A, %get3A_14, %dot_general3A {dimension_numbers = #tpu.dot_dimension_numbers<[1], [1], [0], [0], [0, 0, 1, 0], [], []>, transpose_lhs_hint = false} : vector<16x518xf32>, vector<512x518xf32>, vector<16x512xf32> -> vector<16x512xf32>
    %get3A_16 = arith.constant 0 : index
    %get3A_17 = arith.constant 0 : index
    %get3A_18 = vector.load %arg5[%get3A_16, %get3A_17] : memref<1x512xf32, #tpu.memory_space<vmem>>, vector<1x512xf32>
    %add3A = vector.broadcast %get3A_18 : vector<1x512xf32> to vector<16x512xf32>
    %add3A_19 = arith.addf %dot_general3A_15, %add3A : vector<16x512xf32>
    %get3A_20 = arith.constant 0 : index
    %get3A_21 = arith.constant 0 : index
    %get3A_22 = vector.load %arg4[%get3A_20, %get3A_21] : memref<512x518xf32, #tpu.memory_space<vmem>>, vector<512x518xf32>
    %dot_general3A_23 = arith.constant dense<0.000000e+00> : vector<16x512xf32>
    %dot_general3A_24 = tpu.matmul %concatenate3A_11, %get3A_22, %dot_general3A_23 {dimension_numbers = #tpu.dot_dimension_numbers<[1], [1], [0], [0], [0, 0, 1, 0], [], []>, transpose_lhs_hint = false} : vector<16x518xf32>, vector<512x518xf32>, vector<16x512xf32> -> vector<16x512xf32>
    %get3A_25 = arith.constant 0 : index
    %get3A_26 = arith.constant 0 : index
    %get3A_27 = vector.load %arg5[%get3A_25, %get3A_26] : memref<1x512xf32, #tpu.memory_space<vmem>>, vector<1x512xf32>
    %add3A_28 = vector.broadcast %get3A_27 : vector<1x512xf32> to vector<16x512xf32>
    %add3A_29 = arith.addf %dot_general3A_24, %add3A_28 : vector<16x512xf32>
    %sub3A = arith.subf %add3A_19, %add3A_29 : vector<16x512xf32>
    %abs3A = math.absf %sub3A : vector<16x512xf32>
    %mul3A = arith.mulf %add3A_19, %add3A_29 : vector<16x512xf32>
    %concatenate3A_30 = tpu.concatenate %add3A_19, %add3A_29, %abs3A, %mul3A in 1 : vector<16x512xf32>, vector<16x512xf32>, vector<16x512xf32>, vector<16x512xf32> -> vector<16x2048xf32>
    %get3A_31 = arith.constant 0 : index
    %get3A_32 = arith.constant 0 : index
    %get3A_33 = vector.load %arg6[%get3A_31, %get3A_32] : memref<256x2048xf32, #tpu.memory_space<vmem>>, vector<256x2048xf32>
    %dot_general3A_34 = arith.constant dense<0.000000e+00> : vector<16x256xf32>
    %dot_general3A_35 = tpu.matmul %concatenate3A_30, %get3A_33, %dot_general3A_34 {dimension_numbers = #tpu.dot_dimension_numbers<[1], [1], [0], [0], [0, 0, 1, 0], [], []>, transpose_lhs_hint = false} : vector<16x2048xf32>, vector<256x2048xf32>, vector<16x256xf32> -> vector<16x256xf32>
    %get3A_36 = arith.constant 0 : index
    %get3A_37 = arith.constant 0 : index
    %get3A_38 = vector.load %arg7[%get3A_36, %get3A_37] : memref<1x256xf32, #tpu.memory_space<vmem>>, vector<1x256xf32>
    %add3A_39 = vector.broadcast %get3A_38 : vector<1x256xf32> to vector<16x256xf32>
    %add3A_40 = arith.addf %dot_general3A_35, %add3A_39 : vector<16x256xf32>
    %max3A = arith.constant 0.000000e+00 : f32
    %max3A_41 = vector.broadcast %max3A : f32 to vector<16x256xf32>
    %max3A_42 = arith.maximumf %add3A_40, %max3A_41 : vector<16x256xf32>
    %get3A_43 = arith.constant 0 : index
    %get3A_44 = arith.constant 0 : index
    %get3A_45 = vector.load %arg8[%get3A_43, %get3A_44] : memref<8x256xf32, #tpu.memory_space<vmem>>, vector<8x256xf32>
    %dot_general3A_46 = arith.constant dense<0.000000e+00> : vector<16x8xf32>
    %dot_general3A_47 = tpu.matmul %max3A_42, %get3A_45, %dot_general3A_46 {dimension_numbers = #tpu.dot_dimension_numbers<[1], [1], [0], [0], [0, 0, 1, 0], [], []>, transpose_lhs_hint = false} : vector<16x256xf32>, vector<8x256xf32>, vector<16x8xf32> -> vector<16x8xf32>
    %slice3A = vector.extract_strided_slice %dot_general3A_47 {offsets = [0, 0], sizes = [16, 1], strides = [1, 1]} : vector<16x8xf32> to vector<16x1xf32>
    %get3A_48 = arith.constant 0 : index
    %get3A_49 = arith.constant 0 : index
    %get3A_50 = vector.load %arg9[%get3A_48, %get3A_49] : memref<1x1xf32, #tpu.memory_space<vmem>>, vector<1x1xf32>
    %get3A_51 = vector.extract %get3A_50[0, 0] : f32 from vector<1x1xf32>
    %add3A_52 = vector.broadcast %get3A_51 : f32 to vector<16x1xf32>
    %add3A_53 = arith.addf %slice3A, %add3A_52 : vector<16x1xf32>
    %neg3A = arith.constant 0.000000e+00 : f32
    %neg3A_54 = vector.broadcast %neg3A : f32 to vector<16x1xf32>
    %neg3A_55 = arith.subf %neg3A_54, %add3A_53 : vector<16x1xf32>
    %exp3A = math.exp %neg3A_55 : vector<16x1xf32>
    %add3A_56 = arith.constant 1.000000e+00 : f32
    %add3A_57 = vector.broadcast %add3A_56 : f32 to vector<16x1xf32>
    %add3A_58 = arith.addf %add3A_57, %exp3A : vector<16x1xf32>
    %div3A = arith.constant 1.000000e+00 : f32
    %div3A_59 = vector.broadcast %div3A : f32 to vector<16x1xf32>
    %div3A_60 = arith.divf %div3A_59, %add3A_58 : vector<16x1xf32>
    %swap3A = arith.constant 0 : index
    %swap3A_61 = arith.constant 0 : index
    %swap3A_62 = vector.load %arg10[%swap3A, %swap3A_61] : memref<16x1xf32, #tpu.memory_space<vmem>>, vector<16x1xf32>
    tpu.vector_store %arg10[%swap3A, %swap3A_61], %div3A_60 {strides = array<i32>} : memref<16x1xf32, #tpu.memory_space<vmem>>, vector<16x1xf32>,
    return
  }
}

</mosaic_0001>

<sc_bundles>
// kernel: kernel.11.cloned.1.call-start
scs
__scs_entry_jumppad:
0x0: {  	(pc) =	sbr.rel $0x88, $3  }
0x1: {  	(tag) =	ssettag $0x0;
	lr =	simm.s32 $0x1  }
0x2: {  	[smem:$0x3F89] =	sst lr;
	_ =	strace $0xD0000000  }
0x3: {  	_ = 	snop  }
0x4: {  	_ = 	snop  }
0x5: {  	_ = 	snop  }
0x6: {  	_ = 	snop  }
0x7: {  	_ = 	snop  }
__scs_overlays_trampoline_lowered:
0x8: {  	[smem:$0x3F98] =	sst s0  }
0x9: {  	[smem:$0x3F99] =	sst s1  }
0xa: {  	[smem:$0x3F9A] =	sst s2  }
0xb: {  	[smem:$0x3F9B] =	sst s3  }
0xc: {  	[smem:$0x3F9C] =	sst s4  }
0xd: {  	[smem:$0x3F9D] =	sst s5  }
0xe: {  	[smem:$0x3F9E] =	sst s6  }
0xf: {  	[smem:$0x3F9F] =	sst s7  }
0x10: {  	[smem:$0x3FA0] =	sst s8  }
0x11: {  	[smem:$0x3FA1] =	sst s9;
	s0 =	simm.s32 @!p0 $0x0  }
0x12: {  	s1 =	sld [smem:$0x3F87];
	s0 =	simm.s32 @p0 $0x1  }
0x13: {  	[smem:$0x3FA2] =	sst s0;
	s0 =	simm.s32 @!p1 $0x0  }
0x14: {  	s2 =	sld [smem:$0x3F86];
	s0 =	simm.s32 @p1 $0x1  }
0x15: {  	[smem:$0x3FA3] =	sst s0;
	s0 =	simm.s32 @!p2 $0x0  }
0x16: {  	s3 =	sld [smem:$0x3FDB];
	s0 =	simm.s32 @p2 $0x1  }
0x17: {  	s4 =	simm.s32 $0x1BF5;
	[smem:$0x3FA5] =	sst s0  }
0x18: {  	s0 =	sld [smem:$0x3F88];
	_ =	swait.ge [sflag:s4], $0x0  }
0x19: {  	s7 =	sld [smem:$0x3F89]  }
0x1a: {  	s8 =	sadd.s32 $0xFFFFE003, lr  }
0x1b: {  	s9 =	sadd.s32 $0xFFFFFEF7, lr;
	s5 =	simm.s32 $0xFFFFFFFF;
	p2 =	slt.u32 s8, $0xFFFFF086  }
0x1c: {  	p1 =	slt.u32 s9, $0xF7A;
	s5 =	simm.s32 @!p2 $0x0  }
0x1d: {  	s5 =	simm.s32 @p1 $0x1;
	p0 =	seq.s32 s7, s2  }
0x1e: {  	s7 =	smul.u32 @!p0 $0xF7A, s2;
	p2 =	seq.s32 @!p0 s5, $0x0  }
0x1f: {  	s9 =	smul.u32 $0xF7A, s1;
	s8 =	simm.s32 @!p0 $0x1BF5;
	p2 =	por !p2, p0  }
0x20: {  	[sflag:s8] =	ssyncset.s32 @!p0 $0xFFFFF086;
	s6 =	sadd.s32 @!p0 s3, s7;
	s7 =	simm.s32 @!p0 $0x108  }
0x21: {  	s3 =	sadd.s32 s3, s9;
	s6 =	sadd.s32 @!p0 $0x88, s6;
	s7 =	simm.s32 @p2 $0x1082  }
0x22: {  	[simem:s7], [sflag:s8] =	dma.local @!p0 [hbm:s6], $0xF7A  }
0x23: {  	s9 =	sor.u32 $0xD0000000, s2;
	s6 =	simm.s32 $0x108;
	_ =	swait.ge @!p0 [sflag:s8], $0x0  }
0x24: {  	s3 =	sadd.s32 $0x88, s3;
	s6 =	simm.s32 @!p1 $0x1082;
	[sflag:s4] =	ssyncset.s32 $0xFFFFF086  }
0x25: {  	[simem:s6], [sflag:s4] =	dma.local [hbm:s3], $0xF7A  }
0x26: {  	[smem:$0x3F89] =	sst s1;
	(tag) =	ssettag s2;
	_ =	strace s9  }
0x27: {  	s1 =	sld [smem:$0x3F99]  }
0x28: {  	s2 =	sld [smem:$0x3F9A]  }
0x29: {  	s4 =	sld [smem:$0x3F9C]  }
0x2a: {  	p0 =	seq.s32 s5, $0x0;
	s5 =	sld [smem:$0x3F9D]  }
0x2b: {  	s6 =	sld [smem:$0x3F9E]  }
0x2c: {  	s7 =	sld [smem:$0x3F9F]  }
0x2d: {  	s3 =	simm.s32 $0x108;
	s8 =	sld [smem:$0x3FA0]  }
0x2e: {  	s3 =	simm.s32 @!p0 $0x1082;
	s9 =	sld [smem:$0x3FA1]  }
0x2f: {  	lr =	sadd.s32 s0, s3;
	s0 =	sld [smem:$0x3F98]  }
0x30: {  	s3 =	sld [smem:$0x3F9B]  }
0x31: {  	[smem:$0x3FA4] =	sst s10  }
0x32: {  	s10 =	sld [smem:$0x3FA2];
	_ =	sdelay $0x3  }
0x33: {  	p0 =	seq.s32 s10, $0x1;
	s10 =	sld [smem:$0x3FA4];
	_ =	sdelay $0x3  }
0x34: {  	[smem:$0x3FA4] =	sst s10  }
0x35: {  	s10 =	sld [smem:$0x3FA3];
	_ =	sdelay $0x3  }
0x36: {  	p1 =	seq.s32 s10, $0x1;
	s10 =	sld [smem:$0x3FA4];
	_ =	sdelay $0x3  }
0x37: {  	[smem:$0x3FA4] =	sst s10  }
0x38: {  	s10 =	sld [smem:$0x3FA5]  }
0x39: {  	_ = 	snop;
	(pc) =	sbr.ind lr, $3  }
0x3a: {  	_ = 	snop  }
0x3b: {  	_ = 	snop  }
0x3c: {  	p2 =	seq.s32 s10, $0x1;
	s10 =	sld [smem:$0x3FA4]  }
0x3d: {  	_ =	shalt  }
0x3e: {  	_ =	shalt  }
0x3f: {  	_ =	shalt  }
0x40: {  	_ =	shalt  }
0x41: {  	_ =	shalt  }
0x42: {  	_ =	shalt  }
0x43: {  	_ =	shalt  }
0x44: {  	_ =	shalt  }
0x45: {  	_ =	shalt  }
0x46: {  	_ =	shalt  }
0x47: {  	_ =	shalt  }
0x48: {  	_ =	shalt  }
0x49: {  	_ =	shalt  }
0x4a: {  	_ =	shalt  }
0x4b: {  	_ =	shalt  }
0x4c: {  	_ =	shalt  }
0x4d: {  	_ =	shalt  }
0x4e: {  	_ =	shalt  }
0x4f: {  	_ =	shalt  }
0x50: {  	_ =	shalt  }
0x51: {  	_ =	shalt  }
0x52: {  	_ =	shalt  }
0x53: {  	_ =	shalt  }
0x54: {  	_ =	shalt  }
0x55: {  	_ =	shalt  }
0x56: {  	_ =	shalt  }
0x57: {  	_ =	shalt  }
0x58: {  	_ =	shalt  }
0x59: {  	_ =	shalt  }
0x5a: {  	_ =	shalt  }
0x5b: {  	_ =	shalt  }
0x5c: {  	_ =	shalt  }
0x5d: {  	_ =	shalt  }
0x5e: {  	_ =	shalt  }
0x5f: {  	_ =	shalt  }
0x60: {  	_ =	shalt  }
0x61: {  	_ =	shalt  }
0x62: {  	_ =	shalt  }
0x63: {  	_ =	shalt  }
0x64: {  	_ =	shalt  }
0x65: {  	_ =	shalt  }
0x66: {  	_ =	shalt  }
0x67: {  	_ =	shalt  }
0x68: {  	_ =	shalt  }
0x69: {  	_ =	shalt  }
0x6a: {  	_ =	shalt  }
0x6b: {  	_ =	shalt  }
0x6c: {  	_ =	shalt  }
0x6d: {  	_ =	shalt  }
0x6e: {  	_ =	shalt  }
0x6f: {  	_ =	shalt  }
0x70: {  	_ =	shalt  }
0x71: {  	_ =	shalt  }
0x72: {  	_ =	shalt  }
0x73: {  	_ =	shalt  }
0x74: {  	_ =	shalt  }
0x75: {  	_ =	shalt  }
0x76: {  	_ =	shalt  }
0x77: {  	_ =	shalt  }
0x78: {  	_ =	shalt  }
0x79: {  	_ =	shalt  }
0x7a: {  	_ =	shalt  }
0x7b: {  	_ =	shalt  }
0x7c: {  	_ =	shalt  }
0x7d: {  	_ =	shalt  }
0x7e: {  	_ =	shalt  }
0x7f: {  	_ =	shalt  }
0x80: {  	_ =	shalt  }
0x81: {  	_ =	shalt  }
0x82: {  	_ =	shalt  }
0x83: {  	_ =	shalt  }
0x84: {  	_ =	shalt  }
0x85: {  	_ =	shalt  }
0x86: {  	_ =	shalt  }
0x87: {  	_ =	shalt  }
.Lfunc_end0:
.L_simem_size_0:
called_computation_lowered:
.L_overlay_start_0:
0x88: {  	s2 =	sld [smem:$0x3FD9]  }
0x89: {  	s3 =	sld [smem:$0x3FFE];
	_ =	sdelay $0x1  }
0x8a: {  	s1 =	srdreg.scid  }
0x8b: {  	s0 =	sand.u32 $0x1, s1  }
0x8c: {  	s17 =	sshll.u32 s0, $0xA;
	s2 =	sadd.s32 s3, s2  }
0x8d: {  	s2 =	sadd.s32 s2, s17  }
0x8e: {  	[smem:$0x3FB0] =	sst s2  }
0x8f: {  	_ = 	snop  }
0x90: {  	s18 =	sld [smem:$0x3FC9];
	(tm) =	ssettm $0x1  }
0x91: {  	s19 =	sld [smem:$0x3FFB];
	_ =	sdelay $0x3  }
0x92: {  	_ =	strace s19  }
0x93: {  	s2 =	sld [smem:$0x3FFC];
	_ =	sdelay $0x3  }
0x94: {  	_ =	strace s2  }
0x95: {  	s2 =	sld [smem:$0x3FFD];
	_ =	sdelay $0x3  }
0x96: {  	_ =	strace s2  }
0x97: {  	_ =	strace $0x8FFFFFFF  }
0x98: {  	s20 =	sld [smem:$0x3FDB];
	_ =	sdelay $0x1  }
0x99: {  	s4 =	simm.s32 $_scs_section_size  }
0x9a: {  	s5 =	simm.s32 $_size__tile_overlayer_lowered;
	s6 =	simm.s32 $_tile_overlayer_lowered  }
0x9b: {  	s7 =	simm.s32 $0x1BFF;
	s21 =	sshll.u32 s6, $0x1;
	s4 =	sadd.s32 s4, s20  }
0x9c: {  	s22 =	simm.s32 $0x0;
	s5 =	sshll.u32 s5, $0x1;
	s6 =	sadd.s32 s21, s4  }
0x9d: {  	[timem:s22], [sflag:s7] =	dma.local [hbm:s6], s5  }
0x9e: {  	_ =	swait.ge [sflag:s7], s5  }
0x9f: {  	s5 =	ssub.s32 $0x0, s5;
	[sflag:s7] =	ssyncset.done $0x0  }
0xa0: {  	[sflag:s7] =	ssyncadd.s32 s5;
	_ =	sdelay $0x1  }
0xa1: {  	s23 =	simm.s32 $0x1B8B  }
0xa2: {  	_ =	swait.ge [sflag:s23], $0x1  }
0xa3: {  	[sflag:s23] =	ssyncset.done $0x0  }
0xa4: {  	[sflag:s23] =	ssyncadd.s32 $0xFFFFFFFF  }
0xa5: {  	s5 =	sld [smem:$0x0]  }
0xa6: {  	s6 =	sand.u32 $0xFFFFFFFE, s1  }
0xa7: {  	p0 =	sne.s32 s1, s6  }
0xa8: {  	s6 =	sshll.u32 @p0 s6, $0xE  }
0xa9: {  	s6 =	sadd.s32 @p0 $0x11B8D, s6;
	s7 =	sshll.u32 @p0 s5, $0x11  }
0xaa: {  	s6 =	sor.u32 @p0 s7, s6  }
0xab: {  	[sflag:s6] =	ssyncadd.remote.s32 @p0 $0x1;
	_ =	sdelay $0x1  }
0xac: {  	s6 =	simm.s32 @p0 $0x1B8D  }
0xad: {  	_ =	swait.eq @p0 [sflag:s6], $0x1  }
0xae: {  	[sflag:s6] =	ssyncadd.s32 @p0 $0xFFFFFFFF  }
0xaf: {  	s7 =	sshll.u32 @!p0 s1, $0xE  }
0xb0: {  	s7 =	sor.u32 @!p0 $0x4000, s7;
	s6 =	simm.s32 @!p0 $0x1B8D  }
0xb1: {  	s5 =	sshll.u32 @!p0 s5, $0x11;
	s7 =	sadd.s32 @!p0 $0x11B8D, s7;
	_ =	swait.eq @!p0 [sflag:s6], $0x1  }
0xb2: {  	s5 =	sor.u32 @!p0 s5, s7;
	[sflag:s6] =	ssyncadd.s32 @!p0 $0xFFFFFFFF  }
0xb3: {  	s25 =	simm.s32 $0x1B8E;
	s24 =	sld [smem:$0x3FFE];
	[sflag:s5] =	ssyncadd.remote.s32 @!p0 $0x1  }
0xb4: {  	s26 =	simm.s32 $execute0_lowered;
	[smem:$0x3FD2] =	sst s25  }
0xb5: {  	s6 =	sshll.u32 s26, $0x1;
	_ =	strace $0x80000049;
	[dreg:$0x1] =	wrdreg $0xFFFFFFFF  }
0xb6: {  	s28 =	simm.s32 $_size_execute0_lowered;
	s4 =	sadd.s32 s4, s6;
	[dreg:$0x0] =	wrdreg $0x0  }
0xb7: {  	s6 =	sshll.u32 s28, $0x1;
	[dreg:$0x2] =	wrdreg s4  }
0xb8: {  	[dreg:$0x3] =	wrdreg s6  }
0xb9: {  	[dreg:$0x4] =	wrdreg $0xC0  }
0xba: {  	_ =	task [dreg:s22], $0x5FFFF  }
0xbb: {  	[dreg:$0x1] =	wrdreg $0xFFFFFFFF  }
0xbc: {  	[dreg:$0x0] =	wrdreg $0x60  }
0xbd: {  	[dreg:$0x2] =	wrdreg s18  }
0xbe: {  	[dreg:$0x3] =	wrdreg s24  }
0xbf: {  	[dreg:$0x4] =	wrdreg $0x49000  }
0xc0: {  	[dreg:$0x5] =	wrdreg $0x189000  }
0xc1: {  	[dreg:$0x6] =	wrdreg $0x9  }
0xc2: {  	_ =	task.clear_ibuf [dreg:s22], $0x7FFFF;
	_ =	strace $0x90000049  }
0xc3: {  	s29 =	simm.s32 $0x9;
	_ =	strace $0x8000004B  }
0xc4: {  	_ =	swait.ge [sflag:s29], $0x1  }
0xc5: {  	[sflag:s29] =	ssyncadd.s32 $0xFFFFFFFF  }
0xc6: {  	_ =	strace $0x9000004B  }
0xc7: {  	_ =	sfence  }
0xc8: {  	s30 =	sld [smem:$0x0];
	_ =	sdelay $0x2  }
0xc9: {  	s31 =	sshll.u32 s1, $0xD;
	s1 =	sshrl.u32 s1, $0x2  }
0xca: {  	s4 =	sand.u32 $0x4000, s31;
	s1 =	sadd.s32 s1, s30  }
0xcb: {  	s0 =	sor.u32 s4, s0;
	s1 =	sshll.u32 s1, $0x11  }
0xcc: {  	s0 =	sor.u32 s1, s0  }
0xcd: {  	s0 =	sadd.s32 $0x8F2B, s0  }
0xce: {  	[sflag:s0] =	ssyncadd.remote.s32 $0x1  }
0xcf: {  	_ =	sfence.sel $0xFFFF  }
0xd0: {  	[dreg:$0x0] =	wrdreg $0xFFFFFFFF;
	(pc) =	sbr.abs _section_cstart, $3  }
0xd1: {  	[dreg:$0x1] =	wrdreg $0xFFFFFFFF  }
0xd2: {  	_ =	task.clear_ibuf [dreg:s22], $0x2FFFF;
	_ =	strace $0x9FFFFFFF  }
0xd3: {  	(tm) =	ssettm $0x7FFFFFFF  }
tec
execute0_lowered:
.L_overlay_start_1:
0x0: {  	(tag) =	ssettag $0x1  }
0x1: {  	s16 =	stileid.u32  }
0x2: {  	s2 =	smul.u32 $0x2780, s16  }
0x3: {  	s7 =	smul.u32 $0x280, s16  }
0x4: {  	s0 =	srdreg.scid;
	s12 =	smul.u32 $0x14000, s16  }
0x5: {  	s3 =	sand.u32 $0x1, s0;
	s29 =	smul.u32 $0x2800, s16  }
0x6: {  	s1 =	rddreg [dreg:$0x0];
	s0 =	smul.u32 $0x27800, s3  }
0x7: {  	s4 =	rddreg [dreg:$0x1];
	s9 =	smul.u32 $0x140000, s3  }
0x8: {  	s5 =	sadd.s32 $0x8FE00, s4;
	s6 =	ssub.s32 $0x2, s3;
	s3 =	smul.u32 $0x28000, s3  }
0x9: {  	s8 =	sshrl.u32 s6, $0x1;
	s26 =	sadd.s32 $0x80, s7;
	s10 =	sadd.s32 $0x100, s7  }
0xa: {  	s11 =	sadd.s32 $0x180, s7;
	s7 =	sadd.s32 $0x200, s7;
	s0 =	sadd.s32 s2, s0  }
0xb: {  	s2 =	simm.s32 $0x0;
	s6 =	ssub.s32 s6, s8;
	s20 =	sshll.u32 s26, $0x7  }
0xc: {  	s8 =	sshll.u32 s26, $0x4;
	s22 =	sshll.u32 s10, $0x7;
	s23 =	sshll.u32 s10, $0x4  }
0xd: {  	s24 =	sshll.u32 s11, $0x7;
	s25 =	sshll.u32 s11, $0x4;
	s11 =	sadd.s32 s9, s12  }
0xe: {  	s26 =	sshll.u32 s7, $0x7;
	s13 =	sadd.s32 s3, s29;
	s7 =	sshll.u32 s7, $0x4  }
0xf: {  	s0 =	sshrl.u32 s0, $0x3;
	[smem:$0x7FF] =	sst s2;
	s10 =	sshrl.u32 s11, $0x3  }
0x10: {  	s14 =	sshrl.u32 s13, $0x3;
	s15 =	sadd.s32 s9, s20;
	s17 =	sadd.s32 s9, s22  }
0x11: {  	s13 =	sadd.s32 s3, s8;
	s19 =	sadd.s32 s3, s23;
	s21 =	sadd.s32 s9, s24  }
0x12: {  	s9 =	sadd.s32 s9, s26;
	s0 =	sadd.s32 s0, s4;
	s4 =	sadd.s32 $0x85E00, s4  }
0x13: {  	s10 =	sadd.s32 s5, s10;
	s11 =	sshrl.u32 s17, $0x3;
	s18 =	sshrl.u32 s13, $0x3  }
0x14: {  	s13 =	sshrl.u32 s21, $0x3;
	s9 =	sshrl.u32 s9, $0x3;
	[dreg:$0x5] =	wrdreg s10  }
0x15: {  	s10 =	sadd.s32 s4, s14;
	s11 =	sadd.s32 s5, s11;
	s13 =	sadd.s32 s5, s13  }
0x16: {  	s14 =	sadd.s32 s3, s25;
	s3 =	sadd.s32 s3, s7;
	s30 =	sadd.s32 $0x72200, s0  }
0x17: {  	s31 =	sadd.s32 $0x7C000, s0;
	s0 =	simm.s32 $0x2;
	[dreg:$0x6] =	wrdreg s10  }
0x18: {  	s10 =	sshrl.u32 s15, $0x3;
	[dreg:$0x8] =	wrdreg s11;
	s11 =	sshrl.u32 s19, $0x3  }
0x19: {  	[dreg:$0x9] =	wrdreg s13;
	s15 =	sadd.s32 s4, s18;
	s18 =	smul.u32 $0x50000, s16  }
0x1a: {  	s13 =	rddreg [dreg:$0x2];
	s3 =	sshrl.u32 s3, $0x3;
	s19 =	smul.u32 $0xA000, s16  }
0x1b: {  	s10 =	sadd.s32 s5, s10;
	s5 =	sadd.s32 s5, s9;
	[dreg:$0xb] =	wrdreg s15  }
0x1c: {  	s17 =	sadd.s32 s4, s11;
	s15 =	sadd.s32 s4, s3;
	s16 =	sadd.s32 s12, s13  }
0x1d: {  	s20 =	sadd.s32 s20, s13;
	s22 =	sadd.s32 s22, s13;
	[dreg:$0x7] =	wrdreg s10  }
0x1e: {  	s24 =	sadd.s32 s24, s13;
	s26 =	sadd.s32 s26, s13;
	[dreg:$0xa] =	wrdreg s5  }
0x1f: {  	s12 =	simm.s32 $0x100;
	[dreg:$0xc] =	wrdreg s17;
	s5 =	sshrl.u32 s14, $0x3  }
0x20: {  	s14 =	rddreg [dreg:$0x3];
	s21 =	sshrl.u32 s18, $0x2;
	s17 =	smax.u32 s6, $0x1  }
0x21: {  	s3 =	sshrl.u32 s19, $0x2;
	s6 =	simm.s32 $0x0;
	s5 =	sadd.s32 s4, s5  }
0x22: {  	s18 =	sadd.s32 s21, s13;
	s19 =	sadd.s32 s3, s14;
	s21 =	sadd.s32 s8, s14  }
0x23: {  	s23 =	sadd.s32 s23, s14;
	s25 =	sadd.s32 s25, s14;
	s28 =	sadd.s32 s7, s14  }
0x24: {  	s29 =	sadd.s32 s29, s14;
	s3 =	simm.s32 $0x4100;
	[dreg:$0xd] =	wrdreg s5  }
0x25: {  	v0 =	vimm.f32 $0.0e+00;
	v1 =	vimm.f32 $1.000000000e+00;
	s4 =	simm.s32 $0x80;
	s5 =	simm.s32 $0x1;
	_ =	strace $0x8000004A  }
.LBB2_1:
0x26: {  	s7 =	simm.s32 $0x0;
	s8 =	simm.s32 $0x200  }
.LBB2_2:
0x27: {  	p0 =	sne.s32 s8, $0xFE00;
	[tilespmem:s7+$0x170] =	vst v0  }
0x28: {  	[tilespmem:s7+$0x100] =	vst v0  }
0x29: {  	[tilespmem:s7+$0x110] =	vst v0  }
.Ltmp0:
0x2a: {  	[tilespmem:s7+$0x120] =	vst v0;
	(pc) =	sbr.rel @p0 .LBB2_2-.Ltmp0, $4  }
0x2b: {  	[tilespmem:s7+$0x130] =	vst v0  }
0x2c: {  	[tilespmem:s7+$0x140] =	vst v0  }
0x2d: {  	[tilespmem:s7+$0x150] =	vst v0  }
0x2e: {  	[tilespmem:s7+$0x160] =	vst v0;
	s7 =	sshra.s32 s8, $0x2;
	s8 =	sadd.s32 $0x200, s8  }
0x2f: {  	[tilespmem:s7+$0x170] =	vst v0  }
0x30: {  	[tilespmem:s7+$0x100] =	vst v0  }
0x31: {  	[tilespmem:s7+$0x110] =	vst v0  }
0x32: {  	[tilespmem:s7+$0x120] =	vst v0  }
0x33: {  	[tilespmem:s7+$0x130] =	vst v0  }
0x34: {  	[tilespmem:s7+$0x140] =	vst v0  }
0x35: {  	[tilespmem:s7+$0x150] =	vst v0  }
0x36: {  	[tilespmem:s7+$0x160] =	vst v0;
	s7 =	simm.s32 $0x40;
	s8 =	simm.s32 $0x0  }
.LBB2_4:
0x37: {  	p0 =	sne.s32 s7, $0x1FC0;
	[tilespmem:s8+$0x4100] =	vst v0;
	s8 =	smov.u32 s7;
	s7 =	sadd.s32 $0x40, s7  }
.Ltmp1:
0x38: {  	(pc) =	sbr.rel @p0 .LBB2_4-.Ltmp1, $2  }
0x39: {  	_ =	sdelay $0x2  }
0x3a: {  	s8 =	sshra.s32 s8, $0x2  }
0x3b: {  	[tilespmem:s8+$0x4100] =	vst v0  }
0x3c: {  	[spmem:s18] =	stream.linear.scatter [tilespmem:s12], [sflag:$0x2], $0x4000, $0x38;
	[tilespmem:$0x1B100] =	vst v63  }
0x3d: {  	_ =	swait.ge [sflag:s0], $0x4000  }
0x3e: {  	[sflag:s0] =	ssyncset.done $0x0  }
0x3f: {  	[sflag:s0] =	ssyncadd.s32 $0xFFFFC000  }
0x40: {  	[spmem:s19] =	stream.linear.scatter [tilespmem:s3], [sflag:$0x2], $0x800, $0x38;
	[tilespmem:$0x1B100] =	vst v63  }
0x41: {  	_ =	swait.ge [sflag:s0], $0x800  }
0x42: {  	[sflag:s0] =	ssyncset.done $0x0  }
0x43: {  	[sflag:s0] =	ssyncadd.s32 $0xFFFFF800  }
0x44: {  	[spmem:s20] =	stream.linear.scatter [tilespmem:s12], [sflag:$0x2], $0x4000, $0x38;
	[tilespmem:$0x1B100] =	vst v63  }
0x45: {  	_ =	swait.ge [sflag:s0], $0x4000  }
0x46: {  	[sflag:s0] =	ssyncset.done $0x0  }
0x47: {  	[sflag:s0] =	ssyncadd.s32 $0xFFFFC000  }
0x48: {  	[spmem:s21] =	stream.linear.scatter [tilespmem:s3], [sflag:$0x2], $0x800, $0x38;
	[tilespmem:$0x1B100] =	vst v63  }
0x49: {  	_ =	swait.ge [sflag:s0], $0x800  }
0x4a: {  	[sflag:s0] =	ssyncset.done $0x0  }
0x4b: {  	[sflag:s0] =	ssyncadd.s32 $0xFFFFF800  }
0x4c: {  	[spmem:s22] =	stream.linear.scatter [tilespmem:s12], [sflag:$0x2], $0x4000, $0x38;
	[tilespmem:$0x1B100] =	vst v63  }
0x4d: {  	_ =	swait.ge [sflag:s0], $0x4000  }
0x4e: {  	[sflag:s0] =	ssyncset.done $0x0  }
0x4f: {  	[sflag:s0] =	ssyncadd.s32 $0xFFFFC000  }
0x50: {  	[spmem:s23] =	stream.linear.scatter [tilespmem:s3], [sflag:$0x2], $0x800, $0x38;
	[tilespmem:$0x1B100] =	vst v63  }
0x51: {  	_ =	swait.ge [sflag:s0], $0x800  }
0x52: {  	[sflag:s0] =	ssyncset.done $0x0  }
0x53: {  	[sflag:s0] =	ssyncadd.s32 $0xFFFFF800  }
0x54: {  	[spmem:s24] =	stream.linear.scatter [tilespmem:s12], [sflag:$0x2], $0x4000, $0x38;
	[tilespmem:$0x1B100] =	vst v63  }
0x55: {  	_ =	swait.ge [sflag:s0], $0x4000  }
0x56: {  	[sflag:s0] =	ssyncset.done $0x0  }
0x57: {  	[sflag:s0] =	ssyncadd.s32 $0xFFFFC000  }
0x58: {  	[spmem:s25] =	stream.linear.scatter [tilespmem:s3], [sflag:$0x2], $0x800, $0x38;
	[tilespmem:$0x1B100] =	vst v63  }
0x59: {  	_ =	swait.ge [sflag:s0], $0x800  }
0x5a: {  	[sflag:s0] =	ssyncset.done $0x0  }
0x5b: {  	[sflag:s0] =	ssyncadd.s32 $0xFFFFF800  }
0x5c: {  	[spmem:s26] =	stream.linear.scatter [tilespmem:s12], [sflag:$0x2], $0x4000, $0x38;
	[tilespmem:$0x1B100] =	vst v63  }
0x5d: {  	_ =	swait.ge [sflag:s0], $0x4000  }
0x5e: {  	[sflag:s0] =	ssyncset.done $0x0  }
0x5f: {  	[sflag:s0] =	ssyncadd.s32 $0xFFFFC000  }
0x60: {  	[spmem:s28] =	stream.linear.scatter [tilespmem:s3], [sflag:$0x2], $0x800, $0x38;
	[tilespmem:$0x1B100] =	vst v63  }
0x61: {  	_ =	swait.ge [sflag:s0], $0x800  }
0x62: {  	[sflag:s0] =	ssyncset.done $0x0  }
0x63: {  	s7 =	simm.s32 $0x40;
	s8 =	simm.s32 $0x0;
	[sflag:s0] =	ssyncadd.s32 $0xFFFFF800  }
.LBB2_6:
0x64: {  	p0 =	sne.s32 s7, $0x1FC0;
	[tilespmem:s8+$0x4100] =	vst v1;
	s8 =	smov.u32 s7;
	s7 =	sadd.s32 $0x40, s7  }
.Ltmp2:
0x65: {  	(pc) =	sbr.rel @p0 .LBB2_6-.Ltmp2, $2  }
0x66: {  	_ =	sdelay $0x2  }
0x67: {  	s8 =	sshra.s32 s8, $0x2  }
0x68: {  	[tilespmem:s8+$0x4100] =	vst v1  }
0x69: {  	s7 =	sadd.s32 $0x0, s31;
	[bflag:$0x0] =	sbarrier.arrive $0xFFFF  }
0x6a: {  	[tilespmem:s2], [sflag:$0x2] =	stream.linear.gather [hbm4b:s7+s2], $0x80, $0x38;
	[tilespmem:$0x1B100] =	vst v63  }
0x6b: {  	_ =	swait.ge [sflag:s0], $0x80  }
0x6c: {  	[sflag:s0] =	ssyncset.done $0x0  }
0x6d: {  	s11 =	sadd.s32 $0x0, s30;
	[sflag:s0] =	ssyncadd.s32 $0xFFFFFF80  }
0x6e: {  	[tilespmem:s4], [sflag:$0x2] =	stream.linear.gather [hbm4b:s11+s2], $0x80, $0x38;
	[tilespmem:$0x1B100] =	vst v63  }
0x6f: {  	_ =	swait.ge [sflag:s0], $0x80  }
0x70: {  	[sflag:s0] =	ssyncset.done $0x0  }
0x71: {  	[sflag:s0] =	ssyncadd.s32 $0xFFFFFF80  }
0x72: {  	[tilespmem:s12], [sflag:$0x1] =	stream.indirect.gather [hbm4b:s1+s4], $0x80, s2, s4, $0xb8;
	[tilespmem:$0x1B100] =	vst v63  }
0x73: {  	_ =	swait.ge [sflag:s5], $0x4000  }
0x74: {  	[sflag:s5] =	ssyncset.done $0x0  }
0x75: {  	[sflag:s5] =	ssyncadd.s32 $0xFFFFC000  }
0x76: {  	[spmem:s13] =	stream.indirect.scatter.add.f32 [tilespmem:s12], [sflag:$0x2], $0x80, s4, s4, $0xb8;
	[tilespmem:$0x1B100] =	vst v63  }
0x77: {  	_ =	swait.ge [sflag:s0], $0x4000  }
0x78: {  	[sflag:s0] =	ssyncset.done $0x0  }
0x79: {  	[sflag:s0] =	ssyncadd.s32 $0xFFFFC000  }
0x7a: {  	[spmem:s14] =	stream.indirect.scatter.add.f32 [tilespmem:s3], [sflag:$0x2], $0x10, s4, s4, $0xb8;
	[tilespmem:$0x1B100] =	vst v63  }
0x7b: {  	_ =	swait.ge [sflag:s0], $0x800  }
0x7c: {  	s8 =	simm.s32 $0x20;
	s7 =	simm.s32 $0x10;
	[sflag:s0] =	ssyncset.done $0x0  }
.LBB2_8:
0x7d: {  	s9 =	sadd.s32 s7, s31  }
0x7e: {  	[sflag:s0] =	ssyncadd.s32 $0xFFFFF800;
	s10 =	smov.u32 s8;
	s11 =	sadd.s32 $0x10, s8  }
0x7f: {  	[tilespmem:s2], [sflag:$0x2] =	stream.linear.gather [hbm4b:s9+s2], $0x80, $0x38;
	[tilespmem:$0x1B100] =	vst v63  }
0x80: {  	p0 =	sne.s32 s8, $0x4E0;
	_ =	swait.ge [sflag:s0], $0x80  }
0x81: {  	[sflag:s0] =	ssyncset.done $0x0  }
0x82: {  	s8 =	sadd.s32 s7, s30;
	s7 =	smov.u32 s10;
	[sflag:s0] =	ssyncadd.s32 $0xFFFFFF80  }
0x83: {  	[tilespmem:s4], [sflag:$0x2] =	stream.linear.gather [hbm4b:s8+s2], $0x80, $0x38;
	[tilespmem:$0x1B100] =	vst v63  }
0x84: {  	_ =	swait.ge [sflag:s0], $0x80  }
0x85: {  	[sflag:s0] =	ssyncset.done $0x0  }
0x86: {  	[sflag:s0] =	ssyncadd.s32 $0xFFFFFF80  }
0x87: {  	[tilespmem:s12], [sflag:$0x1] =	stream.indirect.gather [hbm4b:s1+s4], $0x80, s2, s4, $0xb8;
	[tilespmem:$0x1B100] =	vst v63  }
0x88: {  	_ =	swait.ge [sflag:s5], $0x4000  }
0x89: {  	[sflag:s5] =	ssyncset.done $0x0  }
0x8a: {  	[sflag:s5] =	ssyncadd.s32 $0xFFFFC000  }
0x8b: {  	[spmem:s13] =	stream.indirect.scatter.add.f32 [tilespmem:s12], [sflag:$0x2], $0x80, s4, s4, $0xb8;
	[tilespmem:$0x1B100] =	vst v63  }
0x8c: {  	_ =	swait.ge [sflag:s0], $0x4000  }
.Ltmp3:
0x8d: {  	[sflag:s0] =	ssyncset.done $0x0;
	(pc) =	sbr.rel @p0 .LBB2_8-.Ltmp3, $4  }
0x8e: {  	[sflag:s0] =	ssyncadd.s32 $0xFFFFC000  }
0x8f: {  	[spmem:s14] =	stream.indirect.scatter.add.f32 [tilespmem:s3], [sflag:$0x2], $0x10, s4, s4, $0xb8;
	[tilespmem:$0x1B100] =	vst v63  }
0x90: {  	_ =	swait.ge [sflag:s0], $0x800  }
0x91: {  	s8 =	smov.u32 s11;
	[sflag:s0] =	ssyncset.done $0x0  }
0x92: {  	s8 =	sadd.s32 s7, s31;
	[sflag:s0] =	ssyncadd.s32 $0xFFFFF800  }
0x93: {  	[tilespmem:s2], [sflag:$0x2] =	stream.linear.gather [hbm4b:s8+s2], $0x80, $0x38;
	[tilespmem:$0x1B100] =	vst v63  }
0x94: {  	_ =	swait.ge [sflag:s0], $0x80  }
0x95: {  	[sflag:s0] =	ssyncset.done $0x0  }
0x96: {  	s10 =	sadd.s32 s7, s30;
	[sflag:s0] =	ssyncadd.s32 $0xFFFFFF80  }
0x97: {  	[tilespmem:s4], [sflag:$0x2] =	stream.linear.gather [hbm4b:s10+s2], $0x80, $0x38;
	[tilespmem:$0x1B100] =	vst v63  }
0x98: {  	_ =	swait.ge [sflag:s0], $0x80  }
0x99: {  	[sflag:s0] =	ssyncset.done $0x0  }
0x9a: {  	[sflag:s0] =	ssyncadd.s32 $0xFFFFFF80  }
0x9b: {  	[tilespmem:s12], [sflag:$0x1] =	stream.indirect.gather [hbm4b:s1+s4], $0x80, s2, s4, $0xb8;
	[tilespmem:$0x1B100] =	vst v63  }
0x9c: {  	_ =	swait.ge [sflag:s5], $0x4000  }
0x9d: {  	[sflag:s5] =	ssyncset.done $0x0  }
0x9e: {  	[sflag:s5] =	ssyncadd.s32 $0xFFFFC000  }
0x9f: {  	[spmem:s13] =	stream.indirect.scatter.add.f32 [tilespmem:s12], [sflag:$0x2], $0x80, s4, s4, $0xb8;
	[tilespmem:$0x1B100] =	vst v63  }
0xa0: {  	_ =	swait.ge [sflag:s0], $0x4000  }
0xa1: {  	[sflag:s0] =	ssyncset.done $0x0  }
0xa2: {  	[sflag:s0] =	ssyncadd.s32 $0xFFFFC000  }
0xa3: {  	[spmem:s14] =	stream.indirect.scatter.add.f32 [tilespmem:s3], [sflag:$0x2], $0x10, s4, s4, $0xb8;
	[tilespmem:$0x1B100] =	vst v63  }
0xa4: {  	_ =	swait.ge [sflag:s0], $0x800  }
0xa5: {  	[sflag:s0] =	ssyncset.done $0x0  }
0xa6: {  	[sflag:s0] =	ssyncadd.s32 $0xFFFFF800  }
0xa7: {  	[bflag:$0x0] =	sbarrier.arrive $0xFFFF  }
0xa8: {  	[tilespmem:s12], [sflag:$0x2] =	stream.linear.gather [spmem:s16], $0x4000, $0x38;
	[tilespmem:$0x1B100] =	vst v63  }
0xa9: {  	_ =	swait.ge [sflag:s0], $0x4000  }
0xaa: {  	[sflag:s0] =	ssyncset.done $0x0  }
0xab: {  	s11 =	rddreg [dreg:$0x5];
	[sflag:s0] =	ssyncadd.s32 $0xFFFFC000  }
0xac: {  	[hbm4b:s11+s2] =	stream.linear.scatter [tilespmem:s12], [sflag:$0x2], $0x4000, $0x38;
	[tilespmem:$0x1B100] =	vst v63  }
0xad: {  	_ =	swait.ge [sflag:s0], $0x4000  }
0xae: {  	[sflag:s0] =	ssyncset.done $0x0  }
0xaf: {  	[sflag:s0] =	ssyncadd.s32 $0xFFFFC000  }
0xb0: {  	[tilespmem:s3], [sflag:$0x2] =	stream.linear.gather [spmem:s29], $0x800, $0x38;
	[tilespmem:$0x1B100] =	vst v63  }
0xb1: {  	_ =	swait.ge [sflag:s0], $0x800  }
0xb2: {  	[sflag:s0] =	ssyncset.done $0x0  }
0xb3: {  	s8 =	rddreg [dreg:$0x6];
	[sflag:s0] =	ssyncadd.s32 $0xFFFFF800  }
0xb4: {  	[hbm4b:s8+s2] =	stream.linear.scatter [tilespmem:s3], [sflag:$0x2], $0x800, $0x38;
	[tilespmem:$0x1B100] =	vst v63  }
0xb5: {  	_ =	swait.ge [sflag:s0], $0x800  }
0xb6: {  	[sflag:s0] =	ssyncset.done $0x0  }
0xb7: {  	[sflag:s0] =	ssyncadd.s32 $0xFFFFF800  }
0xb8: {  	[tilespmem:s12], [sflag:$0x2] =	stream.linear.gather [spmem:s20], $0x4000, $0x38;
	[tilespmem:$0x1B100] =	vst v63  }
0xb9: {  	_ =	swait.ge [sflag:s0], $0x4000  }
0xba: {  	[sflag:s0] =	ssyncset.done $0x0  }
0xbb: {  	s9 =	rddreg [dreg:$0x7];
	[sflag:s0] =	ssyncadd.s32 $0xFFFFC000  }
0xbc: {  	[hbm4b:s9+s2] =	stream.linear.scatter [tilespmem:s12], [sflag:$0x2], $0x4000, $0x38;
	[tilespmem:$0x1B100] =	vst v63  }
0xbd: {  	_ =	swait.ge [sflag:s0], $0x4000  }
0xbe: {  	[sflag:s0] =	ssyncset.done $0x0  }
0xbf: {  	[sflag:s0] =	ssyncadd.s32 $0xFFFFC000  }
0xc0: {  	[tilespmem:s3], [sflag:$0x2] =	stream.linear.gather [spmem:s21], $0x800, $0x38;
	[tilespmem:$0x1B100] =	vst v63  }
0xc1: {  	_ =	swait.ge [sflag:s0], $0x800  }
0xc2: {  	[sflag:s0] =	ssyncset.done $0x0  }
0xc3: {  	s10 =	rddreg [dreg:$0xb];
	[sflag:s0] =	ssyncadd.s32 $0xFFFFF800  }
0xc4: {  	[hbm4b:s10+s2] =	stream.linear.scatter [tilespmem:s3], [sflag:$0x2], $0x800, $0x38;
	[tilespmem:$0x1B100] =	vst v63  }
0xc5: {  	_ =	swait.ge [sflag:s0], $0x800  }
0xc6: {  	[sflag:s0] =	ssyncset.done $0x0  }
0xc7: {  	[sflag:s0] =	ssyncadd.s32 $0xFFFFF800  }
0xc8: {  	[tilespmem:s12], [sflag:$0x2] =	stream.linear.gather [spmem:s22], $0x4000, $0x38;
	[tilespmem:$0x1B100] =	vst v63  }
0xc9: {  	_ =	swait.ge [sflag:s0], $0x4000  }
0xca: {  	[sflag:s0] =	ssyncset.done $0x0  }
0xcb: {  	s11 =	rddreg [dreg:$0x8];
	[sflag:s0] =	ssyncadd.s32 $0xFFFFC000  }
0xcc: {  	[hbm4b:s11+s2] =	stream.linear.scatter [tilespmem:s12], [sflag:$0x2], $0x4000, $0x38;
	[tilespmem:$0x1B100] =	vst v63  }
0xcd: {  	_ =	swait.ge [sflag:s0], $0x4000  }
0xce: {  	[sflag:s0] =	ssyncset.done $0x0  }
0xcf: {  	[sflag:s0] =	ssyncadd.s32 $0xFFFFC000  }
0xd0: {  	[tilespmem:s3], [sflag:$0x2] =	stream.linear.gather [spmem:s23], $0x800, $0x38;
	[tilespmem:$0x1B100] =	vst v63  }
0xd1: {  	_ =	swait.ge [sflag:s0], $0x800  }
0xd2: {  	[sflag:s0] =	ssyncset.done $0x0  }
0xd3: {  	s8 =	rddreg [dreg:$0xc];
	[sflag:s0] =	ssyncadd.s32 $0xFFFFF800  }
0xd4: {  	[hbm4b:s8+s2] =	stream.linear.scatter [tilespmem:s3], [sflag:$0x2], $0x800, $0x38;
	[tilespmem:$0x1B100] =	vst v63  }
0xd5: {  	_ =	swait.ge [sflag:s0], $0x800  }
0xd6: {  	[sflag:s0] =	ssyncset.done $0x0  }
0xd7: {  	[sflag:s0] =	ssyncadd.s32 $0xFFFFF800  }
0xd8: {  	[tilespmem:s12], [sflag:$0x2] =	stream.linear.gather [spmem:s24], $0x4000, $0x38;
	[tilespmem:$0x1B100] =	vst v63  }
0xd9: {  	_ =	swait.ge [sflag:s0], $0x4000  }
0xda: {  	[sflag:s0] =	ssyncset.done $0x0  }
0xdb: {  	s9 =	rddreg [dreg:$0x9];
	[sflag:s0] =	ssyncadd.s32 $0xFFFFC000  }
0xdc: {  	[hbm4b:s9+s2] =	stream.linear.scatter [tilespmem:s12], [sflag:$0x2], $0x4000, $0x38;
	[tilespmem:$0x1B100] =	vst v63  }
0xdd: {  	_ =	swait.ge [sflag:s0], $0x4000  }
0xde: {  	[sflag:s0] =	ssyncset.done $0x0  }
0xdf: {  	[sflag:s0] =	ssyncadd.s32 $0xFFFFC000  }
0xe0: {  	[tilespmem:s3], [sflag:$0x2] =	stream.linear.gather [spmem:s25], $0x800, $0x38;
	[tilespmem:$0x1B100] =	vst v63  }
0xe1: {  	_ =	swait.ge [sflag:s0], $0x800  }
0xe2: {  	[sflag:s0] =	ssyncset.done $0x0  }
0xe3: {  	s10 =	rddreg [dreg:$0xd];
	[sflag:s0] =	ssyncadd.s32 $0xFFFFF800  }
0xe4: {  	[hbm4b:s10+s2] =	stream.linear.scatter [tilespmem:s3], [sflag:$0x2], $0x800, $0x38;
	[tilespmem:$0x1B100] =	vst v63  }
0xe5: {  	_ =	swait.ge [sflag:s0], $0x800  }
0xe6: {  	[sflag:s0] =	ssyncset.done $0x0  }
0xe7: {  	[sflag:s0] =	ssyncadd.s32 $0xFFFFF800  }
0xe8: {  	[tilespmem:s12], [sflag:$0x2] =	stream.linear.gather [spmem:s26], $0x4000, $0x38;
	[tilespmem:$0x1B100] =	vst v63  }
0xe9: {  	_ =	swait.ge [sflag:s0], $0x4000  }
0xea: {  	[sflag:s0] =	ssyncset.done $0x0  }
0xeb: {  	s11 =	rddreg [dreg:$0xa];
	[sflag:s0] =	ssyncadd.s32 $0xFFFFC000  }
0xec: {  	[hbm4b:s11+s2] =	stream.linear.scatter [tilespmem:s12], [sflag:$0x2], $0x4000, $0x38;
	[tilespmem:$0x1B100] =	vst v63  }
0xed: {  	_ =	swait.ge [sflag:s0], $0x4000  }
0xee: {  	[sflag:s0] =	ssyncset.done $0x0  }
0xef: {  	[sflag:s0] =	ssyncadd.s32 $0xFFFFC000  }
0xf0: {  	[tilespmem:s3], [sflag:$0x2] =	stream.linear.gather [spmem:s28], $0x800, $0x38;
	[tilespmem:$0x1B100] =	vst v63  }
0xf1: {  	s6 =	sadd.s32 $0x1, s6;
	_ =	swait.ge [sflag:s0], $0x800  }
0xf2: {  	p0 =	sne.s32 s6, s17;
	[sflag:s0] =	ssyncset.done $0x0  }
.Ltmp4:
0xf3: {  	[sflag:s0] =	ssyncadd.s32 $0xFFFFF800;
	(pc) =	sbr.rel @p0 .LBB2_1-.Ltmp4, $4  }
0xf4: {  	[hbm4b:s15+s2] =	stream.linear.scatter [tilespmem:s3], [sflag:$0x2], $0x800, $0x38;
	[tilespmem:$0x1B100] =	vst v63  }
0xf5: {  	_ =	swait.ge [sflag:s0], $0x800  }
0xf6: {  	[sflag:s0] =	ssyncset.done $0x0  }
0xf7: {  	[sflag:s0] =	ssyncadd.s32 $0xFFFFF800  }
0xf8: {  	_ =	sfence.sel $0x180000  }
0xf9: {  	[bflag:$0x0] =	sbarrier.arrive $0xFFFF  }
0xfa: {  	_ =	strace $0x9000004A  }
0xfb: {  	s0 =	stileid.u32;
	[bflag:$0x2] =	sbarrier.arrive $0xFFFF  }
0xfc: {  	p0 =	sne.s32 s0, $0x0;
	s0 =	rddreg [dreg:$0x4]  }
0xfd: {  	s0 =	sadd.s32 @!p0 $0x100000, s0  }
0xfe: {  	[sflag:s0] =	ssyncadd.tile.s32 @!p0 $0x1;
	_ =	shalt  }
.Lfunc_end2:
_tile_overlayer_lowered:
.L_overlay_start_2:
0xff: {  	(tag) =	ssettag $0x2  }
0x100: {  	s0 =	rddreg [dreg:$0x0];
	s2 =	stileid.u32  }
0x101: {  	s1 =	rddreg [dreg:$0x1];
	p0 =	sne.s32 s2, $0x0  }
0x102: {  	s3 =	rddreg [dreg:$0x2];
	[bflag:$0x3] =	sbarrier.arrive $0xFFFF;
	s2 =	simm.s32 @!p0 $0x1C02  }
0x103: {  	[timem:s3], [sflag:s2] =	dma.local @!p0 [hbm:s0], s1  }
0x104: {  	s0 =	simm.s32 @!p0 $0x2  }
0x105: {  	_ =	swait.ge @!p0 [sflag:s0], s1  }
0x106: {  	s1 =	ssub.s32 @!p0 $0x0, s1;
	[sflag:s0] =	ssyncset.done @!p0 $0x0  }
0x107: {  	[sflag:s0] =	ssyncadd.s32 @!p0 s1  }
0x108: {  	[bflag:$0x3] =	sbarrier.arrive $0xFFFF  }
0x109: {  	_ =	shalt  }

// kernel: kernel.14.cloned.1.call-start
scs
__scs_entry_jumppad:
0x0: {  	(pc) =	sbr.rel $0x88, $3  }
0x1: {  	(tag) =	ssettag $0x0;
	lr =	simm.s32 $0x1  }
0x2: {  	[smem:$0x3F89] =	sst lr;
	_ =	strace $0xD0000000  }
0x3: {  	_ = 	snop  }
0x4: {  	_ = 	snop  }
0x5: {  	_ = 	snop  }
0x6: {  	_ = 	snop  }
0x7: {  	_ = 	snop  }
__scs_overlays_trampoline_lowered:
0x8: {  	[smem:$0x3F98] =	sst s0  }
0x9: {  	[smem:$0x3F99] =	sst s1  }
0xa: {  	[smem:$0x3F9A] =	sst s2  }
0xb: {  	[smem:$0x3F9B] =	sst s3  }
0xc: {  	[smem:$0x3F9C] =	sst s4  }
0xd: {  	[smem:$0x3F9D] =	sst s5  }
0xe: {  	[smem:$0x3F9E] =	sst s6  }
0xf: {  	[smem:$0x3F9F] =	sst s7  }
0x10: {  	[smem:$0x3FA0] =	sst s8  }
0x11: {  	[smem:$0x3FA1] =	sst s9;
	s0 =	simm.s32 @!p0 $0x0  }
0x12: {  	s1 =	sld [smem:$0x3F87];
	s0 =	simm.s32 @p0 $0x1  }
0x13: {  	[smem:$0x3FA2] =	sst s0;
	s0 =	simm.s32 @!p1 $0x0  }
0x14: {  	s2 =	sld [smem:$0x3F86];
	s0 =	simm.s32 @p1 $0x1  }
0x15: {  	[smem:$0x3FA3] =	sst s0;
	s0 =	simm.s32 @!p2 $0x0  }
0x16: {  	s3 =	sld [smem:$0x3FDB];
	s0 =	simm.s32 @p2 $0x1  }
0x17: {  	s4 =	simm.s32 $0x1BF5;
	[smem:$0x3FA5] =	sst s0  }
0x18: {  	s0 =	sld [smem:$0x3F88];
	_ =	swait.ge [sflag:s4], $0x0  }
0x19: {  	s7 =	sld [smem:$0x3F89]  }
0x1a: {  	s8 =	sadd.s32 $0xFFFFE003, lr  }
0x1b: {  	s9 =	sadd.s32 $0xFFFFFEF7, lr;
	s5 =	simm.s32 $0xFFFFFFFF;
	p2 =	slt.u32 s8, $0xFFFFF086  }
0x1c: {  	p1 =	slt.u32 s9, $0xF7A;
	s5 =	simm.s32 @!p2 $0x0  }
0x1d: {  	s5 =	simm.s32 @p1 $0x1;
	p0 =	seq.s32 s7, s2  }
0x1e: {  	s7 =	smul.u32 @!p0 $0xF7A, s2;
	p2 =	seq.s32 @!p0 s5, $0x0  }
0x1f: {  	s9 =	smul.u32 $0xF7A, s1;
	s8 =	simm.s32 @!p0 $0x1BF5;
	p2 =	por !p2, p0  }
0x20: {  	[sflag:s8] =	ssyncset.s32 @!p0 $0xFFFFF086;
	s6 =	sadd.s32 @!p0 s3, s7;
	s7 =	simm.s32 @!p0 $0x108  }
0x21: {  	s3 =	sadd.s32 s3, s9;
	s6 =	sadd.s32 @!p0 $0x88, s6;
	s7 =	simm.s32 @p2 $0x1082  }
0x22: {  	[simem:s7], [sflag:s8] =	dma.local @!p0 [hbm:s6], $0xF7A  }
0x23: {  	s9 =	sor.u32 $0xD0000000, s2;
	s6 =	simm.s32 $0x108;
	_ =	swait.ge @!p0 [sflag:s8], $0x0  }
0x24: {  	s3 =	sadd.s32 $0x88, s3;
	s6 =	simm.s32 @!p1 $0x1082;
	[sflag:s4] =	ssyncset.s32 $0xFFFFF086  }
0x25: {  	[simem:s6], [sflag:s4] =	dma.local [hbm:s3], $0xF7A  }
0x26: {  	[smem:$0x3F89] =	sst s1;
	(tag) =	ssettag s2;
	_ =	strace s9  }
0x27: {  	s1 =	sld [smem:$0x3F99]  }
0x28: {  	s2 =	sld [smem:$0x3F9A]  }
0x29: {  	s4 =	sld [smem:$0x3F9C]  }
0x2a: {  	p0 =	seq.s32 s5, $0x0;
	s5 =	sld [smem:$0x3F9D]  }
0x2b: {  	s6 =	sld [smem:$0x3F9E]  }
0x2c: {  	s7 =	sld [smem:$0x3F9F]  }
0x2d: {  	s3 =	simm.s32 $0x108;
	s8 =	sld [smem:$0x3FA0]  }
0x2e: {  	s3 =	simm.s32 @!p0 $0x1082;
	s9 =	sld [smem:$0x3FA1]  }
0x2f: {  	lr =	sadd.s32 s0, s3;
	s0 =	sld [smem:$0x3F98]  }
0x30: {  	s3 =	sld [smem:$0x3F9B]  }
0x31: {  	[smem:$0x3FA4] =	sst s10  }
0x32: {  	s10 =	sld [smem:$0x3FA2];
	_ =	sdelay $0x3  }
0x33: {  	p0 =	seq.s32 s10, $0x1;
	s10 =	sld [smem:$0x3FA4];
	_ =	sdelay $0x3  }
0x34: {  	[smem:$0x3FA4] =	sst s10  }
0x35: {  	s10 =	sld [smem:$0x3FA3];
	_ =	sdelay $0x3  }
0x36: {  	p1 =	seq.s32 s10, $0x1;
	s10 =	sld [smem:$0x3FA4];
	_ =	sdelay $0x3  }
0x37: {  	[smem:$0x3FA4] =	sst s10  }
0x38: {  	s10 =	sld [smem:$0x3FA5]  }
0x39: {  	_ = 	snop;
	(pc) =	sbr.ind lr, $3  }
0x3a: {  	_ = 	snop  }
0x3b: {  	_ = 	snop  }
0x3c: {  	p2 =	seq.s32 s10, $0x1;
	s10 =	sld [smem:$0x3FA4]  }
0x3d: {  	_ =	shalt  }
0x3e: {  	_ =	shalt  }
0x3f: {  	_ =	shalt  }
0x40: {  	_ =	shalt  }
0x41: {  	_ =	shalt  }
0x42: {  	_ =	shalt  }
0x43: {  	_ =	shalt  }
0x44: {  	_ =	shalt  }
0x45: {  	_ =	shalt  }
0x46: {  	_ =	shalt  }
0x47: {  	_ =	shalt  }
0x48: {  	_ =	shalt  }
0x49: {  	_ =	shalt  }
0x4a: {  	_ =	shalt  }
0x4b: {  	_ =	shalt  }
0x4c: {  	_ =	shalt  }
0x4d: {  	_ =	shalt  }
0x4e: {  	_ =	shalt  }
0x4f: {  	_ =	shalt  }
0x50: {  	_ =	shalt  }
0x51: {  	_ =	shalt  }
0x52: {  	_ =	shalt  }
0x53: {  	_ =	shalt  }
0x54: {  	_ =	shalt  }
0x55: {  	_ =	shalt  }
0x56: {  	_ =	shalt  }
0x57: {  	_ =	shalt  }
0x58: {  	_ =	shalt  }
0x59: {  	_ =	shalt  }
0x5a: {  	_ =	shalt  }
0x5b: {  	_ =	shalt  }
0x5c: {  	_ =	shalt  }
0x5d: {  	_ =	shalt  }
0x5e: {  	_ =	shalt  }
0x5f: {  	_ =	shalt  }
0x60: {  	_ =	shalt  }
0x61: {  	_ =	shalt  }
0x62: {  	_ =	shalt  }
0x63: {  	_ =	shalt  }
0x64: {  	_ =	shalt  }
0x65: {  	_ =	shalt  }
0x66: {  	_ =	shalt  }
0x67: {  	_ =	shalt  }
0x68: {  	_ =	shalt  }
0x69: {  	_ =	shalt  }
0x6a: {  	_ =	shalt  }
0x6b: {  	_ =	shalt  }
0x6c: {  	_ =	shalt  }
0x6d: {  	_ =	shalt  }
0x6e: {  	_ =	shalt  }
0x6f: {  	_ =	shalt  }
0x70: {  	_ =	shalt  }
0x71: {  	_ =	shalt  }
0x72: {  	_ =	shalt  }
0x73: {  	_ =	shalt  }
0x74: {  	_ =	shalt  }
0x75: {  	_ =	shalt  }
0x76: {  	_ =	shalt  }
0x77: {  	_ =	shalt  }
0x78: {  	_ =	shalt  }
0x79: {  	_ =	shalt  }
0x7a: {  	_ =	shalt  }
0x7b: {  	_ =	shalt  }
0x7c: {  	_ =	shalt  }
0x7d: {  	_ =	shalt  }
0x7e: {  	_ =	shalt  }
0x7f: {  	_ =	shalt  }
0x80: {  	_ =	shalt  }
0x81: {  	_ =	shalt  }
0x82: {  	_ =	shalt  }
0x83: {  	_ =	shalt  }
0x84: {  	_ =	shalt  }
0x85: {  	_ =	shalt  }
0x86: {  	_ =	shalt  }
0x87: {  	_ =	shalt  }
.Lfunc_end0:
.L_simem_size_0:
called_computation.1_lowered:
.L_overlay_start_0:
0x88: {  	s2 =	sld [smem:$0x3FD9]  }
0x89: {  	s3 =	sld [smem:$0x3FFE];
	_ =	sdelay $0x1  }
0x8a: {  	s1 =	srdreg.scid  }
0x8b: {  	s0 =	sand.u32 $0x1, s1  }
0x8c: {  	s17 =	sshll.u32 s0, $0xA;
	s2 =	sadd.s32 s3, s2  }
0x8d: {  	s2 =	sadd.s32 s2, s17  }
0x8e: {  	[smem:$0x3FB0] =	sst s2  }
0x8f: {  	_ = 	snop  }
0x90: {  	(tm) =	ssettm $0x1  }
0x91: {  	s18 =	sld [smem:$0x3FFB];
	_ =	sdelay $0x3  }
0x92: {  	_ =	strace s18  }
0x93: {  	s2 =	sld [smem:$0x3FFC];
	_ =	sdelay $0x3  }
0x94: {  	_ =	strace s2  }
0x95: {  	s2 =	sld [smem:$0x3FFD];
	_ =	sdelay $0x3  }
0x96: {  	_ =	strace s2  }
0x97: {  	_ =	strace $0x8FFFFFFF  }
0x98: {  	s19 =	sld [smem:$0x3FDB];
	_ =	sdelay $0x1  }
0x99: {  	s20 =	simm.s32 $_scs_section_size  }
0x9a: {  	s4 =	simm.s32 $_size__tile_overlayer_lowered;
	s5 =	simm.s32 $_tile_overlayer_lowered  }
0x9b: {  	s6 =	simm.s32 $0x1BFF;
	s21 =	sshll.u32 s5, $0x1;
	s3 =	sadd.s32 s20, s19  }
0x9c: {  	s22 =	simm.s32 $0x0;
	s4 =	sshll.u32 s4, $0x1;
	s5 =	sadd.s32 s21, s3  }
0x9d: {  	[timem:s22], [sflag:s6] =	dma.local [hbm:s5], s4  }
0x9e: {  	_ =	swait.ge [sflag:s6], s4  }
0x9f: {  	s4 =	ssub.s32 $0x0, s4;
	[sflag:s6] =	ssyncset.done $0x0  }
0xa0: {  	[sflag:s6] =	ssyncadd.s32 s4;
	_ =	sdelay $0x1  }
0xa1: {  	s23 =	simm.s32 $0x1B8B  }
0xa2: {  	_ =	swait.ge [sflag:s23], $0x1  }
0xa3: {  	[sflag:s23] =	ssyncset.done $0x0  }
0xa4: {  	[sflag:s23] =	ssyncadd.s32 $0xFFFFFFFF  }
0xa5: {  	s4 =	sld [smem:$0x0]  }
0xa6: {  	s5 =	sand.u32 $0xFFFFFFFE, s1  }
0xa7: {  	p0 =	sne.s32 s1, s5  }
0xa8: {  	s5 =	sshll.u32 @p0 s5, $0xE  }
0xa9: {  	s5 =	sadd.s32 @p0 $0x11B8D, s5;
	s6 =	sshll.u32 @p0 s4, $0x11  }
0xaa: {  	s5 =	sor.u32 @p0 s6, s5  }
0xab: {  	[sflag:s5] =	ssyncadd.remote.s32 @p0 $0x1;
	_ =	sdelay $0x1  }
0xac: {  	s5 =	simm.s32 @p0 $0x1B8D  }
0xad: {  	_ =	swait.eq @p0 [sflag:s5], $0x1  }
0xae: {  	[sflag:s5] =	ssyncadd.s32 @p0 $0xFFFFFFFF  }
0xaf: {  	s6 =	sshll.u32 @!p0 s1, $0xE  }
0xb0: {  	s6 =	sor.u32 @!p0 $0x4000, s6;
	s5 =	simm.s32 @!p0 $0x1B8D  }
0xb1: {  	s4 =	sshll.u32 @!p0 s4, $0x11;
	s6 =	sadd.s32 @!p0 $0x11B8D, s6;
	_ =	swait.eq @!p0 [sflag:s5], $0x1  }
0xb2: {  	s4 =	sor.u32 @!p0 s4, s6;
	[sflag:s5] =	ssyncadd.s32 @!p0 $0xFFFFFFFF  }
0xb3: {  	s25 =	simm.s32 $0x1B8E;
	s24 =	sld [smem:$0x3FFE];
	[sflag:s4] =	ssyncadd.remote.s32 @!p0 $0x1  }
0xb4: {  	s26 =	simm.s32 $execute0_lowered;
	[smem:$0x3FD2] =	sst s25  }
0xb5: {  	s5 =	sshll.u32 s26, $0x1;
	_ =	strace $0x8000004F;
	[dreg:$0x1] =	wrdreg $0xFFFFFFFF  }
0xb6: {  	s28 =	simm.s32 $_size_execute0_lowered;
	s3 =	sadd.s32 s3, s5;
	[dreg:$0x0] =	wrdreg $0x0  }
0xb7: {  	s5 =	sshll.u32 s28, $0x1;
	[dreg:$0x2] =	wrdreg s3  }
0xb8: {  	[dreg:$0x3] =	wrdreg s5  }
0xb9: {  	[dreg:$0x4] =	wrdreg $0xC0  }
0xba: {  	_ =	task [dreg:s22], $0x5FFFF  }
0xbb: {  	[dreg:$0x1] =	wrdreg $0xFFFFFFFF  }
0xbc: {  	[dreg:$0x0] =	wrdreg $0x60  }
0xbd: {  	[dreg:$0x2] =	wrdreg s24  }
0xbe: {  	[dreg:$0x3] =	wrdreg $0x49800  }
0xbf: {  	[dreg:$0x4] =	wrdreg $0x9  }
0xc0: {  	_ =	task.clear_ibuf [dreg:s22], $0x5FFFF;
	_ =	strace $0x9000004F  }
0xc1: {  	s29 =	simm.s32 $0x9;
	_ =	strace $0x80000051  }
0xc2: {  	_ =	swait.ge [sflag:s29], $0x1  }
0xc3: {  	[sflag:s29] =	ssyncadd.s32 $0xFFFFFFFF  }
0xc4: {  	_ =	strace $0x90000051  }
0xc5: {  	_ =	sfence  }
0xc6: {  	s30 =	sld [smem:$0x0];
	_ =	sdelay $0x2  }
0xc7: {  	s31 =	sshll.u32 s1, $0xD;
	s1 =	sshrl.u32 s1, $0x2  }
0xc8: {  	s4 =	sand.u32 $0x4000, s31;
	s1 =	sadd.s32 s1, s30  }
0xc9: {  	s0 =	sor.u32 s4, s0;
	s1 =	sshll.u32 s1, $0x11  }
0xca: {  	s0 =	sor.u32 s1, s0  }
0xcb: {  	s0 =	sadd.s32 $0x8F2B, s0  }
0xcc: {  	[sflag:s0] =	ssyncadd.remote.s32 $0x1  }
0xcd: {  	_ =	sfence.sel $0xFFFF  }
0xce: {  	[dreg:$0x0] =	wrdreg $0xFFFFFFFF;
	(pc) =	sbr.abs _section_cstart, $3  }
0xcf: {  	[dreg:$0x1] =	wrdreg $0xFFFFFFFF  }
0xd0: {  	_ =	task.clear_ibuf [dreg:s22], $0x2FFFF;
	_ =	strace $0x9FFFFFFF  }
0xd1: {  	(tm) =	ssettm $0x7FFFFFFF  }
tec
execute0_lowered:
.L_overlay_start_1:
0x0: {  	(tag) =	ssettag $0x1  }
0x1: {  	s5 =	rddreg [dreg:$0x0]  }
0x2: {  	s2 =	rddreg [dreg:$0x1];
	s3 =	simm.s32 $0x0  }
0x3: {  	s1 =	stileid.u32;
	s4 =	srdreg.scid;
	s28 =	simm.s32 $0x1  }
0x4: {  	s29 =	simm.s32 $0x0;
	[smem:$0x7FF] =	sst s3;
	s6 =	smul.u32 $0x9E0, s1  }
0x5: {  	s26 =	sand.u32 $0x1, s4;
	s4 =	sadd.s32 $0x1CFE00, s5;
	s8 =	smul.u32 $0x50000, s1  }
0x6: {  	s17 =	smul.u32 $0x14000, s1;
	s20 =	sadd.s32 $0x21E000, s5;
	_ =	strace $0x80000050  }
0x7: {  	s7 =	ssub.s32 $0x2, s26;
	s18 =	smul.u32 $0x140000, s26;
	v0 =	vmov s26;
	s26 =	simm.s32 $0x80  }
0x8: {  	s22 =	sadd.s32 s6, s5;
	s24 =	sshrl.u32 s7, $0x1;
	s25 =	sshrl.u32 s8, $0x2  }
0x9: {  	s6 =	sadd.s32 s17, s2;
	s13 =	sadd.s32 $0x4000, s17;
	s15 =	sadd.s32 $0x8000, s17  }
0xa: {  	s19 =	sadd.s32 $0xC000, s17;
	s23 =	sadd.s32 $0x10000, s17;
	s7 =	ssub.s32 s7, s24  }
0xb: {  	s5 =	sadd.s32 s25, s2;
	s12 =	sadd.s32 s18, s17;
	s14 =	sadd.s32 s18, s13  }
0xc: {  	s13 =	sadd.s32 s13, s2;
	s16 =	sadd.s32 s18, s15;
	s15 =	sadd.s32 s15, s2  }
0xd: {  	s21 =	sadd.s32 s18, s19;
	s17 =	sadd.s32 s19, s2;
	s31 =	sadd.s32 s18, s23  }
0xe: {  	s19 =	sadd.s32 s23, s2;
	s23 =	simm.s32 $0x180;
	s24 =	simm.s32 $0x2  }
0xf: {  	s25 =	simm.s32 $0x100;
	s7 =	smax.u32 s7, $0x1;
	s8 =	sadd.s32 $0x4000, s5  }
0x10: {  	s9 =	sadd.s32 $0x8000, s5;
	s10 =	sadd.s32 $0xC000, s5;
	s11 =	sadd.s32 $0x10000, s5  }
0x11: {  	s12 =	sshrl.u32 s12, $0x3;
	s14 =	sshrl.u32 s14, $0x3;
	s16 =	sshrl.u32 s16, $0x3  }
0x12: {  	s30 =	sshrl.u32 s21, $0x3;
	s21 =	sshrl.u32 s31, $0x3;
	s12 =	sadd.s32 s20, s12  }
0x13: {  	s14 =	sadd.s32 s20, s14;
	s16 =	sadd.s32 s20, s16;
	s18 =	sadd.s32 s20, s30  }
0x14: {  	v1 =	vimm.f32 $0.0e+00;
	s20 =	sadd.s32 s20, s21;
	s21 =	sadd.s32 $0x72200, s22;
	s22 =	sadd.s32 $0x7C000, s22  }
.LBB2_1:
0x15: {  	s30 =	simm.s32 $0x0;
	s31 =	simm.s32 $0x200  }
.LBB2_2:
0x16: {  	p0 =	sne.s32 s31, $0xFE00;
	[tilespmem:s30+$0x1F0] =	vst v1  }
0x17: {  	[tilespmem:s30+$0x180] =	vst v1  }
0x18: {  	[tilespmem:s30+$0x190] =	vst v1  }
.Ltmp0:
0x19: {  	[tilespmem:s30+$0x1A0] =	vst v1;
	(pc) =	sbr.rel @p0 .LBB2_2-.Ltmp0, $4  }
0x1a: {  	[tilespmem:s30+$0x1B0] =	vst v1  }
0x1b: {  	[tilespmem:s30+$0x1C0] =	vst v1  }
0x1c: {  	[tilespmem:s30+$0x1D0] =	vst v1  }
0x1d: {  	[tilespmem:s30+$0x1E0] =	vst v1;
	s30 =	sshra.s32 s31, $0x2;
	s31 =	sadd.s32 $0x200, s31  }
0x1e: {  	[tilespmem:s30+$0x1F0] =	vst v1  }
0x1f: {  	[tilespmem:s30+$0x180] =	vst v1  }
0x20: {  	[tilespmem:s30+$0x190] =	vst v1  }
0x21: {  	[tilespmem:s30+$0x1A0] =	vst v1  }
0x22: {  	[tilespmem:s30+$0x1B0] =	vst v1  }
0x23: {  	[tilespmem:s30+$0x1C0] =	vst v1  }
0x24: {  	[tilespmem:s30+$0x1D0] =	vst v1  }
0x25: {  	[tilespmem:s30+$0x1E0] =	vst v1;
	s30 =	simm.s32 $0x40;
	s31 =	simm.s32 $0x0  }
.LBB2_4:
0x26: {  	p0 =	sne.s32 s30, $0x1FC0;
	[tilespmem:s31+$0x4180] =	vst v1;
	s31 =	smov.u32 s30;
	s30 =	sadd.s32 $0x40, s30  }
.Ltmp1:
0x27: {  	(pc) =	sbr.rel @p0 .LBB2_4-.Ltmp1, $2  }
0x28: {  	_ =	sdelay $0x2  }
0x29: {  	s31 =	sshra.s32 s31, $0x2  }
0x2a: {  	[tilespmem:s31+$0x4180] =	vst v1  }
0x2b: {  	[spmem:s5] =	stream.linear.scatter [tilespmem:s23], [sflag:$0x2], $0x4000, $0x38;
	[tilespmem:$0x18980] =	vst v63  }
0x2c: {  	_ =	swait.ge [sflag:s24], $0x4000  }
0x2d: {  	[sflag:s24] =	ssyncset.done $0x0  }
0x2e: {  	[sflag:s24] =	ssyncadd.s32 $0xFFFFC000  }
0x2f: {  	[spmem:s8] =	stream.linear.scatter [tilespmem:s23], [sflag:$0x2], $0x4000, $0x38;
	[tilespmem:$0x18980] =	vst v63  }
0x30: {  	_ =	swait.ge [sflag:s24], $0x4000  }
0x31: {  	[sflag:s24] =	ssyncset.done $0x0  }
0x32: {  	[sflag:s24] =	ssyncadd.s32 $0xFFFFC000  }
0x33: {  	[spmem:s9] =	stream.linear.scatter [tilespmem:s23], [sflag:$0x2], $0x4000, $0x38;
	[tilespmem:$0x18980] =	vst v63  }
0x34: {  	_ =	swait.ge [sflag:s24], $0x4000  }
0x35: {  	[sflag:s24] =	ssyncset.done $0x0  }
0x36: {  	[sflag:s24] =	ssyncadd.s32 $0xFFFFC000  }
0x37: {  	[spmem:s10] =	stream.linear.scatter [tilespmem:s23], [sflag:$0x2], $0x4000, $0x38;
	[tilespmem:$0x18980] =	vst v63  }
0x38: {  	_ =	swait.ge [sflag:s24], $0x4000  }
0x39: {  	[sflag:s24] =	ssyncset.done $0x0  }
0x3a: {  	[sflag:s24] =	ssyncadd.s32 $0xFFFFC000  }
0x3b: {  	[spmem:s11] =	stream.linear.scatter [tilespmem:s23], [sflag:$0x2], $0x4000, $0x38;
	[tilespmem:$0x18980] =	vst v63  }
0x3c: {  	_ =	swait.ge [sflag:s24], $0x4000  }
0x3d: {  	[sflag:s24] =	ssyncset.done $0x0  }
0x3e: {  	[sflag:s24] =	ssyncadd.s32 $0xFFFFC000  }
0x3f: {  	s30 =	sadd.s32 $0x0, s22;
	[bflag:$0x0] =	sbarrier.arrive $0xFFFF  }
0x40: {  	[tilespmem:s3], [sflag:$0x2] =	stream.linear.gather [hbm4b:s30+s3], $0x80, $0x38;
	[tilespmem:$0x18980] =	vst v63  }
0x41: {  	_ =	swait.ge [sflag:s24], $0x80  }
0x42: {  	[sflag:s24] =	ssyncset.done $0x0  }
0x43: {  	s30 =	sadd.s32 $0x0, s21;
	[sflag:s24] =	ssyncadd.s32 $0xFFFFFF80  }
0x44: {  	[tilespmem:s25], [sflag:$0x2] =	stream.linear.gather [hbm4b:s30+s3], $0x80, $0x38;
	[tilespmem:$0x18980] =	vst v63  }
0x45: {  	_ =	swait.ge [sflag:s24], $0x80  }
0x46: {  	[sflag:s24] =	ssyncset.done $0x0  }
0x47: {  	[sflag:s24] =	ssyncadd.s32 $0xFFFFFF80  }
0x48: {  	v2 =	vld [tilespmem:$0x50]  }
0x49: {  	v3 =	vld [tilespmem:$0x30]  }
0x4a: {  	v4 =	vld [tilespmem:$0x20]  }
0x4b: {  	v5 =	vld [tilespmem:$0x10]  }
0x4c: {  	v6 =	vld [tilespmem:$0x40]  }
0x4d: {  	v7 =	vld [tilespmem:$0x0];
	v2 =	vshll.u32 v2, $0x1  }
0x4e: {  	v8 =	vld [tilespmem:$0x60];
	v3 =	vshll.u32 v3, $0x1;
	v2 =	vor.u32 v0, v2  }
0x4f: {  	v9 =	vld [tilespmem:$0x70];
	v4 =	vshll.u32 v4, $0x1;
	v3 =	vor.u32 v0, v3;
	[tilespmem:$0xD0] =	vst v2  }
0x50: {  	v4 =	vor.u32 v0, v4;
	v2 =	vshll.u32 v5, $0x1;
	[tilespmem:$0xB0] =	vst v3  }
0x51: {  	[tilespmem:$0xA0] =	vst v4;
	v3 =	vshll.u32 v6, $0x1;
	v2 =	vor.u32 v0, v2  }
0x52: {  	v4 =	vshll.u32 v7, $0x1;
	[tilespmem:$0x90] =	vst v2;
	v2 =	vor.u32 v0, v3  }
0x53: {  	v3 =	vor.u32 v0, v4;
	[tilespmem:$0xC0] =	vst v2;
	v2 =	vshll.u32 v8, $0x1  }
0x54: {  	s30 =	simm.s32 $0x10;
	[tilespmem:$0x80] =	vst v3;
	v3 =	vshll.u32 v9, $0x1;
	v2 =	vor.u32 v0, v2  }
.LBB2_6:
0x55: {  	p0 =	sne.s32 s30, $0x9D0;
	[tilespmem:$0xE0] =	vst v2;
	v2 =	vor.u32 v0, v3;
	s31 =	smov.u32 s30;
	s30 =	sadd.s32 $0x10, s30  }
0x56: {  	[tilespmem:$0xF0] =	vst v2  }
0x57: {  	[tilespmem:s23], [sflag:$0x1] =	stream.indirect.gather [hbm4b:s4+s26], $0x80, s26, s26, $0xb8;
	[tilespmem:$0x18980] =	vst v63  }
0x58: {  	_ =	swait.ge [sflag:s28], $0x4000  }
0x59: {  	[sflag:s28] =	ssyncset.done $0x0  }
0x5a: {  	[sflag:s28] =	ssyncadd.s32 $0xFFFFC000  }
0x5b: {  	[spmem:s2] =	stream.indirect.scatter.add.f32 [tilespmem:s23], [sflag:$0x2], $0x80, s25, s26, $0xb8;
	[tilespmem:$0x18980] =	vst v63  }
0x5c: {  	s0 =	sadd.s32 s31, s22;
	_ =	swait.ge [sflag:s24], $0x4000  }
0x5d: {  	[sflag:s24] =	ssyncset.done $0x0  }
0x5e: {  	[sflag:s24] =	ssyncadd.s32 $0xFFFFC000  }
0x5f: {  	[tilespmem:s3], [sflag:$0x2] =	stream.linear.gather [hbm4b:s0+s3], $0x80, $0x38;
	[tilespmem:$0x18980] =	vst v63  }
0x60: {  	_ =	swait.ge [sflag:s24], $0x80  }
0x61: {  	[sflag:s24] =	ssyncset.done $0x0  }
0x62: {  	s0 =	sadd.s32 s31, s21;
	[sflag:s24] =	ssyncadd.s32 $0xFFFFFF80  }
0x63: {  	[tilespmem:s25], [sflag:$0x2] =	stream.linear.gather [hbm4b:s0+s3], $0x80, $0x38;
	[tilespmem:$0x18980] =	vst v63  }
0x64: {  	_ =	swait.ge [sflag:s24], $0x80  }
0x65: {  	[sflag:s24] =	ssyncset.done $0x0  }
0x66: {  	[sflag:s24] =	ssyncadd.s32 $0xFFFFFF80  }
0x67: {  	v2 =	vld [tilespmem:$0x50]  }
0x68: {  	v3 =	vld [tilespmem:$0x30]  }
0x69: {  	v4 =	vld [tilespmem:$0x20]  }
0x6a: {  	v5 =	vld [tilespmem:$0x10]  }
0x6b: {  	v6 =	vld [tilespmem:$0x40]  }
0x6c: {  	v7 =	vld [tilespmem:$0x0];
	v2 =	vshll.u32 v2, $0x1  }
0x6d: {  	v3 =	vshll.u32 v3, $0x1;
	v2 =	vor.u32 v0, v2;
	v8 =	vld [tilespmem:$0x60]  }
0x6e: {  	v4 =	vshll.u32 v4, $0x1;
	v3 =	vor.u32 v0, v3;
	[tilespmem:$0xD0] =	vst v2;
	v9 =	vld [tilespmem:$0x70]  }
.Ltmp2:
0x6f: {  	v2 =	vshll.u32 v5, $0x1;
	v4 =	vor.u32 v0, v4;
	[tilespmem:$0xB0] =	vst v3;
	(pc) =	sbr.rel @p0 .LBB2_6-.Ltmp2, $4  }
0x70: {  	v2 =	vor.u32 v0, v2;
	[tilespmem:$0xA0] =	vst v4;
	v3 =	vshll.u32 v6, $0x1  }
0x71: {  	v4 =	vshll.u32 v7, $0x1;
	[tilespmem:$0x90] =	vst v2;
	v2 =	vor.u32 v0, v3  }
0x72: {  	v3 =	vor.u32 v0, v4;
	[tilespmem:$0xC0] =	vst v2;
	v2 =	vshll.u32 v8, $0x1  }
0x73: {  	[tilespmem:$0x80] =	vst v3;
	v2 =	vor.u32 v0, v2;
	v3 =	vshll.u32 v9, $0x1  }
0x74: {  	[tilespmem:$0xE0] =	vst v2;
	v2 =	vor.u32 v0, v3  }
0x75: {  	[tilespmem:$0xF0] =	vst v2  }
0x76: {  	[tilespmem:s23], [sflag:$0x1] =	stream.indirect.gather [hbm4b:s4+s26], $0x80, s26, s26, $0xb8;
	[tilespmem:$0x18980] =	vst v63  }
0x77: {  	_ =	swait.ge [sflag:s28], $0x4000  }
0x78: {  	[sflag:s28] =	ssyncset.done $0x0  }
0x79: {  	[sflag:s28] =	ssyncadd.s32 $0xFFFFC000  }
0x7a: {  	[spmem:s2] =	stream.indirect.scatter.add.f32 [tilespmem:s23], [sflag:$0x2], $0x80, s25, s26, $0xb8;
	[tilespmem:$0x18980] =	vst v63  }
0x7b: {  	_ =	swait.ge [sflag:s24], $0x4000  }
0x7c: {  	[sflag:s24] =	ssyncset.done $0x0  }
0x7d: {  	[sflag:s24] =	ssyncadd.s32 $0xFFFFC000  }
0x7e: {  	[bflag:$0x0] =	sbarrier.arrive $0xFFFF  }
0x7f: {  	[tilespmem:s23], [sflag:$0x2] =	stream.linear.gather [spmem:s6], $0x4000, $0x38;
	[tilespmem:$0x18980] =	vst v63  }
0x80: {  	_ =	swait.ge [sflag:s24], $0x4000  }
0x81: {  	[sflag:s24] =	ssyncset.done $0x0  }
0x82: {  	[sflag:s24] =	ssyncadd.s32 $0xFFFFC000  }
0x83: {  	[hbm4b:s12+s3] =	stream.linear.scatter [tilespmem:s23], [sflag:$0x2], $0x4000, $0x38;
	[tilespmem:$0x18980] =	vst v63  }
0x84: {  	_ =	swait.ge [sflag:s24], $0x4000  }
0x85: {  	[sflag:s24] =	ssyncset.done $0x0  }
0x86: {  	[sflag:s24] =	ssyncadd.s32 $0xFFFFC000  }
0x87: {  	[tilespmem:s23], [sflag:$0x2] =	stream.linear.gather [spmem:s13], $0x4000, $0x38;
	[tilespmem:$0x18980] =	vst v63  }
0x88: {  	_ =	swait.ge [sflag:s24], $0x4000  }
0x89: {  	[sflag:s24] =	ssyncset.done $0x0  }
0x8a: {  	[sflag:s24] =	ssyncadd.s32 $0xFFFFC000  }
0x8b: {  	[hbm4b:s14+s3] =	stream.linear.scatter [tilespmem:s23], [sflag:$0x2], $0x4000, $0x38;
	[tilespmem:$0x18980] =	vst v63  }
0x8c: {  	_ =	swait.ge [sflag:s24], $0x4000  }
0x8d: {  	[sflag:s24] =	ssyncset.done $0x0  }
0x8e: {  	[sflag:s24] =	ssyncadd.s32 $0xFFFFC000  }
0x8f: {  	[tilespmem:s23], [sflag:$0x2] =	stream.linear.gather [spmem:s15], $0x4000, $0x38;
	[tilespmem:$0x18980] =	vst v63  }
0x90: {  	_ =	swait.ge [sflag:s24], $0x4000  }
0x91: {  	[sflag:s24] =	ssyncset.done $0x0  }
0x92: {  	[sflag:s24] =	ssyncadd.s32 $0xFFFFC000  }
0x93: {  	[hbm4b:s16+s3] =	stream.linear.scatter [tilespmem:s23], [sflag:$0x2], $0x4000, $0x38;
	[tilespmem:$0x18980] =	vst v63  }
0x94: {  	_ =	swait.ge [sflag:s24], $0x4000  }
0x95: {  	[sflag:s24] =	ssyncset.done $0x0  }
0x96: {  	[sflag:s24] =	ssyncadd.s32 $0xFFFFC000  }
0x97: {  	[tilespmem:s23], [sflag:$0x2] =	stream.linear.gather [spmem:s17], $0x4000, $0x38;
	[tilespmem:$0x18980] =	vst v63  }
0x98: {  	_ =	swait.ge [sflag:s24], $0x4000  }
0x99: {  	[sflag:s24] =	ssyncset.done $0x0  }
0x9a: {  	[sflag:s24] =	ssyncadd.s32 $0xFFFFC000  }
0x9b: {  	[hbm4b:s18+s3] =	stream.linear.scatter [tilespmem:s23], [sflag:$0x2], $0x4000, $0x38;
	[tilespmem:$0x18980] =	vst v63  }
0x9c: {  	_ =	swait.ge [sflag:s24], $0x4000  }
0x9d: {  	[sflag:s24] =	ssyncset.done $0x0  }
0x9e: {  	[sflag:s24] =	ssyncadd.s32 $0xFFFFC000  }
0x9f: {  	[tilespmem:s23], [sflag:$0x2] =	stream.linear.gather [spmem:s19], $0x4000, $0x38;
	[tilespmem:$0x18980] =	vst v63  }
0xa0: {  	s29 =	sadd.s32 $0x1, s29;
	_ =	swait.ge [sflag:s24], $0x4000  }
0xa1: {  	p0 =	sne.s32 s29, s7;
	[sflag:s24] =	ssyncset.done $0x0  }
.Ltmp3:
0xa2: {  	[sflag:s24] =	ssyncadd.s32 $0xFFFFC000;
	(pc) =	sbr.rel @p0 .LBB2_1-.Ltmp3, $4  }
0xa3: {  	[hbm4b:s20+s3] =	stream.linear.scatter [tilespmem:s23], [sflag:$0x2], $0x4000, $0x38;
	[tilespmem:$0x18980] =	vst v63  }
0xa4: {  	_ =	swait.ge [sflag:s24], $0x4000  }
0xa5: {  	[sflag:s24] =	ssyncset.done $0x0  }
0xa6: {  	[sflag:s24] =	ssyncadd.s32 $0xFFFFC000  }
0xa7: {  	_ =	sfence.sel $0x180000  }
0xa8: {  	[bflag:$0x0] =	sbarrier.arrive $0xFFFF  }
0xa9: {  	_ =	strace $0x90000050  }
0xaa: {  	[bflag:$0x2] =	sbarrier.arrive $0xFFFF  }
0xab: {  	p0 =	sne.s32 s1, $0x0;
	s0 =	rddreg [dreg:$0x2]  }
0xac: {  	s0 =	sadd.s32 @!p0 $0x100000, s0  }
0xad: {  	[sflag:s0] =	ssyncadd.tile.s32 @!p0 $0x1;
	_ =	shalt  }
.Lfunc_end2:
_tile_overlayer_lowered:
.L_overlay_start_2:
0xae: {  	(tag) =	ssettag $0x2  }
0xaf: {  	s0 =	rddreg [dreg:$0x0];
	s2 =	stileid.u32  }
0xb0: {  	s1 =	rddreg [dreg:$0x1];
	p0 =	sne.s32 s2, $0x0  }
0xb1: {  	s3 =	rddreg [dreg:$0x2];
	[bflag:$0x3] =	sbarrier.arrive $0xFFFF;
	s2 =	simm.s32 @!p0 $0x1C02  }
0xb2: {  	[timem:s3], [sflag:s2] =	dma.local @!p0 [hbm:s0], s1  }
0xb3: {  	s0 =	simm.s32 @!p0 $0x2  }
0xb4: {  	_ =	swait.ge @!p0 [sflag:s0], s1  }
0xb5: {  	s1 =	ssub.s32 @!p0 $0x0, s1;
	[sflag:s0] =	ssyncset.done @!p0 $0x0  }
0xb6: {  	[sflag:s0] =	ssyncadd.s32 @!p0 s1  }
0xb7: {  	[bflag:$0x3] =	sbarrier.arrive $0xFFFF  }
0xb8: {  	_ =	shalt  }

// kernel: kernel.17.cloned.1.call-start
scs
__scs_entry_jumppad:
0x0: {  	(pc) =	sbr.rel $0x88, $3  }
0x1: {  	(tag) =	ssettag $0x0;
	lr =	simm.s32 $0x1  }
0x2: {  	[smem:$0x3F89] =	sst lr;
	_ =	strace $0xD0000000  }
0x3: {  	_ = 	snop  }
0x4: {  	_ = 	snop  }
0x5: {  	_ = 	snop  }
0x6: {  	_ = 	snop  }
0x7: {  	_ = 	snop  }
__scs_overlays_trampoline_lowered:
0x8: {  	[smem:$0x3F98] =	sst s0  }
0x9: {  	[smem:$0x3F99] =	sst s1  }
0xa: {  	[smem:$0x3F9A] =	sst s2  }
0xb: {  	[smem:$0x3F9B] =	sst s3  }
0xc: {  	[smem:$0x3F9C] =	sst s4  }
0xd: {  	[smem:$0x3F9D] =	sst s5  }
0xe: {  	[smem:$0x3F9E] =	sst s6  }
0xf: {  	[smem:$0x3F9F] =	sst s7  }
0x10: {  	[smem:$0x3FA0] =	sst s8  }
0x11: {  	[smem:$0x3FA1] =	sst s9;
	s0 =	simm.s32 @!p0 $0x0  }
0x12: {  	s1 =	sld [smem:$0x3F87];
	s0 =	simm.s32 @p0 $0x1  }
0x13: {  	[smem:$0x3FA2] =	sst s0;
	s0 =	simm.s32 @!p1 $0x0  }
0x14: {  	s2 =	sld [smem:$0x3F86];
	s0 =	simm.s32 @p1 $0x1  }
0x15: {  	[smem:$0x3FA3] =	sst s0;
	s0 =	simm.s32 @!p2 $0x0  }
0x16: {  	s3 =	sld [smem:$0x3FDB];
	s0 =	simm.s32 @p2 $0x1  }
0x17: {  	s4 =	simm.s32 $0x1BF5;
	[smem:$0x3FA5] =	sst s0  }
0x18: {  	s0 =	sld [smem:$0x3F88];
	_ =	swait.ge [sflag:s4], $0x0  }
0x19: {  	s7 =	sld [smem:$0x3F89]  }
0x1a: {  	s8 =	sadd.s32 $0xFFFFE003, lr  }
0x1b: {  	s9 =	sadd.s32 $0xFFFFFEF7, lr;
	s5 =	simm.s32 $0xFFFFFFFF;
	p2 =	slt.u32 s8, $0xFFFFF086  }
0x1c: {  	p1 =	slt.u32 s9, $0xF7A;
	s5 =	simm.s32 @!p2 $0x0  }
0x1d: {  	s5 =	simm.s32 @p1 $0x1;
	p0 =	seq.s32 s7, s2  }
0x1e: {  	s7 =	smul.u32 @!p0 $0xF7A, s2;
	p2 =	seq.s32 @!p0 s5, $0x0  }
0x1f: {  	s9 =	smul.u32 $0xF7A, s1;
	s8 =	simm.s32 @!p0 $0x1BF5;
	p2 =	por !p2, p0  }
0x20: {  	[sflag:s8] =	ssyncset.s32 @!p0 $0xFFFFF086;
	s6 =	sadd.s32 @!p0 s3, s7;
	s7 =	simm.s32 @!p0 $0x108  }
0x21: {  	s3 =	sadd.s32 s3, s9;
	s6 =	sadd.s32 @!p0 $0x88, s6;
	s7 =	simm.s32 @p2 $0x1082  }
0x22: {  	[simem:s7], [sflag:s8] =	dma.local @!p0 [hbm:s6], $0xF7A  }
0x23: {  	s9 =	sor.u32 $0xD0000000, s2;
	s6 =	simm.s32 $0x108;
	_ =	swait.ge @!p0 [sflag:s8], $0x0  }
0x24: {  	s3 =	sadd.s32 $0x88, s3;
	s6 =	simm.s32 @!p1 $0x1082;
	[sflag:s4] =	ssyncset.s32 $0xFFFFF086  }
0x25: {  	[simem:s6], [sflag:s4] =	dma.local [hbm:s3], $0xF7A  }
0x26: {  	[smem:$0x3F89] =	sst s1;
	(tag) =	ssettag s2;
	_ =	strace s9  }
0x27: {  	s1 =	sld [smem:$0x3F99]  }
0x28: {  	s2 =	sld [smem:$0x3F9A]  }
0x29: {  	s4 =	sld [smem:$0x3F9C]  }
0x2a: {  	p0 =	seq.s32 s5, $0x0;
	s5 =	sld [smem:$0x3F9D]  }
0x2b: {  	s6 =	sld [smem:$0x3F9E]  }
0x2c: {  	s7 =	sld [smem:$0x3F9F]  }
0x2d: {  	s3 =	simm.s32 $0x108;
	s8 =	sld [smem:$0x3FA0]  }
0x2e: {  	s3 =	simm.s32 @!p0 $0x1082;
	s9 =	sld [smem:$0x3FA1]  }
0x2f: {  	lr =	sadd.s32 s0, s3;
	s0 =	sld [smem:$0x3F98]  }
0x30: {  	s3 =	sld [smem:$0x3F9B]  }
0x31: {  	[smem:$0x3FA4] =	sst s10  }
0x32: {  	s10 =	sld [smem:$0x3FA2];
	_ =	sdelay $0x3  }
0x33: {  	p0 =	seq.s32 s10, $0x1;
	s10 =	sld [smem:$0x3FA4];
	_ =	sdelay $0x3  }
0x34: {  	[smem:$0x3FA4] =	sst s10  }
0x35: {  	s10 =	sld [smem:$0x3FA3];
	_ =	sdelay $0x3  }
0x36: {  	p1 =	seq.s32 s10, $0x1;
	s10 =	sld [smem:$0x3FA4];
	_ =	sdelay $0x3  }
0x37: {  	[smem:$0x3FA4] =	sst s10  }
0x38: {  	s10 =	sld [smem:$0x3FA5]  }
0x39: {  	_ = 	snop;
	(pc) =	sbr.ind lr, $3  }
0x3a: {  	_ = 	snop  }
0x3b: {  	_ = 	snop  }
0x3c: {  	p2 =	seq.s32 s10, $0x1;
	s10 =	sld [smem:$0x3FA4]  }
0x3d: {  	_ =	shalt  }
0x3e: {  	_ =	shalt  }
0x3f: {  	_ =	shalt  }
0x40: {  	_ =	shalt  }
0x41: {  	_ =	shalt  }
0x42: {  	_ =	shalt  }
0x43: {  	_ =	shalt  }
0x44: {  	_ =	shalt  }
0x45: {  	_ =	shalt  }
0x46: {  	_ =	shalt  }
0x47: {  	_ =	shalt  }
0x48: {  	_ =	shalt  }
0x49: {  	_ =	shalt  }
0x4a: {  	_ =	shalt  }
0x4b: {  	_ =	shalt  }
0x4c: {  	_ =	shalt  }
0x4d: {  	_ =	shalt  }
0x4e: {  	_ =	shalt  }
0x4f: {  	_ =	shalt  }
0x50: {  	_ =	shalt  }
0x51: {  	_ =	shalt  }
0x52: {  	_ =	shalt  }
0x53: {  	_ =	shalt  }
0x54: {  	_ =	shalt  }
0x55: {  	_ =	shalt  }
0x56: {  	_ =	shalt  }
0x57: {  	_ =	shalt  }
0x58: {  	_ =	shalt  }
0x59: {  	_ =	shalt  }
0x5a: {  	_ =	shalt  }
0x5b: {  	_ =	shalt  }
0x5c: {  	_ =	shalt  }
0x5d: {  	_ =	shalt  }
0x5e: {  	_ =	shalt  }
0x5f: {  	_ =	shalt  }
0x60: {  	_ =	shalt  }
0x61: {  	_ =	shalt  }
0x62: {  	_ =	shalt  }
0x63: {  	_ =	shalt  }
0x64: {  	_ =	shalt  }
0x65: {  	_ =	shalt  }
0x66: {  	_ =	shalt  }
0x67: {  	_ =	shalt  }
0x68: {  	_ =	shalt  }
0x69: {  	_ =	shalt  }
0x6a: {  	_ =	shalt  }
0x6b: {  	_ =	shalt  }
0x6c: {  	_ =	shalt  }
0x6d: {  	_ =	shalt  }
0x6e: {  	_ =	shalt  }
0x6f: {  	_ =	shalt  }
0x70: {  	_ =	shalt  }
0x71: {  	_ =	shalt  }
0x72: {  	_ =	shalt  }
0x73: {  	_ =	shalt  }
0x74: {  	_ =	shalt  }
0x75: {  	_ =	shalt  }
0x76: {  	_ =	shalt  }
0x77: {  	_ =	shalt  }
0x78: {  	_ =	shalt  }
0x79: {  	_ =	shalt  }
0x7a: {  	_ =	shalt  }
0x7b: {  	_ =	shalt  }
0x7c: {  	_ =	shalt  }
0x7d: {  	_ =	shalt  }
0x7e: {  	_ =	shalt  }
0x7f: {  	_ =	shalt  }
0x80: {  	_ =	shalt  }
0x81: {  	_ =	shalt  }
0x82: {  	_ =	shalt  }
0x83: {  	_ =	shalt  }
0x84: {  	_ =	shalt  }
0x85: {  	_ =	shalt  }
0x86: {  	_ =	shalt  }
0x87: {  	_ =	shalt  }
.Lfunc_end0:
.L_simem_size_0:
called_computation.2_lowered:
.L_overlay_start_0:
0x88: {  	s2 =	sld [smem:$0x3FD9]  }
0x89: {  	s3 =	sld [smem:$0x3FFE];
	_ =	sdelay $0x1  }
0x8a: {  	s1 =	srdreg.scid  }
0x8b: {  	s0 =	sand.u32 $0x1, s1  }
0x8c: {  	s17 =	sshll.u32 s0, $0xA;
	s2 =	sadd.s32 s3, s2  }
0x8d: {  	s2 =	sadd.s32 s2, s17  }
0x8e: {  	[smem:$0x3FB0] =	sst s2  }
0x8f: {  	_ = 	snop  }
0x90: {  	s2 =	sld [smem:$0x3FC5];
	(tm) =	ssettm $0x1  }
0x91: {  	s18 =	sld [smem:$0x3FFB];
	_ =	sdelay $0x3  }
0x92: {  	_ =	strace s18  }
0x93: {  	s3 =	sld [smem:$0x3FFC];
	_ =	sdelay $0x3  }
0x94: {  	_ =	strace s3  }
0x95: {  	s3 =	sld [smem:$0x3FFD];
	_ =	sdelay $0x3  }
0x96: {  	_ =	strace s3  }
0x97: {  	_ =	strace $0x8FFFFFFF  }
0x98: {  	s19 =	sld [smem:$0x3FDB];
	_ =	sdelay $0x1  }
0x99: {  	s4 =	simm.s32 $_scs_section_size  }
0x9a: {  	s5 =	simm.s32 $_size__tile_overlayer_lowered;
	s6 =	simm.s32 $_tile_overlayer_lowered  }
0x9b: {  	s22 =	simm.s32 $0x1BFF;
	s21 =	sshll.u32 s6, $0x1;
	s3 =	sadd.s32 s4, s19  }
0x9c: {  	s7 =	simm.s32 $0x0;
	s20 =	sshll.u32 s5, $0x1;
	s5 =	sadd.s32 s21, s3  }
0x9d: {  	[timem:s7], [sflag:s22] =	dma.local [hbm:s5], s20  }
0x9e: {  	_ =	swait.ge [sflag:s22], s20  }
0x9f: {  	s4 =	ssub.s32 $0x0, s20;
	[sflag:s22] =	ssyncset.done $0x0  }
0xa0: {  	[sflag:s22] =	ssyncadd.s32 s4;
	_ =	sdelay $0x1  }
0xa1: {  	s23 =	simm.s32 $0x1B8B  }
0xa2: {  	_ =	swait.ge [sflag:s23], $0x1  }
0xa3: {  	[sflag:s23] =	ssyncset.done $0x0  }
0xa4: {  	s25 =	simm.s32 $0x1B8E;
	s24 =	sld [smem:$0x3FFE];
	[sflag:s23] =	ssyncadd.s32 $0xFFFFFFFF  }
0xa5: {  	s26 =	simm.s32 $execute0_lowered;
	[smem:$0x3FD2] =	sst s25  }
0xa6: {  	s5 =	sshll.u32 s26, $0x1;
	_ =	strace $0x80000046;
	[dreg:$0x1] =	wrdreg $0xFFFFFFFF  }
0xa7: {  	s28 =	simm.s32 $_size_execute0_lowered;
	s3 =	sadd.s32 s3, s5;
	[dreg:$0x0] =	wrdreg $0x0  }
0xa8: {  	s5 =	sshll.u32 s28, $0x1;
	[dreg:$0x2] =	wrdreg s3  }
0xa9: {  	[dreg:$0x3] =	wrdreg s5  }
0xaa: {  	[dreg:$0x4] =	wrdreg $0xC0  }
0xab: {  	_ =	task [dreg:s7], $0x5FFFF  }
0xac: {  	[dreg:$0x1] =	wrdreg $0xFFFFFFFF  }
0xad: {  	[dreg:$0x0] =	wrdreg $0x60  }
0xae: {  	[dreg:$0x2] =	wrdreg s2  }
0xaf: {  	[dreg:$0x3] =	wrdreg s24  }
0xb0: {  	[dreg:$0x4] =	wrdreg $0x49000  }
0xb1: {  	[dreg:$0x5] =	wrdreg $0x189000  }
0xb2: {  	[dreg:$0x6] =	wrdreg $0xA  }
0xb3: {  	_ =	task.clear_ibuf [dreg:s7], $0x7FFFF;
	_ =	strace $0x90000046  }
0xb4: {  	s29 =	simm.s32 $0xA;
	_ =	strace $0x80000048  }
0xb5: {  	_ =	swait.ge [sflag:s29], $0x1  }
0xb6: {  	[sflag:s29] =	ssyncadd.s32 $0xFFFFFFFF  }
0xb7: {  	_ =	strace $0x90000048  }
0xb8: {  	_ =	sfence  }
0xb9: {  	s30 =	sld [smem:$0x0];
	_ =	sdelay $0x2  }
0xba: {  	s31 =	sshll.u32 s1, $0xD;
	s1 =	sshrl.u32 s1, $0x2  }
0xbb: {  	s3 =	sand.u32 $0x4000, s31;
	s1 =	sadd.s32 s1, s30  }
0xbc: {  	s0 =	sor.u32 s3, s0;
	s1 =	sshll.u32 s1, $0x11  }
0xbd: {  	s0 =	sor.u32 s1, s0  }
0xbe: {  	s0 =	sadd.s32 $0x8F2B, s0  }
0xbf: {  	[sflag:s0] =	ssyncadd.remote.s32 $0x1  }
0xc0: {  	_ =	sfence.sel $0xFFFF  }
0xc1: {  	[dreg:$0x0] =	wrdreg $0xFFFFFFFF;
	(pc) =	sbr.abs _section_cstart, $3  }
0xc2: {  	[dreg:$0x1] =	wrdreg $0xFFFFFFFF  }
0xc3: {  	_ =	task.clear_ibuf [dreg:s7], $0x2FFFF;
	_ =	strace $0x9FFFFFFF  }
0xc4: {  	(tm) =	ssettm $0x7FFFFFFF  }
0xc5: {  	_ =	shalt  }
tec
execute0_lowered:
.L_overlay_start_1:
0x0: {  	(tag) =	ssettag $0x1  }
0x1: {  	s16 =	stileid.u32  }
0x2: {  	s2 =	smul.u32 $0x2780, s16  }
0x3: {  	s7 =	smul.u32 $0x280, s16  }
0x4: {  	s0 =	srdreg.scid;
	s12 =	smul.u32 $0x14000, s16  }
0x5: {  	s3 =	sand.u32 $0x1, s0;
	s29 =	smul.u32 $0x2800, s16  }
0x6: {  	s1 =	rddreg [dreg:$0x0];
	s0 =	smul.u32 $0x27800, s3  }
0x7: {  	s4 =	rddreg [dreg:$0x1];
	s9 =	smul.u32 $0x140000, s3  }
0x8: {  	s5 =	sadd.s32 $0x22200, s4;
	s6 =	ssub.s32 $0x2, s3;
	s3 =	smul.u32 $0x28000, s3  }
0x9: {  	s8 =	sshrl.u32 s6, $0x1;
	s26 =	sadd.s32 $0x80, s7;
	s10 =	sadd.s32 $0x100, s7  }
0xa: {  	s11 =	sadd.s32 $0x180, s7;
	s7 =	sadd.s32 $0x200, s7;
	s0 =	sadd.s32 s2, s0  }
0xb: {  	s2 =	simm.s32 $0x0;
	s6 =	ssub.s32 s6, s8;
	s20 =	sshll.u32 s26, $0x7  }
0xc: {  	s8 =	sshll.u32 s26, $0x4;
	s22 =	sshll.u32 s10, $0x7;
	s23 =	sshll.u32 s10, $0x4  }
0xd: {  	s24 =	sshll.u32 s11, $0x7;
	s25 =	sshll.u32 s11, $0x4;
	s11 =	sadd.s32 s9, s12  }
0xe: {  	s26 =	sshll.u32 s7, $0x7;
	s13 =	sadd.s32 s3, s29;
	s7 =	sshll.u32 s7, $0x4  }
0xf: {  	s0 =	sshrl.u32 s0, $0x3;
	[smem:$0x7FF] =	sst s2;
	s10 =	sshrl.u32 s11, $0x3  }
0x10: {  	s14 =	sshrl.u32 s13, $0x3;
	s15 =	sadd.s32 s9, s20;
	s17 =	sadd.s32 s9, s22  }
0x11: {  	s13 =	sadd.s32 s3, s8;
	s19 =	sadd.s32 s3, s23;
	s21 =	sadd.s32 s9, s24  }
0x12: {  	s9 =	sadd.s32 s9, s26;
	s0 =	sadd.s32 s0, s4;
	s4 =	sadd.s32 $0x18200, s4  }
0x13: {  	s10 =	sadd.s32 s5, s10;
	s11 =	sshrl.u32 s17, $0x3;
	s18 =	sshrl.u32 s13, $0x3  }
0x14: {  	s13 =	sshrl.u32 s21, $0x3;
	s9 =	sshrl.u32 s9, $0x3;
	[dreg:$0x5] =	wrdreg s10  }
0x15: {  	s10 =	sadd.s32 s4, s14;
	s11 =	sadd.s32 s5, s11;
	s13 =	sadd.s32 s5, s13  }
0x16: {  	s14 =	sadd.s32 s3, s25;
	s3 =	sadd.s32 s3, s7;
	s30 =	sadd.s32 $0x4600, s0  }
0x17: {  	s31 =	sadd.s32 $0xE400, s0;
	s0 =	simm.s32 $0x2;
	[dreg:$0x6] =	wrdreg s10  }
0x18: {  	s10 =	sshrl.u32 s15, $0x3;
	[dreg:$0x8] =	wrdreg s11;
	s11 =	sshrl.u32 s19, $0x3  }
0x19: {  	[dreg:$0x9] =	wrdreg s13;
	s15 =	sadd.s32 s4, s18;
	s18 =	smul.u32 $0x50000, s16  }
0x1a: {  	s13 =	rddreg [dreg:$0x2];
	s3 =	sshrl.u32 s3, $0x3;
	s19 =	smul.u32 $0xA000, s16  }
0x1b: {  	s10 =	sadd.s32 s5, s10;
	s5 =	sadd.s32 s5, s9;
	[dreg:$0xb] =	wrdreg s15  }
0x1c: {  	s17 =	sadd.s32 s4, s11;
	s15 =	sadd.s32 s4, s3;
	s16 =	sadd.s32 s12, s13  }
0x1d: {  	s20 =	sadd.s32 s20, s13;
	s22 =	sadd.s32 s22, s13;
	[dreg:$0x7] =	wrdreg s10  }
0x1e: {  	s24 =	sadd.s32 s24, s13;
	s26 =	sadd.s32 s26, s13;
	[dreg:$0xa] =	wrdreg s5  }
0x1f: {  	s12 =	simm.s32 $0x100;
	[dreg:$0xc] =	wrdreg s17;
	s5 =	sshrl.u32 s14, $0x3  }
0x20: {  	s14 =	rddreg [dreg:$0x3];
	s21 =	sshrl.u32 s18, $0x2;
	s17 =	smax.u32 s6, $0x1  }
0x21: {  	s3 =	sshrl.u32 s19, $0x2;
	s6 =	simm.s32 $0x0;
	s5 =	sadd.s32 s4, s5  }
0x22: {  	s18 =	sadd.s32 s21, s13;
	s19 =	sadd.s32 s3, s14;
	s21 =	sadd.s32 s8, s14  }
0x23: {  	s23 =	sadd.s32 s23, s14;
	s25 =	sadd.s32 s25, s14;
	s28 =	sadd.s32 s7, s14  }
0x24: {  	s29 =	sadd.s32 s29, s14;
	s3 =	simm.s32 $0x4100;
	[dreg:$0xd] =	wrdreg s5  }
0x25: {  	v0 =	vimm.f32 $0.0e+00;
	v1 =	vimm.f32 $1.000000000e+00;
	s4 =	simm.s32 $0x80;
	s5 =	simm.s32 $0x1;
	_ =	strace $0x80000047  }
.LBB2_1:
0x26: {  	s7 =	simm.s32 $0x0;
	s8 =	simm.s32 $0x200  }
.LBB2_2:
0x27: {  	p0 =	sne.s32 s8, $0xFE00;
	[tilespmem:s7+$0x170] =	vst v0  }
0x28: {  	[tilespmem:s7+$0x100] =	vst v0  }
0x29: {  	[tilespmem:s7+$0x110] =	vst v0  }
.Ltmp0:
0x2a: {  	[tilespmem:s7+$0x120] =	vst v0;
	(pc) =	sbr.rel @p0 .LBB2_2-.Ltmp0, $4  }
0x2b: {  	[tilespmem:s7+$0x130] =	vst v0  }
0x2c: {  	[tilespmem:s7+$0x140] =	vst v0  }
0x2d: {  	[tilespmem:s7+$0x150] =	vst v0  }
0x2e: {  	[tilespmem:s7+$0x160] =	vst v0;
	s7 =	sshra.s32 s8, $0x2;
	s8 =	sadd.s32 $0x200, s8  }
0x2f: {  	[tilespmem:s7+$0x170] =	vst v0  }
0x30: {  	[tilespmem:s7+$0x100] =	vst v0  }
0x31: {  	[tilespmem:s7+$0x110] =	vst v0  }
0x32: {  	[tilespmem:s7+$0x120] =	vst v0  }
0x33: {  	[tilespmem:s7+$0x130] =	vst v0  }
0x34: {  	[tilespmem:s7+$0x140] =	vst v0  }
0x35: {  	[tilespmem:s7+$0x150] =	vst v0  }
0x36: {  	[tilespmem:s7+$0x160] =	vst v0;
	s7 =	simm.s32 $0x40;
	s8 =	simm.s32 $0x0  }
.LBB2_4:
0x37: {  	p0 =	sne.s32 s7, $0x1FC0;
	[tilespmem:s8+$0x4100] =	vst v0;
	s8 =	smov.u32 s7;
	s7 =	sadd.s32 $0x40, s7  }
.Ltmp1:
0x38: {  	(pc) =	sbr.rel @p0 .LBB2_4-.Ltmp1, $2  }
0x39: {  	_ =	sdelay $0x2  }
0x3a: {  	s8 =	sshra.s32 s8, $0x2  }
0x3b: {  	[tilespmem:s8+$0x4100] =	vst v0  }
0x3c: {  	[spmem:s18] =	stream.linear.scatter [tilespmem:s12], [sflag:$0x2], $0x4000, $0x38;
	[tilespmem:$0x1B100] =	vst v63  }
0x3d: {  	_ =	swait.ge [sflag:s0], $0x4000  }
0x3e: {  	[sflag:s0] =	ssyncset.done $0x0  }
0x3f: {  	[sflag:s0] =	ssyncadd.s32 $0xFFFFC000  }
0x40: {  	[spmem:s19] =	stream.linear.scatter [tilespmem:s3], [sflag:$0x2], $0x800, $0x38;
	[tilespmem:$0x1B100] =	vst v63  }
0x41: {  	_ =	swait.ge [sflag:s0], $0x800  }
0x42: {  	[sflag:s0] =	ssyncset.done $0x0  }
0x43: {  	[sflag:s0] =	ssyncadd.s32 $0xFFFFF800  }
0x44: {  	[spmem:s20] =	stream.linear.scatter [tilespmem:s12], [sflag:$0x2], $0x4000, $0x38;
	[tilespmem:$0x1B100] =	vst v63  }
0x45: {  	_ =	swait.ge [sflag:s0], $0x4000  }
0x46: {  	[sflag:s0] =	ssyncset.done $0x0  }
0x47: {  	[sflag:s0] =	ssyncadd.s32 $0xFFFFC000  }
0x48: {  	[spmem:s21] =	stream.linear.scatter [tilespmem:s3], [sflag:$0x2], $0x800, $0x38;
	[tilespmem:$0x1B100] =	vst v63  }
0x49: {  	_ =	swait.ge [sflag:s0], $0x800  }
0x4a: {  	[sflag:s0] =	ssyncset.done $0x0  }
0x4b: {  	[sflag:s0] =	ssyncadd.s32 $0xFFFFF800  }
0x4c: {  	[spmem:s22] =	stream.linear.scatter [tilespmem:s12], [sflag:$0x2], $0x4000, $0x38;
	[tilespmem:$0x1B100] =	vst v63  }
0x4d: {  	_ =	swait.ge [sflag:s0], $0x4000  }
0x4e: {  	[sflag:s0] =	ssyncset.done $0x0  }
0x4f: {  	[sflag:s0] =	ssyncadd.s32 $0xFFFFC000  }
0x50: {  	[spmem:s23] =	stream.linear.scatter [tilespmem:s3], [sflag:$0x2], $0x800, $0x38;
	[tilespmem:$0x1B100] =	vst v63  }
0x51: {  	_ =	swait.ge [sflag:s0], $0x800  }
0x52: {  	[sflag:s0] =	ssyncset.done $0x0  }
0x53: {  	[sflag:s0] =	ssyncadd.s32 $0xFFFFF800  }
0x54: {  	[spmem:s24] =	stream.linear.scatter [tilespmem:s12], [sflag:$0x2], $0x4000, $0x38;
	[tilespmem:$0x1B100] =	vst v63  }
0x55: {  	_ =	swait.ge [sflag:s0], $0x4000  }
0x56: {  	[sflag:s0] =	ssyncset.done $0x0  }
0x57: {  	[sflag:s0] =	ssyncadd.s32 $0xFFFFC000  }
0x58: {  	[spmem:s25] =	stream.linear.scatter [tilespmem:s3], [sflag:$0x2], $0x800, $0x38;
	[tilespmem:$0x1B100] =	vst v63  }
0x59: {  	_ =	swait.ge [sflag:s0], $0x800  }
0x5a: {  	[sflag:s0] =	ssyncset.done $0x0  }
0x5b: {  	[sflag:s0] =	ssyncadd.s32 $0xFFFFF800  }
0x5c: {  	[spmem:s26] =	stream.linear.scatter [tilespmem:s12], [sflag:$0x2], $0x4000, $0x38;
	[tilespmem:$0x1B100] =	vst v63  }
0x5d: {  	_ =	swait.ge [sflag:s0], $0x4000  }
0x5e: {  	[sflag:s0] =	ssyncset.done $0x0  }
0x5f: {  	[sflag:s0] =	ssyncadd.s32 $0xFFFFC000  }
0x60: {  	[spmem:s28] =	stream.linear.scatter [tilespmem:s3], [sflag:$0x2], $0x800, $0x38;
	[tilespmem:$0x1B100] =	vst v63  }
0x61: {  	_ =	swait.ge [sflag:s0], $0x800  }
0x62: {  	[sflag:s0] =	ssyncset.done $0x0  }
0x63: {  	s7 =	simm.s32 $0x40;
	s8 =	simm.s32 $0x0;
	[sflag:s0] =	ssyncadd.s32 $0xFFFFF800  }
.LBB2_6:
0x64: {  	p0 =	sne.s32 s7, $0x1FC0;
	[tilespmem:s8+$0x4100] =	vst v1;
	s8 =	smov.u32 s7;
	s7 =	sadd.s32 $0x40, s7  }
.Ltmp2:
0x65: {  	(pc) =	sbr.rel @p0 .LBB2_6-.Ltmp2, $2  }
0x66: {  	_ =	sdelay $0x2  }
0x67: {  	s8 =	sshra.s32 s8, $0x2  }
0x68: {  	[tilespmem:s8+$0x4100] =	vst v1  }
0x69: {  	s7 =	sadd.s32 $0x0, s31;
	[bflag:$0x0] =	sbarrier.arrive $0xFFFF  }
0x6a: {  	[tilespmem:s2], [sflag:$0x2] =	stream.linear.gather [hbm4b:s7+s2], $0x80, $0x38;
	[tilespmem:$0x1B100] =	vst v63  }
0x6b: {  	_ =	swait.ge [sflag:s0], $0x80  }
0x6c: {  	[sflag:s0] =	ssyncset.done $0x0  }
0x6d: {  	s11 =	sadd.s32 $0x0, s30;
	[sflag:s0] =	ssyncadd.s32 $0xFFFFFF80  }
0x6e: {  	[tilespmem:s4], [sflag:$0x2] =	stream.linear.gather [hbm4b:s11+s2], $0x80, $0x38;
	[tilespmem:$0x1B100] =	vst v63  }
0x6f: {  	_ =	swait.ge [sflag:s0], $0x80  }
0x70: {  	[sflag:s0] =	ssyncset.done $0x0  }
0x71: {  	[sflag:s0] =	ssyncadd.s32 $0xFFFFFF80  }
0x72: {  	[tilespmem:s12], [sflag:$0x1] =	stream.indirect.gather [hbm4b:s1+s4], $0x80, s2, s4, $0xb8;
	[tilespmem:$0x1B100] =	vst v63  }
0x73: {  	_ =	swait.ge [sflag:s5], $0x4000  }
0x74: {  	[sflag:s5] =	ssyncset.done $0x0  }
0x75: {  	[sflag:s5] =	ssyncadd.s32 $0xFFFFC000  }
0x76: {  	[spmem:s13] =	stream.indirect.scatter.add.f32 [tilespmem:s12], [sflag:$0x2], $0x80, s4, s4, $0xb8;
	[tilespmem:$0x1B100] =	vst v63  }
0x77: {  	_ =	swait.ge [sflag:s0], $0x4000  }
0x78: {  	[sflag:s0] =	ssyncset.done $0x0  }
0x79: {  	[sflag:s0] =	ssyncadd.s32 $0xFFFFC000  }
0x7a: {  	[spmem:s14] =	stream.indirect.scatter.add.f32 [tilespmem:s3], [sflag:$0x2], $0x10, s4, s4, $0xb8;
	[tilespmem:$0x1B100] =	vst v63  }
0x7b: {  	_ =	swait.ge [sflag:s0], $0x800  }
0x7c: {  	s8 =	simm.s32 $0x20;
	s7 =	simm.s32 $0x10;
	[sflag:s0] =	ssyncset.done $0x0  }
.LBB2_8:
0x7d: {  	s9 =	sadd.s32 s7, s31  }
0x7e: {  	[sflag:s0] =	ssyncadd.s32 $0xFFFFF800;
	s10 =	smov.u32 s8;
	s11 =	sadd.s32 $0x10, s8  }
0x7f: {  	[tilespmem:s2], [sflag:$0x2] =	stream.linear.gather [hbm4b:s9+s2], $0x80, $0x38;
	[tilespmem:$0x1B100] =	vst v63  }
0x80: {  	p0 =	sne.s32 s8, $0x4E0;
	_ =	swait.ge [sflag:s0], $0x80  }
0x81: {  	[sflag:s0] =	ssyncset.done $0x0  }
0x82: {  	s8 =	sadd.s32 s7, s30;
	s7 =	smov.u32 s10;
	[sflag:s0] =	ssyncadd.s32 $0xFFFFFF80  }
0x83: {  	[tilespmem:s4], [sflag:$0x2] =	stream.linear.gather [hbm4b:s8+s2], $0x80, $0x38;
	[tilespmem:$0x1B100] =	vst v63  }
0x84: {  	_ =	swait.ge [sflag:s0], $0x80  }
0x85: {  	[sflag:s0] =	ssyncset.done $0x0  }
0x86: {  	[sflag:s0] =	ssyncadd.s32 $0xFFFFFF80  }
0x87: {  	[tilespmem:s12], [sflag:$0x1] =	stream.indirect.gather [hbm4b:s1+s4], $0x80, s2, s4, $0xb8;
	[tilespmem:$0x1B100] =	vst v63  }
0x88: {  	_ =	swait.ge [sflag:s5], $0x4000  }
0x89: {  	[sflag:s5] =	ssyncset.done $0x0  }
0x8a: {  	[sflag:s5] =	ssyncadd.s32 $0xFFFFC000  }
0x8b: {  	[spmem:s13] =	stream.indirect.scatter.add.f32 [tilespmem:s12], [sflag:$0x2], $0x80, s4, s4, $0xb8;
	[tilespmem:$0x1B100] =	vst v63  }
0x8c: {  	_ =	swait.ge [sflag:s0], $0x4000  }
.Ltmp3:
0x8d: {  	[sflag:s0] =	ssyncset.done $0x0;
	(pc) =	sbr.rel @p0 .LBB2_8-.Ltmp3, $4  }
0x8e: {  	[sflag:s0] =	ssyncadd.s32 $0xFFFFC000  }
0x8f: {  	[spmem:s14] =	stream.indirect.scatter.add.f32 [tilespmem:s3], [sflag:$0x2], $0x10, s4, s4, $0xb8;
	[tilespmem:$0x1B100] =	vst v63  }
0x90: {  	_ =	swait.ge [sflag:s0], $0x800  }
0x91: {  	s8 =	smov.u32 s11;
	[sflag:s0] =	ssyncset.done $0x0  }
0x92: {  	s8 =	sadd.s32 s7, s31;
	[sflag:s0] =	ssyncadd.s32 $0xFFFFF800  }
0x93: {  	[tilespmem:s2], [sflag:$0x2] =	stream.linear.gather [hbm4b:s8+s2], $0x80, $0x38;
	[tilespmem:$0x1B100] =	vst v63  }
0x94: {  	_ =	swait.ge [sflag:s0], $0x80  }
0x95: {  	[sflag:s0] =	ssyncset.done $0x0  }
0x96: {  	s10 =	sadd.s32 s7, s30;
	[sflag:s0] =	ssyncadd.s32 $0xFFFFFF80  }
0x97: {  	[tilespmem:s4], [sflag:$0x2] =	stream.linear.gather [hbm4b:s10+s2], $0x80, $0x38;
	[tilespmem:$0x1B100] =	vst v63  }
0x98: {  	_ =	swait.ge [sflag:s0], $0x80  }
0x99: {  	[sflag:s0] =	ssyncset.done $0x0  }
0x9a: {  	[sflag:s0] =	ssyncadd.s32 $0xFFFFFF80  }
0x9b: {  	[tilespmem:s12], [sflag:$0x1] =	stream.indirect.gather [hbm4b:s1+s4], $0x80, s2, s4, $0xb8;
	[tilespmem:$0x1B100] =	vst v63  }
0x9c: {  	_ =	swait.ge [sflag:s5], $0x4000  }
0x9d: {  	[sflag:s5] =	ssyncset.done $0x0  }
0x9e: {  	[sflag:s5] =	ssyncadd.s32 $0xFFFFC000  }
0x9f: {  	[spmem:s13] =	stream.indirect.scatter.add.f32 [tilespmem:s12], [sflag:$0x2], $0x80, s4, s4, $0xb8;
	[tilespmem:$0x1B100] =	vst v63  }
0xa0: {  	_ =	swait.ge [sflag:s0], $0x4000  }
0xa1: {  	[sflag:s0] =	ssyncset.done $0x0  }
0xa2: {  	[sflag:s0] =	ssyncadd.s32 $0xFFFFC000  }
0xa3: {  	[spmem:s14] =	stream.indirect.scatter.add.f32 [tilespmem:s3], [sflag:$0x2], $0x10, s4, s4, $0xb8;
	[tilespmem:$0x1B100] =	vst v63  }
0xa4: {  	_ =	swait.ge [sflag:s0], $0x800  }
0xa5: {  	[sflag:s0] =	ssyncset.done $0x0  }
0xa6: {  	[sflag:s0] =	ssyncadd.s32 $0xFFFFF800  }
0xa7: {  	[bflag:$0x0] =	sbarrier.arrive $0xFFFF  }
0xa8: {  	[tilespmem:s12], [sflag:$0x2] =	stream.linear.gather [spmem:s16], $0x4000, $0x38;
	[tilespmem:$0x1B100] =	vst v63  }
0xa9: {  	_ =	swait.ge [sflag:s0], $0x4000  }
0xaa: {  	[sflag:s0] =	ssyncset.done $0x0  }
0xab: {  	s11 =	rddreg [dreg:$0x5];
	[sflag:s0] =	ssyncadd.s32 $0xFFFFC000  }
0xac: {  	[hbm4b:s11+s2] =	stream.linear.scatter [tilespmem:s12], [sflag:$0x2], $0x4000, $0x38;
	[tilespmem:$0x1B100] =	vst v63  }
0xad: {  	_ =	swait.ge [sflag:s0], $0x4000  }
0xae: {  	[sflag:s0] =	ssyncset.done $0x0  }
0xaf: {  	[sflag:s0] =	ssyncadd.s32 $0xFFFFC000  }
0xb0: {  	[tilespmem:s3], [sflag:$0x2] =	stream.linear.gather [spmem:s29], $0x800, $0x38;
	[tilespmem:$0x1B100] =	vst v63  }
0xb1: {  	_ =	swait.ge [sflag:s0], $0x800  }
0xb2: {  	[sflag:s0] =	ssyncset.done $0x0  }
0xb3: {  	s8 =	rddreg [dreg:$0x6];
	[sflag:s0] =	ssyncadd.s32 $0xFFFFF800  }
0xb4: {  	[hbm4b:s8+s2] =	stream.linear.scatter [tilespmem:s3], [sflag:$0x2], $0x800, $0x38;
	[tilespmem:$0x1B100] =	vst v63  }
0xb5: {  	_ =	swait.ge [sflag:s0], $0x800  }
0xb6: {  	[sflag:s0] =	ssyncset.done $0x0  }
0xb7: {  	[sflag:s0] =	ssyncadd.s32 $0xFFFFF800  }
0xb8: {  	[tilespmem:s12], [sflag:$0x2] =	stream.linear.gather [spmem:s20], $0x4000, $0x38;
	[tilespmem:$0x1B100] =	vst v63  }
0xb9: {  	_ =	swait.ge [sflag:s0], $0x4000  }
0xba: {  	[sflag:s0] =	ssyncset.done $0x0  }
0xbb: {  	s9 =	rddreg [dreg:$0x7];
	[sflag:s0] =	ssyncadd.s32 $0xFFFFC000  }
0xbc: {  	[hbm4b:s9+s2] =	stream.linear.scatter [tilespmem:s12], [sflag:$0x2], $0x4000, $0x38;
	[tilespmem:$0x1B100] =	vst v63  }
0xbd: {  	_ =	swait.ge [sflag:s0], $0x4000  }
0xbe: {  	[sflag:s0] =	ssyncset.done $0x0  }
0xbf: {  	[sflag:s0] =	ssyncadd.s32 $0xFFFFC000  }
0xc0: {  	[tilespmem:s3], [sflag:$0x2] =	stream.linear.gather [spmem:s21], $0x800, $0x38;
	[tilespmem:$0x1B100] =	vst v63  }
0xc1: {  	_ =	swait.ge [sflag:s0], $0x800  }
0xc2: {  	[sflag:s0] =	ssyncset.done $0x0  }
0xc3: {  	s10 =	rddreg [dreg:$0xb];
	[sflag:s0] =	ssyncadd.s32 $0xFFFFF800  }
0xc4: {  	[hbm4b:s10+s2] =	stream.linear.scatter [tilespmem:s3], [sflag:$0x2], $0x800, $0x38;
	[tilespmem:$0x1B100] =	vst v63  }
0xc5: {  	_ =	swait.ge [sflag:s0], $0x800  }
0xc6: {  	[sflag:s0] =	ssyncset.done $0x0  }
0xc7: {  	[sflag:s0] =	ssyncadd.s32 $0xFFFFF800  }
0xc8: {  	[tilespmem:s12], [sflag:$0x2] =	stream.linear.gather [spmem:s22], $0x4000, $0x38;
	[tilespmem:$0x1B100] =	vst v63  }
0xc9: {  	_ =	swait.ge [sflag:s0], $0x4000  }
0xca: {  	[sflag:s0] =	ssyncset.done $0x0  }
0xcb: {  	s11 =	rddreg [dreg:$0x8];
	[sflag:s0] =	ssyncadd.s32 $0xFFFFC000  }
0xcc: {  	[hbm4b:s11+s2] =	stream.linear.scatter [tilespmem:s12], [sflag:$0x2], $0x4000, $0x38;
	[tilespmem:$0x1B100] =	vst v63  }
0xcd: {  	_ =	swait.ge [sflag:s0], $0x4000  }
0xce: {  	[sflag:s0] =	ssyncset.done $0x0  }
0xcf: {  	[sflag:s0] =	ssyncadd.s32 $0xFFFFC000  }
0xd0: {  	[tilespmem:s3], [sflag:$0x2] =	stream.linear.gather [spmem:s23], $0x800, $0x38;
	[tilespmem:$0x1B100] =	vst v63  }
0xd1: {  	_ =	swait.ge [sflag:s0], $0x800  }
0xd2: {  	[sflag:s0] =	ssyncset.done $0x0  }
0xd3: {  	s8 =	rddreg [dreg:$0xc];
	[sflag:s0] =	ssyncadd.s32 $0xFFFFF800  }
0xd4: {  	[hbm4b:s8+s2] =	stream.linear.scatter [tilespmem:s3], [sflag:$0x2], $0x800, $0x38;
	[tilespmem:$0x1B100] =	vst v63  }
0xd5: {  	_ =	swait.ge [sflag:s0], $0x800  }
0xd6: {  	[sflag:s0] =	ssyncset.done $0x0  }
0xd7: {  	[sflag:s0] =	ssyncadd.s32 $0xFFFFF800  }
0xd8: {  	[tilespmem:s12], [sflag:$0x2] =	stream.linear.gather [spmem:s24], $0x4000, $0x38;
	[tilespmem:$0x1B100] =	vst v63  }
0xd9: {  	_ =	swait.ge [sflag:s0], $0x4000  }
0xda: {  	[sflag:s0] =	ssyncset.done $0x0  }
0xdb: {  	s9 =	rddreg [dreg:$0x9];
	[sflag:s0] =	ssyncadd.s32 $0xFFFFC000  }
0xdc: {  	[hbm4b:s9+s2] =	stream.linear.scatter [tilespmem:s12], [sflag:$0x2], $0x4000, $0x38;
	[tilespmem:$0x1B100] =	vst v63  }
0xdd: {  	_ =	swait.ge [sflag:s0], $0x4000  }
0xde: {  	[sflag:s0] =	ssyncset.done $0x0  }
0xdf: {  	[sflag:s0] =	ssyncadd.s32 $0xFFFFC000  }
0xe0: {  	[tilespmem:s3], [sflag:$0x2] =	stream.linear.gather [spmem:s25], $0x800, $0x38;
	[tilespmem:$0x1B100] =	vst v63  }
0xe1: {  	_ =	swait.ge [sflag:s0], $0x800  }
0xe2: {  	[sflag:s0] =	ssyncset.done $0x0  }
0xe3: {  	s10 =	rddreg [dreg:$0xd];
	[sflag:s0] =	ssyncadd.s32 $0xFFFFF800  }
0xe4: {  	[hbm4b:s10+s2] =	stream.linear.scatter [tilespmem:s3], [sflag:$0x2], $0x800, $0x38;
	[tilespmem:$0x1B100] =	vst v63  }
0xe5: {  	_ =	swait.ge [sflag:s0], $0x800  }
0xe6: {  	[sflag:s0] =	ssyncset.done $0x0  }
0xe7: {  	[sflag:s0] =	ssyncadd.s32 $0xFFFFF800  }
0xe8: {  	[tilespmem:s12], [sflag:$0x2] =	stream.linear.gather [spmem:s26], $0x4000, $0x38;
	[tilespmem:$0x1B100] =	vst v63  }
0xe9: {  	_ =	swait.ge [sflag:s0], $0x4000  }
0xea: {  	[sflag:s0] =	ssyncset.done $0x0  }
0xeb: {  	s11 =	rddreg [dreg:$0xa];
	[sflag:s0] =	ssyncadd.s32 $0xFFFFC000  }
0xec: {  	[hbm4b:s11+s2] =	stream.linear.scatter [tilespmem:s12], [sflag:$0x2], $0x4000, $0x38;
	[tilespmem:$0x1B100] =	vst v63  }
0xed: {  	_ =	swait.ge [sflag:s0], $0x4000  }
0xee: {  	[sflag:s0] =	ssyncset.done $0x0  }
0xef: {  	[sflag:s0] =	ssyncadd.s32 $0xFFFFC000  }
0xf0: {  	[tilespmem:s3], [sflag:$0x2] =	stream.linear.gather [spmem:s28], $0x800, $0x38;
	[tilespmem:$0x1B100] =	vst v63  }
0xf1: {  	s6 =	sadd.s32 $0x1, s6;
	_ =	swait.ge [sflag:s0], $0x800  }
0xf2: {  	p0 =	sne.s32 s6, s17;
	[sflag:s0] =	ssyncset.done $0x0  }
.Ltmp4:
0xf3: {  	[sflag:s0] =	ssyncadd.s32 $0xFFFFF800;
	(pc) =	sbr.rel @p0 .LBB2_1-.Ltmp4, $4  }
0xf4: {  	[hbm4b:s15+s2] =	stream.linear.scatter [tilespmem:s3], [sflag:$0x2], $0x800, $0x38;
	[tilespmem:$0x1B100] =	vst v63  }
0xf5: {  	_ =	swait.ge [sflag:s0], $0x800  }
0xf6: {  	[sflag:s0] =	ssyncset.done $0x0  }
0xf7: {  	[sflag:s0] =	ssyncadd.s32 $0xFFFFF800  }
0xf8: {  	_ =	sfence.sel $0x180000  }
0xf9: {  	[bflag:$0x0] =	sbarrier.arrive $0xFFFF  }
0xfa: {  	_ =	strace $0x90000047  }
0xfb: {  	s0 =	stileid.u32;
	[bflag:$0x2] =	sbarrier.arrive $0xFFFF  }
0xfc: {  	p0 =	sne.s32 s0, $0x0;
	s0 =	rddreg [dreg:$0x4]  }
0xfd: {  	s0 =	sadd.s32 @!p0 $0x100000, s0  }
0xfe: {  	[sflag:s0] =	ssyncadd.tile.s32 @!p0 $0x1;
	_ =	shalt  }
.Lfunc_end2:
_tile_overlayer_lowered:
.L_overlay_start_2:
0xff: {  	(tag) =	ssettag $0x2  }
0x100: {  	s0 =	rddreg [dreg:$0x0];
	s2 =	stileid.u32  }
0x101: {  	s1 =	rddreg [dreg:$0x1];
	p0 =	sne.s32 s2, $0x0  }
0x102: {  	s3 =	rddreg [dreg:$0x2];
	[bflag:$0x3] =	sbarrier.arrive $0xFFFF;
	s2 =	simm.s32 @!p0 $0x1C02  }
0x103: {  	[timem:s3], [sflag:s2] =	dma.local @!p0 [hbm:s0], s1  }
0x104: {  	s0 =	simm.s32 @!p0 $0x2  }
0x105: {  	_ =	swait.ge @!p0 [sflag:s0], s1  }
0x106: {  	s1 =	ssub.s32 @!p0 $0x0, s1;
	[sflag:s0] =	ssyncset.done @!p0 $0x0  }
0x107: {  	[sflag:s0] =	ssyncadd.s32 @!p0 s1  }
0x108: {  	[bflag:$0x3] =	sbarrier.arrive $0xFFFF  }
0x109: {  	_ =	shalt  }

// kernel: kernel.20.cloned.1.call-start
scs
__scs_entry_jumppad:
0x0: {  	(pc) =	sbr.rel $0x88, $3  }
0x1: {  	(tag) =	ssettag $0x0;
	lr =	simm.s32 $0x1  }
0x2: {  	[smem:$0x3F89] =	sst lr;
	_ =	strace $0xD0000000  }
0x3: {  	_ = 	snop  }
0x4: {  	_ = 	snop  }
0x5: {  	_ = 	snop  }
0x6: {  	_ = 	snop  }
0x7: {  	_ = 	snop  }
__scs_overlays_trampoline_lowered:
0x8: {  	[smem:$0x3F98] =	sst s0  }
0x9: {  	[smem:$0x3F99] =	sst s1  }
0xa: {  	[smem:$0x3F9A] =	sst s2  }
0xb: {  	[smem:$0x3F9B] =	sst s3  }
0xc: {  	[smem:$0x3F9C] =	sst s4  }
0xd: {  	[smem:$0x3F9D] =	sst s5  }
0xe: {  	[smem:$0x3F9E] =	sst s6  }
0xf: {  	[smem:$0x3F9F] =	sst s7  }
0x10: {  	[smem:$0x3FA0] =	sst s8  }
0x11: {  	[smem:$0x3FA1] =	sst s9;
	s0 =	simm.s32 @!p0 $0x0  }
0x12: {  	s1 =	sld [smem:$0x3F87];
	s0 =	simm.s32 @p0 $0x1  }
0x13: {  	[smem:$0x3FA2] =	sst s0;
	s0 =	simm.s32 @!p1 $0x0  }
0x14: {  	s2 =	sld [smem:$0x3F86];
	s0 =	simm.s32 @p1 $0x1  }
0x15: {  	[smem:$0x3FA3] =	sst s0;
	s0 =	simm.s32 @!p2 $0x0  }
0x16: {  	s3 =	sld [smem:$0x3FDB];
	s0 =	simm.s32 @p2 $0x1  }
0x17: {  	s4 =	simm.s32 $0x1BF5;
	[smem:$0x3FA5] =	sst s0  }
0x18: {  	s0 =	sld [smem:$0x3F88];
	_ =	swait.ge [sflag:s4], $0x0  }
0x19: {  	s7 =	sld [smem:$0x3F89]  }
0x1a: {  	s8 =	sadd.s32 $0xFFFFE003, lr  }
0x1b: {  	s9 =	sadd.s32 $0xFFFFFEF7, lr;
	s5 =	simm.s32 $0xFFFFFFFF;
	p2 =	slt.u32 s8, $0xFFFFF086  }
0x1c: {  	p1 =	slt.u32 s9, $0xF7A;
	s5 =	simm.s32 @!p2 $0x0  }
0x1d: {  	s5 =	simm.s32 @p1 $0x1;
	p0 =	seq.s32 s7, s2  }
0x1e: {  	s7 =	smul.u32 @!p0 $0xF7A, s2;
	p2 =	seq.s32 @!p0 s5, $0x0  }
0x1f: {  	s9 =	smul.u32 $0xF7A, s1;
	s8 =	simm.s32 @!p0 $0x1BF5;
	p2 =	por !p2, p0  }
0x20: {  	[sflag:s8] =	ssyncset.s32 @!p0 $0xFFFFF086;
	s6 =	sadd.s32 @!p0 s3, s7;
	s7 =	simm.s32 @!p0 $0x108  }
0x21: {  	s3 =	sadd.s32 s3, s9;
	s6 =	sadd.s32 @!p0 $0x88, s6;
	s7 =	simm.s32 @p2 $0x1082  }
0x22: {  	[simem:s7], [sflag:s8] =	dma.local @!p0 [hbm:s6], $0xF7A  }
0x23: {  	s9 =	sor.u32 $0xD0000000, s2;
	s6 =	simm.s32 $0x108;
	_ =	swait.ge @!p0 [sflag:s8], $0x0  }
0x24: {  	s3 =	sadd.s32 $0x88, s3;
	s6 =	simm.s32 @!p1 $0x1082;
	[sflag:s4] =	ssyncset.s32 $0xFFFFF086  }
0x25: {  	[simem:s6], [sflag:s4] =	dma.local [hbm:s3], $0xF7A  }
0x26: {  	[smem:$0x3F89] =	sst s1;
	(tag) =	ssettag s2;
	_ =	strace s9  }
0x27: {  	s1 =	sld [smem:$0x3F99]  }
0x28: {  	s2 =	sld [smem:$0x3F9A]  }
0x29: {  	s4 =	sld [smem:$0x3F9C]  }
0x2a: {  	p0 =	seq.s32 s5, $0x0;
	s5 =	sld [smem:$0x3F9D]  }
0x2b: {  	s6 =	sld [smem:$0x3F9E]  }
0x2c: {  	s7 =	sld [smem:$0x3F9F]  }
0x2d: {  	s3 =	simm.s32 $0x108;
	s8 =	sld [smem:$0x3FA0]  }
0x2e: {  	s3 =	simm.s32 @!p0 $0x1082;
	s9 =	sld [smem:$0x3FA1]  }
0x2f: {  	lr =	sadd.s32 s0, s3;
	s0 =	sld [smem:$0x3F98]  }
0x30: {  	s3 =	sld [smem:$0x3F9B]  }
0x31: {  	[smem:$0x3FA4] =	sst s10  }
0x32: {  	s10 =	sld [smem:$0x3FA2];
	_ =	sdelay $0x3  }
0x33: {  	p0 =	seq.s32 s10, $0x1;
	s10 =	sld [smem:$0x3FA4];
	_ =	sdelay $0x3  }
0x34: {  	[smem:$0x3FA4] =	sst s10  }
0x35: {  	s10 =	sld [smem:$0x3FA3];
	_ =	sdelay $0x3  }
0x36: {  	p1 =	seq.s32 s10, $0x1;
	s10 =	sld [smem:$0x3FA4];
	_ =	sdelay $0x3  }
0x37: {  	[smem:$0x3FA4] =	sst s10  }
0x38: {  	s10 =	sld [smem:$0x3FA5]  }
0x39: {  	_ = 	snop;
	(pc) =	sbr.ind lr, $3  }
0x3a: {  	_ = 	snop  }
0x3b: {  	_ = 	snop  }
0x3c: {  	p2 =	seq.s32 s10, $0x1;
	s10 =	sld [smem:$0x3FA4]  }
0x3d: {  	_ =	shalt  }
0x3e: {  	_ =	shalt  }
0x3f: {  	_ =	shalt  }
0x40: {  	_ =	shalt  }
0x41: {  	_ =	shalt  }
0x42: {  	_ =	shalt  }
0x43: {  	_ =	shalt  }
0x44: {  	_ =	shalt  }
0x45: {  	_ =	shalt  }
0x46: {  	_ =	shalt  }
0x47: {  	_ =	shalt  }
0x48: {  	_ =	shalt  }
0x49: {  	_ =	shalt  }
0x4a: {  	_ =	shalt  }
0x4b: {  	_ =	shalt  }
0x4c: {  	_ =	shalt  }
0x4d: {  	_ =	shalt  }
0x4e: {  	_ =	shalt  }
0x4f: {  	_ =	shalt  }
0x50: {  	_ =	shalt  }
0x51: {  	_ =	shalt  }
0x52: {  	_ =	shalt  }
0x53: {  	_ =	shalt  }
0x54: {  	_ =	shalt  }
0x55: {  	_ =	shalt  }
0x56: {  	_ =	shalt  }
0x57: {  	_ =	shalt  }
0x58: {  	_ =	shalt  }
0x59: {  	_ =	shalt  }
0x5a: {  	_ =	shalt  }
0x5b: {  	_ =	shalt  }
0x5c: {  	_ =	shalt  }
0x5d: {  	_ =	shalt  }
0x5e: {  	_ =	shalt  }
0x5f: {  	_ =	shalt  }
0x60: {  	_ =	shalt  }
0x61: {  	_ =	shalt  }
0x62: {  	_ =	shalt  }
0x63: {  	_ =	shalt  }
0x64: {  	_ =	shalt  }
0x65: {  	_ =	shalt  }
0x66: {  	_ =	shalt  }
0x67: {  	_ =	shalt  }
0x68: {  	_ =	shalt  }
0x69: {  	_ =	shalt  }
0x6a: {  	_ =	shalt  }
0x6b: {  	_ =	shalt  }
0x6c: {  	_ =	shalt  }
0x6d: {  	_ =	shalt  }
0x6e: {  	_ =	shalt  }
0x6f: {  	_ =	shalt  }
0x70: {  	_ =	shalt  }
0x71: {  	_ =	shalt  }
0x72: {  	_ =	shalt  }
0x73: {  	_ =	shalt  }
0x74: {  	_ =	shalt  }
0x75: {  	_ =	shalt  }
0x76: {  	_ =	shalt  }
0x77: {  	_ =	shalt  }
0x78: {  	_ =	shalt  }
0x79: {  	_ =	shalt  }
0x7a: {  	_ =	shalt  }
0x7b: {  	_ =	shalt  }
0x7c: {  	_ =	shalt  }
0x7d: {  	_ =	shalt  }
0x7e: {  	_ =	shalt  }
0x7f: {  	_ =	shalt  }
0x80: {  	_ =	shalt  }
0x81: {  	_ =	shalt  }
0x82: {  	_ =	shalt  }
0x83: {  	_ =	shalt  }
0x84: {  	_ =	shalt  }
0x85: {  	_ =	shalt  }
0x86: {  	_ =	shalt  }
0x87: {  	_ =	shalt  }
.Lfunc_end0:
.L_simem_size_0:
called_computation.3_lowered:
.L_overlay_start_0:
0x88: {  	s2 =	sld [smem:$0x3FD9]  }
0x89: {  	s3 =	sld [smem:$0x3FFE];
	_ =	sdelay $0x1  }
0x8a: {  	s1 =	srdreg.scid  }
0x8b: {  	s0 =	sand.u32 $0x1, s1  }
0x8c: {  	s17 =	sshll.u32 s0, $0xA;
	s2 =	sadd.s32 s3, s2  }
0x8d: {  	s2 =	sadd.s32 s2, s17  }
0x8e: {  	[smem:$0x3FB0] =	sst s2  }
0x8f: {  	_ = 	snop  }
0x90: {  	(tm) =	ssettm $0x1  }
0x91: {  	s18 =	sld [smem:$0x3FFB];
	_ =	sdelay $0x3  }
0x92: {  	_ =	strace s18  }
0x93: {  	s2 =	sld [smem:$0x3FFC];
	_ =	sdelay $0x3  }
0x94: {  	_ =	strace s2  }
0x95: {  	s2 =	sld [smem:$0x3FFD];
	_ =	sdelay $0x3  }
0x96: {  	_ =	strace s2  }
0x97: {  	_ =	strace $0x8FFFFFFF  }
0x98: {  	s19 =	sld [smem:$0x3FDB];
	_ =	sdelay $0x1  }
0x99: {  	s20 =	simm.s32 $_scs_section_size  }
0x9a: {  	s4 =	simm.s32 $_size__tile_overlayer_lowered;
	s5 =	simm.s32 $_tile_overlayer_lowered  }
0x9b: {  	s6 =	simm.s32 $0x1BFF;
	s21 =	sshll.u32 s5, $0x1;
	s3 =	sadd.s32 s20, s19  }
0x9c: {  	s22 =	simm.s32 $0x0;
	s4 =	sshll.u32 s4, $0x1;
	s5 =	sadd.s32 s21, s3  }
0x9d: {  	[timem:s22], [sflag:s6] =	dma.local [hbm:s5], s4  }
0x9e: {  	_ =	swait.ge [sflag:s6], s4  }
0x9f: {  	s4 =	ssub.s32 $0x0, s4;
	[sflag:s6] =	ssyncset.done $0x0  }
0xa0: {  	[sflag:s6] =	ssyncadd.s32 s4;
	_ =	sdelay $0x1  }
0xa1: {  	s23 =	simm.s32 $0x1B8B  }
0xa2: {  	_ =	swait.ge [sflag:s23], $0x1  }
0xa3: {  	[sflag:s23] =	ssyncset.done $0x0  }
0xa4: {  	[sflag:s23] =	ssyncadd.s32 $0xFFFFFFFF  }
0xa5: {  	s4 =	sld [smem:$0x0]  }
0xa6: {  	s5 =	sand.u32 $0xFFFFFFFE, s1  }
0xa7: {  	p0 =	sne.s32 s1, s5  }
0xa8: {  	s5 =	sshll.u32 @p0 s5, $0xE  }
0xa9: {  	s5 =	sadd.s32 @p0 $0x11B8D, s5;
	s6 =	sshll.u32 @p0 s4, $0x11  }
0xaa: {  	s5 =	sor.u32 @p0 s6, s5  }
0xab: {  	[sflag:s5] =	ssyncadd.remote.s32 @p0 $0x1;
	_ =	sdelay $0x1  }
0xac: {  	s5 =	simm.s32 @p0 $0x1B8D  }
0xad: {  	_ =	swait.eq @p0 [sflag:s5], $0x1  }
0xae: {  	[sflag:s5] =	ssyncadd.s32 @p0 $0xFFFFFFFF  }
0xaf: {  	s6 =	sshll.u32 @!p0 s1, $0xE  }
0xb0: {  	s6 =	sor.u32 @!p0 $0x4000, s6;
	s5 =	simm.s32 @!p0 $0x1B8D  }
0xb1: {  	s4 =	sshll.u32 @!p0 s4, $0x11;
	s6 =	sadd.s32 @!p0 $0x11B8D, s6;
	_ =	swait.eq @!p0 [sflag:s5], $0x1  }
0xb2: {  	s4 =	sor.u32 @!p0 s4, s6;
	[sflag:s5] =	ssyncadd.s32 @!p0 $0xFFFFFFFF  }
0xb3: {  	s25 =	simm.s32 $0x1B8E;
	s24 =	sld [smem:$0x3FFE];
	[sflag:s4] =	ssyncadd.remote.s32 @!p0 $0x1  }
0xb4: {  	s26 =	simm.s32 $execute0_lowered;
	[smem:$0x3FD2] =	sst s25  }
0xb5: {  	s5 =	sshll.u32 s26, $0x1;
	_ =	strace $0x8000004C;
	[dreg:$0x1] =	wrdreg $0xFFFFFFFF  }
0xb6: {  	s28 =	simm.s32 $_size_execute0_lowered;
	s3 =	sadd.s32 s3, s5;
	[dreg:$0x0] =	wrdreg $0x0  }
0xb7: {  	s5 =	sshll.u32 s28, $0x1;
	[dreg:$0x2] =	wrdreg s3  }
0xb8: {  	[dreg:$0x3] =	wrdreg s5  }
0xb9: {  	[dreg:$0x4] =	wrdreg $0xC0  }
0xba: {  	_ =	task [dreg:s22], $0x5FFFF  }
0xbb: {  	[dreg:$0x1] =	wrdreg $0xFFFFFFFF  }
0xbc: {  	[dreg:$0x0] =	wrdreg $0x60  }
0xbd: {  	[dreg:$0x2] =	wrdreg s24  }
0xbe: {  	[dreg:$0x3] =	wrdreg $0x49800  }
0xbf: {  	[dreg:$0x4] =	wrdreg $0xA  }
0xc0: {  	_ =	task.clear_ibuf [dreg:s22], $0x5FFFF;
	_ =	strace $0x9000004C  }
0xc1: {  	s29 =	simm.s32 $0xA;
	_ =	strace $0x8000004E  }
0xc2: {  	_ =	swait.ge [sflag:s29], $0x1  }
0xc3: {  	[sflag:s29] =	ssyncadd.s32 $0xFFFFFFFF  }
0xc4: {  	_ =	strace $0x9000004E  }
0xc5: {  	_ =	sfence  }
0xc6: {  	s30 =	sld [smem:$0x0];
	_ =	sdelay $0x2  }
0xc7: {  	s31 =	sshll.u32 s1, $0xD;
	s1 =	sshrl.u32 s1, $0x2  }
0xc8: {  	s4 =	sand.u32 $0x4000, s31;
	s1 =	sadd.s32 s1, s30  }
0xc9: {  	s0 =	sor.u32 s4, s0;
	s1 =	sshll.u32 s1, $0x11  }
0xca: {  	s0 =	sor.u32 s1, s0  }
0xcb: {  	s0 =	sadd.s32 $0x8F2B, s0  }
0xcc: {  	[sflag:s0] =	ssyncadd.remote.s32 $0x1  }
0xcd: {  	_ =	sfence.sel $0xFFFF  }
0xce: {  	[dreg:$0x0] =	wrdreg $0xFFFFFFFF;
	(pc) =	sbr.abs _section_cstart, $3  }
0xcf: {  	[dreg:$0x1] =	wrdreg $0xFFFFFFFF  }
0xd0: {  	_ =	task.clear_ibuf [dreg:s22], $0x2FFFF;
	_ =	strace $0x9FFFFFFF  }
0xd1: {  	(tm) =	ssettm $0x7FFFFFFF  }
tec
execute0_lowered:
.L_overlay_start_1:
0x0: {  	(tag) =	ssettag $0x1  }
0x1: {  	s5 =	rddreg [dreg:$0x0]  }
0x2: {  	s2 =	rddreg [dreg:$0x1];
	s1 =	stileid.u32  }
0x3: {  	s3 =	simm.s32 $0x0;
	s4 =	srdreg.scid;
	s6 =	smul.u32 $0x9E0, s1  }
0x4: {  	s28 =	simm.s32 $0x1;
	[smem:$0x7FF] =	sst s3;
	s8 =	smul.u32 $0x50000, s1  }
0x5: {  	s26 =	sand.u32 $0x1, s4;
	s4 =	sadd.s32 $0x18200, s5;
	s17 =	smul.u32 $0x14000, s1  }
0x6: {  	s29 =	simm.s32 $0x0;
	s20 =	sadd.s32 $0x12FE00, s5;
	_ =	strace $0x8000004D  }
0x7: {  	s7 =	ssub.s32 $0x2, s26;
	s18 =	smul.u32 $0x140000, s26;
	v0 =	vmov s26;
	s26 =	simm.s32 $0x80  }
0x8: {  	s22 =	sadd.s32 s6, s5;
	s24 =	sshrl.u32 s7, $0x1;
	s25 =	sshrl.u32 s8, $0x2  }
0x9: {  	s6 =	sadd.s32 s17, s2;
	s13 =	sadd.s32 $0x4000, s17;
	s15 =	sadd.s32 $0x8000, s17  }
0xa: {  	s19 =	sadd.s32 $0xC000, s17;
	s23 =	sadd.s32 $0x10000, s17;
	s7 =	ssub.s32 s7, s24  }
0xb: {  	s5 =	sadd.s32 s25, s2;
	s12 =	sadd.s32 s18, s17;
	s14 =	sadd.s32 s18, s13  }
0xc: {  	s13 =	sadd.s32 s13, s2;
	s16 =	sadd.s32 s18, s15;
	s15 =	sadd.s32 s15, s2  }
0xd: {  	s21 =	sadd.s32 s18, s19;
	s17 =	sadd.s32 s19, s2;
	s31 =	sadd.s32 s18, s23  }
0xe: {  	s19 =	sadd.s32 s23, s2;
	s23 =	simm.s32 $0x180;
	s24 =	simm.s32 $0x2  }
0xf: {  	s25 =	simm.s32 $0x100;
	s7 =	smax.u32 s7, $0x1;
	s8 =	sadd.s32 $0x4000, s5  }
0x10: {  	s9 =	sadd.s32 $0x8000, s5;
	s10 =	sadd.s32 $0xC000, s5;
	s11 =	sadd.s32 $0x10000, s5  }
0x11: {  	s12 =	sshrl.u32 s12, $0x3;
	s14 =	sshrl.u32 s14, $0x3;
	s16 =	sshrl.u32 s16, $0x3  }
0x12: {  	s30 =	sshrl.u32 s21, $0x3;
	s21 =	sshrl.u32 s31, $0x3;
	s12 =	sadd.s32 s20, s12  }
0x13: {  	s14 =	sadd.s32 s20, s14;
	s16 =	sadd.s32 s20, s16;
	s18 =	sadd.s32 s20, s30  }
0x14: {  	v1 =	vimm.f32 $0.0e+00;
	s20 =	sadd.s32 s20, s21;
	s21 =	sadd.s32 $0x4600, s22;
	s22 =	sadd.s32 $0xE400, s22  }
.LBB2_1:
0x15: {  	s30 =	simm.s32 $0x0;
	s31 =	simm.s32 $0x200  }
.LBB2_2:
0x16: {  	p0 =	sne.s32 s31, $0xFE00;
	[tilespmem:s30+$0x1F0] =	vst v1  }
0x17: {  	[tilespmem:s30+$0x180] =	vst v1  }
0x18: {  	[tilespmem:s30+$0x190] =	vst v1  }
.Ltmp0:
0x19: {  	[tilespmem:s30+$0x1A0] =	vst v1;
	(pc) =	sbr.rel @p0 .LBB2_2-.Ltmp0, $4  }
0x1a: {  	[tilespmem:s30+$0x1B0] =	vst v1  }
0x1b: {  	[tilespmem:s30+$0x1C0] =	vst v1  }
0x1c: {  	[tilespmem:s30+$0x1D0] =	vst v1  }
0x1d: {  	[tilespmem:s30+$0x1E0] =	vst v1;
	s30 =	sshra.s32 s31, $0x2;
	s31 =	sadd.s32 $0x200, s31  }
0x1e: {  	[tilespmem:s30+$0x1F0] =	vst v1  }
0x1f: {  	[tilespmem:s30+$0x180] =	vst v1  }
0x20: {  	[tilespmem:s30+$0x190] =	vst v1  }
0x21: {  	[tilespmem:s30+$0x1A0] =	vst v1  }
0x22: {  	[tilespmem:s30+$0x1B0] =	vst v1  }
0x23: {  	[tilespmem:s30+$0x1C0] =	vst v1  }
0x24: {  	[tilespmem:s30+$0x1D0] =	vst v1  }
0x25: {  	[tilespmem:s30+$0x1E0] =	vst v1;
	s30 =	simm.s32 $0x40;
	s31 =	simm.s32 $0x0  }
.LBB2_4:
0x26: {  	p0 =	sne.s32 s30, $0x1FC0;
	[tilespmem:s31+$0x4180] =	vst v1;
	s31 =	smov.u32 s30;
	s30 =	sadd.s32 $0x40, s30  }
.Ltmp1:
0x27: {  	(pc) =	sbr.rel @p0 .LBB2_4-.Ltmp1, $2  }
0x28: {  	_ =	sdelay $0x2  }
0x29: {  	s31 =	sshra.s32 s31, $0x2  }
0x2a: {  	[tilespmem:s31+$0x4180] =	vst v1  }
0x2b: {  	[spmem:s5] =	stream.linear.scatter [tilespmem:s23], [sflag:$0x2], $0x4000, $0x38;
	[tilespmem:$0x18980] =	vst v63  }
0x2c: {  	_ =	swait.ge [sflag:s24], $0x4000  }
0x2d: {  	[sflag:s24] =	ssyncset.done $0x0  }
0x2e: {  	[sflag:s24] =	ssyncadd.s32 $0xFFFFC000  }
0x2f: {  	[spmem:s8] =	stream.linear.scatter [tilespmem:s23], [sflag:$0x2], $0x4000, $0x38;
	[tilespmem:$0x18980] =	vst v63  }
0x30: {  	_ =	swait.ge [sflag:s24], $0x4000  }
0x31: {  	[sflag:s24] =	ssyncset.done $0x0  }
0x32: {  	[sflag:s24] =	ssyncadd.s32 $0xFFFFC000  }
0x33: {  	[spmem:s9] =	stream.linear.scatter [tilespmem:s23], [sflag:$0x2], $0x4000, $0x38;
	[tilespmem:$0x18980] =	vst v63  }
0x34: {  	_ =	swait.ge [sflag:s24], $0x4000  }
0x35: {  	[sflag:s24] =	ssyncset.done $0x0  }
0x36: {  	[sflag:s24] =	ssyncadd.s32 $0xFFFFC000  }
0x37: {  	[spmem:s10] =	stream.linear.scatter [tilespmem:s23], [sflag:$0x2], $0x4000, $0x38;
	[tilespmem:$0x18980] =	vst v63  }
0x38: {  	_ =	swait.ge [sflag:s24], $0x4000  }
0x39: {  	[sflag:s24] =	ssyncset.done $0x0  }
0x3a: {  	[sflag:s24] =	ssyncadd.s32 $0xFFFFC000  }
0x3b: {  	[spmem:s11] =	stream.linear.scatter [tilespmem:s23], [sflag:$0x2], $0x4000, $0x38;
	[tilespmem:$0x18980] =	vst v63  }
0x3c: {  	_ =	swait.ge [sflag:s24], $0x4000  }
0x3d: {  	[sflag:s24] =	ssyncset.done $0x0  }
0x3e: {  	[sflag:s24] =	ssyncadd.s32 $0xFFFFC000  }
0x3f: {  	s30 =	sadd.s32 $0x0, s22;
	[bflag:$0x0] =	sbarrier.arrive $0xFFFF  }
0x40: {  	[tilespmem:s3], [sflag:$0x2] =	stream.linear.gather [hbm4b:s30+s3], $0x80, $0x38;
	[tilespmem:$0x18980] =	vst v63  }
0x41: {  	_ =	swait.ge [sflag:s24], $0x80  }
0x42: {  	[sflag:s24] =	ssyncset.done $0x0  }
0x43: {  	s30 =	sadd.s32 $0x0, s21;
	[sflag:s24] =	ssyncadd.s32 $0xFFFFFF80  }
0x44: {  	[tilespmem:s25], [sflag:$0x2] =	stream.linear.gather [hbm4b:s30+s3], $0x80, $0x38;
	[tilespmem:$0x18980] =	vst v63  }
0x45: {  	_ =	swait.ge [sflag:s24], $0x80  }
0x46: {  	[sflag:s24] =	ssyncset.done $0x0  }
0x47: {  	[sflag:s24] =	ssyncadd.s32 $0xFFFFFF80  }
0x48: {  	v2 =	vld [tilespmem:$0x50]  }
0x49: {  	v3 =	vld [tilespmem:$0x30]  }
0x4a: {  	v4 =	vld [tilespmem:$0x20]  }
0x4b: {  	v5 =	vld [tilespmem:$0x10]  }
0x4c: {  	v6 =	vld [tilespmem:$0x40]  }
0x4d: {  	v7 =	vld [tilespmem:$0x0];
	v2 =	vshll.u32 v2, $0x1  }
0x4e: {  	v8 =	vld [tilespmem:$0x60];
	v3 =	vshll.u32 v3, $0x1;
	v2 =	vor.u32 v0, v2  }
0x4f: {  	v9 =	vld [tilespmem:$0x70];
	v4 =	vshll.u32 v4, $0x1;
	v3 =	vor.u32 v0, v3;
	[tilespmem:$0xD0] =	vst v2  }
0x50: {  	v4 =	vor.u32 v0, v4;
	v2 =	vshll.u32 v5, $0x1;
	[tilespmem:$0xB0] =	vst v3  }
0x51: {  	[tilespmem:$0xA0] =	vst v4;
	v3 =	vshll.u32 v6, $0x1;
	v2 =	vor.u32 v0, v2  }
0x52: {  	v4 =	vshll.u32 v7, $0x1;
	[tilespmem:$0x90] =	vst v2;
	v2 =	vor.u32 v0, v3  }
0x53: {  	v3 =	vor.u32 v0, v4;
	[tilespmem:$0xC0] =	vst v2;
	v2 =	vshll.u32 v8, $0x1  }
0x54: {  	s30 =	simm.s32 $0x10;
	[tilespmem:$0x80] =	vst v3;
	v3 =	vshll.u32 v9, $0x1;
	v2 =	vor.u32 v0, v2  }
.LBB2_6:
0x55: {  	p0 =	sne.s32 s30, $0x9D0;
	[tilespmem:$0xE0] =	vst v2;
	v2 =	vor.u32 v0, v3;
	s31 =	smov.u32 s30;
	s30 =	sadd.s32 $0x10, s30  }
0x56: {  	[tilespmem:$0xF0] =	vst v2  }
0x57: {  	[tilespmem:s23], [sflag:$0x1] =	stream.indirect.gather [hbm4b:s4+s26], $0x80, s26, s26, $0xb8;
	[tilespmem:$0x18980] =	vst v63  }
0x58: {  	_ =	swait.ge [sflag:s28], $0x4000  }
0x59: {  	[sflag:s28] =	ssyncset.done $0x0  }
0x5a: {  	[sflag:s28] =	ssyncadd.s32 $0xFFFFC000  }
0x5b: {  	[spmem:s2] =	stream.indirect.scatter.add.f32 [tilespmem:s23], [sflag:$0x2], $0x80, s25, s26, $0xb8;
	[tilespmem:$0x18980] =	vst v63  }
0x5c: {  	s0 =	sadd.s32 s31, s22;
	_ =	swait.ge [sflag:s24], $0x4000  }
0x5d: {  	[sflag:s24] =	ssyncset.done $0x0  }
0x5e: {  	[sflag:s24] =	ssyncadd.s32 $0xFFFFC000  }
0x5f: {  	[tilespmem:s3], [sflag:$0x2] =	stream.linear.gather [hbm4b:s0+s3], $0x80, $0x38;
	[tilespmem:$0x18980] =	vst v63  }
0x60: {  	_ =	swait.ge [sflag:s24], $0x80  }
0x61: {  	[sflag:s24] =	ssyncset.done $0x0  }
0x62: {  	s0 =	sadd.s32 s31, s21;
	[sflag:s24] =	ssyncadd.s32 $0xFFFFFF80  }
0x63: {  	[tilespmem:s25], [sflag:$0x2] =	stream.linear.gather [hbm4b:s0+s3], $0x80, $0x38;
	[tilespmem:$0x18980] =	vst v63  }
0x64: {  	_ =	swait.ge [sflag:s24], $0x80  }
0x65: {  	[sflag:s24] =	ssyncset.done $0x0  }
0x66: {  	[sflag:s24] =	ssyncadd.s32 $0xFFFFFF80  }
0x67: {  	v2 =	vld [tilespmem:$0x50]  }
0x68: {  	v3 =	vld [tilespmem:$0x30]  }
0x69: {  	v4 =	vld [tilespmem:$0x20]  }
0x6a: {  	v5 =	vld [tilespmem:$0x10]  }
0x6b: {  	v6 =	vld [tilespmem:$0x40]  }
0x6c: {  	v7 =	vld [tilespmem:$0x0];
	v2 =	vshll.u32 v2, $0x1  }
0x6d: {  	v3 =	vshll.u32 v3, $0x1;
	v2 =	vor.u32 v0, v2;
	v8 =	vld [tilespmem:$0x60]  }
0x6e: {  	v4 =	vshll.u32 v4, $0x1;
	v3 =	vor.u32 v0, v3;
	[tilespmem:$0xD0] =	vst v2;
	v9 =	vld [tilespmem:$0x70]  }
.Ltmp2:
0x6f: {  	v2 =	vshll.u32 v5, $0x1;
	v4 =	vor.u32 v0, v4;
	[tilespmem:$0xB0] =	vst v3;
	(pc) =	sbr.rel @p0 .LBB2_6-.Ltmp2, $4  }
0x70: {  	v2 =	vor.u32 v0, v2;
	[tilespmem:$0xA0] =	vst v4;
	v3 =	vshll.u32 v6, $0x1  }
0x71: {  	v4 =	vshll.u32 v7, $0x1;
	[tilespmem:$0x90] =	vst v2;
	v2 =	vor.u32 v0, v3  }
0x72: {  	v3 =	vor.u32 v0, v4;
	[tilespmem:$0xC0] =	vst v2;
	v2 =	vshll.u32 v8, $0x1  }
0x73: {  	[tilespmem:$0x80] =	vst v3;
	v2 =	vor.u32 v0, v2;
	v3 =	vshll.u32 v9, $0x1  }
0x74: {  	[tilespmem:$0xE0] =	vst v2;
	v2 =	vor.u32 v0, v3  }
0x75: {  	[tilespmem:$0xF0] =	vst v2  }
0x76: {  	[tilespmem:s23], [sflag:$0x1] =	stream.indirect.gather [hbm4b:s4+s26], $0x80, s26, s26, $0xb8;
	[tilespmem:$0x18980] =	vst v63  }
0x77: {  	_ =	swait.ge [sflag:s28], $0x4000  }
0x78: {  	[sflag:s28] =	ssyncset.done $0x0  }
0x79: {  	[sflag:s28] =	ssyncadd.s32 $0xFFFFC000  }
0x7a: {  	[spmem:s2] =	stream.indirect.scatter.add.f32 [tilespmem:s23], [sflag:$0x2], $0x80, s25, s26, $0xb8;
	[tilespmem:$0x18980] =	vst v63  }
0x7b: {  	_ =	swait.ge [sflag:s24], $0x4000  }
0x7c: {  	[sflag:s24] =	ssyncset.done $0x0  }
0x7d: {  	[sflag:s24] =	ssyncadd.s32 $0xFFFFC000  }
0x7e: {  	[bflag:$0x0] =	sbarrier.arrive $0xFFFF  }
0x7f: {  	[tilespmem:s23], [sflag:$0x2] =	stream.linear.gather [spmem:s6], $0x4000, $0x38;
	[tilespmem:$0x18980] =	vst v63  }
0x80: {  	_ =	swait.ge [sflag:s24], $0x4000  }
0x81: {  	[sflag:s24] =	ssyncset.done $0x0  }
0x82: {  	[sflag:s24] =	ssyncadd.s32 $0xFFFFC000  }
0x83: {  	[hbm4b:s12+s3] =	stream.linear.scatter [tilespmem:s23], [sflag:$0x2], $0x4000, $0x38;
	[tilespmem:$0x18980] =	vst v63  }
0x84: {  	_ =	swait.ge [sflag:s24], $0x4000  }
0x85: {  	[sflag:s24] =	ssyncset.done $0x0  }
0x86: {  	[sflag:s24] =	ssyncadd.s32 $0xFFFFC000  }
0x87: {  	[tilespmem:s23], [sflag:$0x2] =	stream.linear.gather [spmem:s13], $0x4000, $0x38;
	[tilespmem:$0x18980] =	vst v63  }
0x88: {  	_ =	swait.ge [sflag:s24], $0x4000  }
0x89: {  	[sflag:s24] =	ssyncset.done $0x0  }
0x8a: {  	[sflag:s24] =	ssyncadd.s32 $0xFFFFC000  }
0x8b: {  	[hbm4b:s14+s3] =	stream.linear.scatter [tilespmem:s23], [sflag:$0x2], $0x4000, $0x38;
	[tilespmem:$0x18980] =	vst v63  }
0x8c: {  	_ =	swait.ge [sflag:s24], $0x4000  }
0x8d: {  	[sflag:s24] =	ssyncset.done $0x0  }
0x8e: {  	[sflag:s24] =	ssyncadd.s32 $0xFFFFC000  }
0x8f: {  	[tilespmem:s23], [sflag:$0x2] =	stream.linear.gather [spmem:s15], $0x4000, $0x38;
	[tilespmem:$0x18980] =	vst v63  }
0x90: {  	_ =	swait.ge [sflag:s24], $0x4000  }
0x91: {  	[sflag:s24] =	ssyncset.done $0x0  }
0x92: {  	[sflag:s24] =	ssyncadd.s32 $0xFFFFC000  }
0x93: {  	[hbm4b:s16+s3] =	stream.linear.scatter [tilespmem:s23], [sflag:$0x2], $0x4000, $0x38;
	[tilespmem:$0x18980] =	vst v63  }
0x94: {  	_ =	swait.ge [sflag:s24], $0x4000  }
0x95: {  	[sflag:s24] =	ssyncset.done $0x0  }
0x96: {  	[sflag:s24] =	ssyncadd.s32 $0xFFFFC000  }
0x97: {  	[tilespmem:s23], [sflag:$0x2] =	stream.linear.gather [spmem:s17], $0x4000, $0x38;
	[tilespmem:$0x18980] =	vst v63  }
0x98: {  	_ =	swait.ge [sflag:s24], $0x4000  }
0x99: {  	[sflag:s24] =	ssyncset.done $0x0  }
0x9a: {  	[sflag:s24] =	ssyncadd.s32 $0xFFFFC000  }
0x9b: {  	[hbm4b:s18+s3] =	stream.linear.scatter [tilespmem:s23], [sflag:$0x2], $0x4000, $0x38;
	[tilespmem:$0x18980] =	vst v63  }
0x9c: {  	_ =	swait.ge [sflag:s24], $0x4000  }
0x9d: {  	[sflag:s24] =	ssyncset.done $0x0  }
0x9e: {  	[sflag:s24] =	ssyncadd.s32 $0xFFFFC000  }
0x9f: {  	[tilespmem:s23], [sflag:$0x2] =	stream.linear.gather [spmem:s19], $0x4000, $0x38;
	[tilespmem:$0x18980] =	vst v63  }
0xa0: {  	s29 =	sadd.s32 $0x1, s29;
	_ =	swait.ge [sflag:s24], $0x4000  }
0xa1: {  	p0 =	sne.s32 s29, s7;
	[sflag:s24] =	ssyncset.done $0x0  }
.Ltmp3:
0xa2: {  	[sflag:s24] =	ssyncadd.s32 $0xFFFFC000;
	(pc) =	sbr.rel @p0 .LBB2_1-.Ltmp3, $4  }
0xa3: {  	[hbm4b:s20+s3] =	stream.linear.scatter [tilespmem:s23], [sflag:$0x2], $0x4000, $0x38;
	[tilespmem:$0x18980] =	vst v63  }
0xa4: {  	_ =	swait.ge [sflag:s24], $0x4000  }
0xa5: {  	[sflag:s24] =	ssyncset.done $0x0  }
0xa6: {  	[sflag:s24] =	ssyncadd.s32 $0xFFFFC000  }
0xa7: {  	_ =	sfence.sel $0x180000  }
0xa8: {  	[bflag:$0x0] =	sbarrier.arrive $0xFFFF  }
0xa9: {  	_ =	strace $0x9000004D  }
0xaa: {  	[bflag:$0x2] =	sbarrier.arrive $0xFFFF  }
0xab: {  	p0 =	sne.s32 s1, $0x0;
	s0 =	rddreg [dreg:$0x2]  }
0xac: {  	s0 =	sadd.s32 @!p0 $0x100000, s0  }
0xad: {  	[sflag:s0] =	ssyncadd.tile.s32 @!p0 $0x1;
	_ =	shalt  }
.Lfunc_end2:
_tile_overlayer_lowered:
.L_overlay_start_2:
0xae: {  	(tag) =	ssettag $0x2  }
0xaf: {  	s0 =	rddreg [dreg:$0x0];
	s2 =	stileid.u32  }
0xb0: {  	s1 =	rddreg [dreg:$0x1];
	p0 =	sne.s32 s2, $0x0  }
0xb1: {  	s3 =	rddreg [dreg:$0x2];
	[bflag:$0x3] =	sbarrier.arrive $0xFFFF;
	s2 =	simm.s32 @!p0 $0x1C02  }
0xb2: {  	[timem:s3], [sflag:s2] =	dma.local @!p0 [hbm:s0], s1  }
0xb3: {  	s0 =	simm.s32 @!p0 $0x2  }
0xb4: {  	_ =	swait.ge @!p0 [sflag:s0], s1  }
0xb5: {  	s1 =	ssub.s32 @!p0 $0x0, s1;
	[sflag:s0] =	ssyncset.done @!p0 $0x0  }
0xb6: {  	[sflag:s0] =	ssyncadd.s32 @!p0 s1  }
0xb7: {  	[bflag:$0x3] =	sbarrier.arrive $0xFFFF  }
0xb8: {  	_ =	shalt  }

</sc_bundles>
